<compile_context>
chip_gen: v7x
topology: tpu7x:2x2x1
jax: 0.10.2.dev20260603
libtpu: 0.0.44.dev20260713+nightly
codegen_flags: <defaults>
</compile_context>

<pallas_src>
import functools

import jax
import jax.numpy as jnp
from jax import lax
from jax.experimental import pallas as pl
from jax.experimental.pallas import tpu as pltpu
from jax.experimental.pallas import tpu_sc as plsc

_DIM = 64
_NC = 2
_NS = 16
_NW = _NC * _NS

_SEG = 128
_L = 16


_BLK = 256


def _detile_kernel(n_rows_each: int, dim: int):
    n_blocks = n_rows_each // _BLK
    tail = n_rows_each - n_blocks * _BLK
    assert tail % _L == 0
    n_units = 2 * n_blocks
    per_tile = (n_units + _NW - 1) // _NW

    mesh = plsc.VectorSubcoreMesh(core_axis_name="c", subcore_axis_name="s")

    @functools.partial(
        pl.kernel,
        out_type=jax.ShapeDtypeStruct((2 * n_rows_each * dim,), jnp.float32),
        mesh=mesh,
        scratch_types=[
            pltpu.VMEM((dim, _BLK), jnp.float32),
            pltpu.VMEM((dim, _BLK), jnp.float32),
            pltpu.VMEM((_BLK * dim,), jnp.float32),
            pltpu.VMEM((_BLK * dim,), jnp.float32),
            pltpu.VMEM((dim, 32), jnp.float32),
            pltpu.SemaphoreType.DMA,
            pltpu.SemaphoreType.DMA,
        ],
        compiler_params=pltpu.CompilerParams(
            use_tc_tiling_on_sc=True, needs_layout_passes=False),
    )
    def k(ft_hbm, vt_hbm, out_hbm, blk0, blk1, stage0, stage1, blkt,
          sem_r, sem_w):
        wid = lax.axis_index("s") * _NC + lax.axis_index("c")
        iota64 = lax.iota(jnp.int32, _L) * dim

        def load(u, bk):
            t = (u >= n_blocks).astype(jnp.int32)
            j = u - t * n_blocks
            c0 = j * _BLK

            @pl.when(t == 0)
            def _():
                pltpu.async_copy(ft_hbm.at[:, pl.ds(c0, _BLK)], bk, sem_r)

            @pl.when(t == 1)
            def _():
                pltpu.async_copy(vt_hbm.at[:, pl.ds(c0, _BLK)], bk, sem_r)

        def wait_load(bk):
            pltpu.make_async_copy(
                ft_hbm.at[:, pl.ds(0, _BLK)], bk, sem_r).wait()

        iota = lax.iota(jnp.int32, _L)
        colrot = [(iota + su) & (_L - 1) for su in range(_L)]
        colrot64 = [cr * dim + iota for cr in colrot]

        def transpose_block(bk, st, ngroups):
            def lblk(lb, c):
                l0 = lb * _L
                lcol = [l0 + cr for cr in colrot]
                scol = [l0 * dim + c64 for c64 in colrot64]

                def dblk(db, c2):
                    d0 = db * _L
                    drow_idx = d0 + iota
                    for su in range(_L):
                        vals = plsc.load_gather(bk, [drow_idx, lcol[su]])
                        plsc.store_scatter(st, [scol[su] + d0], vals)
                    return c2

                return lax.fori_loop(0, dim // _L, dblk, c)

            lax.fori_loop(0, ngroups, lblk, 0)

        first = wid * per_tile
        limit = jnp.minimum(first + per_tile, n_units)

        @pl.when(first < limit)
        def _():
            load(first, blk0)

        bufs = ((blk0, stage0, blk1), (blk1, stage1, blk0))

        def body(i, carry):
            for sl in range(2):
                bk, st, nxt = bufs[sl]
                u = first + 2 * i + sl

                @pl.when(u < limit)
                def _(u=u, bk=bk, st=st, nxt=nxt):
                    wait_load(bk)

                    @pl.when(u + 1 < limit)
                    def _():
                        load(u + 1, nxt)

                    @pl.when(u - 2 >= first)
                    def _():
                        wait_write()

                    transpose_block(bk, st, _BLK // _L)

                    t = (u >= n_blocks).astype(jnp.int32)
                    j = u - t * n_blocks
                    row0 = t * n_rows_each + j * _BLK
                    pltpu.async_copy(
                        st, out_hbm.at[pl.ds(row0 * dim, _BLK * dim)],
                        sem_w)
            return carry

        def wait_write():
            pltpu.make_async_copy(
                stage0, out_hbm.at[pl.ds(0, _BLK * dim)], sem_w).wait()

        lax.fori_loop(0, (per_tile + 1) // 2, body, 0)

        n_mine = limit - first

        @pl.when(n_mine >= 2)
        def _():
            wait_write()

        @pl.when(n_mine >= 1)
        def _():
            wait_write()

        if tail:
            def transpose_tail():
                def lblk(lb, c):
                    l0 = lb * _L

                    def dblk(db, c2):
                        d0 = db * _L
                        drow_idx = d0 + iota
                        sbase = l0 * dim + d0
                        for su in range(_L):
                            vals = plsc.load_gather(
                                blkt, [drow_idx, l0 + colrot[su]])
                            plsc.store_scatter(
                                stage0, [sbase + colrot64[su]], vals)
                        return c2

                    return lax.fori_loop(0, dim // _L, dblk, c)

                lax.fori_loop(0, tail // _L, lblk, 0)

            def do_tail(src_hbm, t):
                c0 = n_blocks * _BLK
                pltpu.async_copy(
                    src_hbm.at[:, pl.ds(c0, tail)], blkt, sem_r).wait()
                transpose_tail()
                row0 = t * n_rows_each + c0
                pltpu.async_copy(
                    stage0.at[pl.ds(0, tail * dim)],
                    out_hbm.at[pl.ds(row0 * dim, tail * dim)],
                    sem_w).wait()

            @pl.when(wid == _NW - 2)
            def _():
                do_tail(ft_hbm, 0)

            @pl.when(wid == _NW - 1)
            def _():
                do_tail(vt_hbm, 1)

    return k


def _gather_kernel(n_idx: int, vocab: int, dim: int):
    k_per_w = n_idx // _NW
    assert k_per_w * _NW == n_idx and k_per_w % _SEG == 0
    n_groups = k_per_w // _L

    mesh = plsc.VectorSubcoreMesh(core_axis_name="c", subcore_axis_name="s")

    @functools.partial(
        pl.kernel,
        out_type=jax.ShapeDtypeStruct((2 * n_idx, dim), jnp.float32),
        mesh=mesh,
        scratch_types=[
            pltpu.VMEM((k_per_w,), jnp.int32),
            pltpu.VMEM((k_per_w,), jnp.int32),
            pltpu.VMEM((2, _SEG, dim), jnp.float32),
            pltpu.SemaphoreType.DMA,
            pltpu.SemaphoreType.DMA,
            pltpu.SemaphoreType.DMA,
        ],
        compiler_params=pltpu.CompilerParams(
            use_tc_tiling_on_sc=False, needs_layout_passes=False),
    )
    def k(table_hbm, idx_hbm, out_hbm,
          idx_v, pos_v, rows, sem_i, sem_g, sem_s):
        wid = lax.axis_index("s") * _NC + lax.axis_index("c")
        base = wid * k_per_w
        pltpu.async_copy(idx_hbm.at[pl.ds(base, k_per_w)], idx_v, sem_i).wait()

        iota = lax.iota(jnp.int32, _L)

        def pos_body(g, c):
            pos_v[pl.ds(g * _L, _L)] = 2 * ((base + g * _L) + iota)
            return c

        lax.fori_loop(0, n_groups, pos_body, 0)

        n_seg = k_per_w // _SEG

        def gather(s):
            return pltpu.make_async_copy(
                table_hbm.at[idx_v.at[pl.ds(s * _SEG, _SEG)]],
                rows.at[s % 2], sem_g)

        gather(jnp.int32(0)).start()

        def body(s, carry):
            gather(s).wait()

            @pl.when(s + 1 < n_seg)
            def _():
                gather(s + 1).start()

            pltpu.async_copy(
                rows.at[s % 2],
                out_hbm.at[pos_v.at[pl.ds(s * _SEG, _SEG)]], sem_s).wait()
            return carry

        lax.fori_loop(0, n_seg, body, 0)

    return k


def kernel(inputs, fixed_w, var_w):
    b, h = inputs.shape
    n_idx = b * h
    n_fixed = fixed_w.shape[0]
    vocab = n_fixed + var_w.shape[0]
    idx1d = inputs.reshape(n_idx).astype(jnp.int32)
    flat = _detile_kernel(n_fixed, _DIM)(fixed_w.T, var_w.T)
    table = flat.reshape(vocab, _DIM)
    out3 = _gather_kernel(n_idx, vocab, _DIM)(table, idx1d)
    return out3.reshape(n_idx, 2 * _DIM)[:, :_DIM].reshape(b, h, _DIM)

# --- scband reference (transcript-rebuilt; emitter-appended) ---
"""Pipeline reference for scband-embedding2-36953898615412 (READ-ONLY COPY).

The authoritative reference and input builder live on the scoring server;
editing this copy changes nothing except your own understanding.
"""

import jax, jax.numpy as jnp
import numpy as np

VOCAB = 1000000
DIM = 64
N_FIXED = 500000  # split of table into fixed (non-trainable) and variable (trainable) rows
BATCH = 4096
HIST = 200


def setup_inputs(seed: int = 0) -> dict:
    key = jax.random.key(seed)
    k1, k2, k3 = jax.random.split(key, 3)
    indices = jax.random.randint(k1, (BATCH, HIST), 0, VOCAB, dtype=jnp.int32)
    fixed_w = jax.random.normal(k2, (N_FIXED, DIM), dtype=jnp.float32) * 0.05
    var_w = jax.random.normal(k3, (VOCAB - N_FIXED, DIM), dtype=jnp.float32) * 0.05
    return {"inputs": indices, "fixed_w": fixed_w, "var_w": var_w}


def reference(inputs, fixed_w, var_w):
    # Faithful to Embedding2.call: embeddings = concat([fixed, variable], axis=0); out = gather(embeddings, inputs)
    idx = inputs.astype(jnp.int32)
    embeddings = jnp.concatenate([fixed_w, var_w], axis=0)
    out = jnp.take(embeddings, idx, axis=0)
    return out

if __name__ == "__main__":
    import jax
    _d = setup_inputs()
    print(jax.jit(kernel)(*tuple(_d.values())))

</pallas_src>

<mosaic_0001>
#map = affine_map<(d0, d1) -> (0, 0)>
#map1 = affine_map<(d0, d1) -> (0)>
module attributes {stable_mosaic.version = 14 : i64} {
  func.func @k(%arg0: i32, %arg1: i32, %arg2: memref<64x500000xf32, #tpu.memory_space<hbm>>, %arg3: memref<64x500000xf32, #tpu.memory_space<hbm>>, %arg4: memref<64000000xf32, #tpu.memory_space<hbm>>, %arg5: memref<64x256xf32, #tpu.memory_space<vmem>>, %arg6: memref<64x256xf32, #tpu.memory_space<vmem>>, %arg7: memref<16384xf32, #tpu.memory_space<vmem>>, %arg8: memref<16384xf32, #tpu.memory_space<vmem>>, %arg9: memref<64x32xf32, #tpu.memory_space<vmem>>, %arg10: memref<!tpu.dma_semaphore, #tpu.memory_space<semaphore_mem>>, %arg11: memref<!tpu.dma_semaphore, #tpu.memory_space<semaphore_mem>>) attributes {dimension_semantics = [#tpu.dimension_semantics<core_parallel>, #tpu.dimension_semantics<subcore_parallel>], iteration_bounds = array<i64: 2, 16>, scalar_prefetch = 0 : i64, scratch_operands = 7 : i64, tpu.core_type = #tpu.core_type<sc_vector_subcore>, window_params = [{transform_indices = #map}, {transform_indices = #map}, {transform_indices = #map1}]} {
    %mul3A = arith.constant 2 : i32
    %mul3A_0 = arith.muli %arg1, %mul3A : i32
    %add3A = arith.addi %mul3A_0, %arg0 : i32
    %iota3A = tpu.iota {dimensions = array<i32: 0>} : vector<16xi32>
    %mul3A_1 = arith.constant 64 : i32
    %mul3A_2 = vector.broadcast %mul3A_1 : i32 to vector<16xi32>
    %mul3A_3 = arith.muli %iota3A, %mul3A_2 : vector<16xi32>
    %iota3A_4 = tpu.iota {dimensions = array<i32: 0>} : vector<16xi32>
    %add3A_5 = arith.constant 0 : i32
    %add3A_6 = vector.broadcast %add3A_5 : i32 to vector<16xi32>
    %add3A_7 = arith.addi %iota3A_4, %add3A_6 : vector<16xi32>
    %and3A = arith.constant 15 : i32
    %and3A_8 = vector.broadcast %and3A : i32 to vector<16xi32>
    %and3A_9 = arith.andi %add3A_7, %and3A_8 : vector<16xi32>
    %add3A_10 = arith.constant 1 : i32
    %add3A_11 = vector.broadcast %add3A_10 : i32 to vector<16xi32>
    %add3A_12 = arith.addi %iota3A_4, %add3A_11 : vector<16xi32>
    %and3A_13 = arith.constant 15 : i32
    %and3A_14 = vector.broadcast %and3A_13 : i32 to vector<16xi32>
    %and3A_15 = arith.andi %add3A_12, %and3A_14 : vector<16xi32>
    %add3A_16 = arith.constant 2 : i32
    %add3A_17 = vector.broadcast %add3A_16 : i32 to vector<16xi32>
    %add3A_18 = arith.addi %iota3A_4, %add3A_17 : vector<16xi32>
    %and3A_19 = arith.constant 15 : i32
    %and3A_20 = vector.broadcast %and3A_19 : i32 to vector<16xi32>
    %and3A_21 = arith.andi %add3A_18, %and3A_20 : vector<16xi32>
    %add3A_22 = arith.constant 3 : i32
    %add3A_23 = vector.broadcast %add3A_22 : i32 to vector<16xi32>
    %add3A_24 = arith.addi %iota3A_4, %add3A_23 : vector<16xi32>
    %and3A_25 = arith.constant 15 : i32
    %and3A_26 = vector.broadcast %and3A_25 : i32 to vector<16xi32>
    %and3A_27 = arith.andi %add3A_24, %and3A_26 : vector<16xi32>
    %add3A_28 = arith.constant 4 : i32
    %add3A_29 = vector.broadcast %add3A_28 : i32 to vector<16xi32>
    %add3A_30 = arith.addi %iota3A_4, %add3A_29 : vector<16xi32>
    %and3A_31 = arith.constant 15 : i32
    %and3A_32 = vector.broadcast %and3A_31 : i32 to vector<16xi32>
    %and3A_33 = arith.andi %add3A_30, %and3A_32 : vector<16xi32>
    %add3A_34 = arith.constant 5 : i32
    %add3A_35 = vector.broadcast %add3A_34 : i32 to vector<16xi32>
    %add3A_36 = arith.addi %iota3A_4, %add3A_35 : vector<16xi32>
    %and3A_37 = arith.constant 15 : i32
    %and3A_38 = vector.broadcast %and3A_37 : i32 to vector<16xi32>
    %and3A_39 = arith.andi %add3A_36, %and3A_38 : vector<16xi32>
    %add3A_40 = arith.constant 6 : i32
    %add3A_41 = vector.broadcast %add3A_40 : i32 to vector<16xi32>
    %add3A_42 = arith.addi %iota3A_4, %add3A_41 : vector<16xi32>
    %and3A_43 = arith.constant 15 : i32
    %and3A_44 = vector.broadcast %and3A_43 : i32 to vector<16xi32>
    %and3A_45 = arith.andi %add3A_42, %and3A_44 : vector<16xi32>
    %add3A_46 = arith.constant 7 : i32
    %add3A_47 = vector.broadcast %add3A_46 : i32 to vector<16xi32>
    %add3A_48 = arith.addi %iota3A_4, %add3A_47 : vector<16xi32>
    %and3A_49 = arith.constant 15 : i32
    %and3A_50 = vector.broadcast %and3A_49 : i32 to vector<16xi32>
    %and3A_51 = arith.andi %add3A_48, %and3A_50 : vector<16xi32>
    %add3A_52 = arith.constant 8 : i32
    %add3A_53 = vector.broadcast %add3A_52 : i32 to vector<16xi32>
    %add3A_54 = arith.addi %iota3A_4, %add3A_53 : vector<16xi32>
    %and3A_55 = arith.constant 15 : i32
    %and3A_56 = vector.broadcast %and3A_55 : i32 to vector<16xi32>
    %and3A_57 = arith.andi %add3A_54, %and3A_56 : vector<16xi32>
    %add3A_58 = arith.constant 9 : i32
    %add3A_59 = vector.broadcast %add3A_58 : i32 to vector<16xi32>
    %add3A_60 = arith.addi %iota3A_4, %add3A_59 : vector<16xi32>
    %and3A_61 = arith.constant 15 : i32
    %and3A_62 = vector.broadcast %and3A_61 : i32 to vector<16xi32>
    %and3A_63 = arith.andi %add3A_60, %and3A_62 : vector<16xi32>
    %add3A_64 = arith.constant 10 : i32
    %add3A_65 = vector.broadcast %add3A_64 : i32 to vector<16xi32>
    %add3A_66 = arith.addi %iota3A_4, %add3A_65 : vector<16xi32>
    %and3A_67 = arith.constant 15 : i32
    %and3A_68 = vector.broadcast %and3A_67 : i32 to vector<16xi32>
    %and3A_69 = arith.andi %add3A_66, %and3A_68 : vector<16xi32>
    %add3A_70 = arith.constant 11 : i32
    %add3A_71 = vector.broadcast %add3A_70 : i32 to vector<16xi32>
    %add3A_72 = arith.addi %iota3A_4, %add3A_71 : vector<16xi32>
    %and3A_73 = arith.constant 15 : i32
    %and3A_74 = vector.broadcast %and3A_73 : i32 to vector<16xi32>
    %and3A_75 = arith.andi %add3A_72, %and3A_74 : vector<16xi32>
    %add3A_76 = arith.constant 12 : i32
    %add3A_77 = vector.broadcast %add3A_76 : i32 to vector<16xi32>
    %add3A_78 = arith.addi %iota3A_4, %add3A_77 : vector<16xi32>
    %and3A_79 = arith.constant 15 : i32
    %and3A_80 = vector.broadcast %and3A_79 : i32 to vector<16xi32>
    %and3A_81 = arith.andi %add3A_78, %and3A_80 : vector<16xi32>
    %add3A_82 = arith.constant 13 : i32
    %add3A_83 = vector.broadcast %add3A_82 : i32 to vector<16xi32>
    %add3A_84 = arith.addi %iota3A_4, %add3A_83 : vector<16xi32>
    %and3A_85 = arith.constant 15 : i32
    %and3A_86 = vector.broadcast %and3A_85 : i32 to vector<16xi32>
    %and3A_87 = arith.andi %add3A_84, %and3A_86 : vector<16xi32>
    %add3A_88 = arith.constant 14 : i32
    %add3A_89 = vector.broadcast %add3A_88 : i32 to vector<16xi32>
    %add3A_90 = arith.addi %iota3A_4, %add3A_89 : vector<16xi32>
    %and3A_91 = arith.constant 15 : i32
    %and3A_92 = vector.broadcast %and3A_91 : i32 to vector<16xi32>
    %and3A_93 = arith.andi %add3A_90, %and3A_92 : vector<16xi32>
    %add3A_94 = arith.constant 15 : i32
    %add3A_95 = vector.broadcast %add3A_94 : i32 to vector<16xi32>
    %add3A_96 = arith.addi %iota3A_4, %add3A_95 : vector<16xi32>
    %and3A_97 = arith.constant 15 : i32
    %and3A_98 = vector.broadcast %and3A_97 : i32 to vector<16xi32>
    %and3A_99 = arith.andi %add3A_96, %and3A_98 : vector<16xi32>
    %mul3A_100 = arith.constant 64 : i32
    %mul3A_101 = vector.broadcast %mul3A_100 : i32 to vector<16xi32>
    %mul3A_102 = arith.muli %and3A_9, %mul3A_101 : vector<16xi32>
    %add3A_103 = arith.addi %mul3A_102, %iota3A_4 : vector<16xi32>
    %mul3A_104 = arith.constant 64 : i32
    %mul3A_105 = vector.broadcast %mul3A_104 : i32 to vector<16xi32>
    %mul3A_106 = arith.muli %and3A_15, %mul3A_105 : vector<16xi32>
    %add3A_107 = arith.addi %mul3A_106, %iota3A_4 : vector<16xi32>
    %mul3A_108 = arith.constant 64 : i32
    %mul3A_109 = vector.broadcast %mul3A_108 : i32 to vector<16xi32>
    %mul3A_110 = arith.muli %and3A_21, %mul3A_109 : vector<16xi32>
    %add3A_111 = arith.addi %mul3A_110, %iota3A_4 : vector<16xi32>
    %mul3A_112 = arith.constant 64 : i32
    %mul3A_113 = vector.broadcast %mul3A_112 : i32 to vector<16xi32>
    %mul3A_114 = arith.muli %and3A_27, %mul3A_113 : vector<16xi32>
    %add3A_115 = arith.addi %mul3A_114, %iota3A_4 : vector<16xi32>
    %mul3A_116 = arith.constant 64 : i32
    %mul3A_117 = vector.broadcast %mul3A_116 : i32 to vector<16xi32>
    %mul3A_118 = arith.muli %and3A_33, %mul3A_117 : vector<16xi32>
    %add3A_119 = arith.addi %mul3A_118, %iota3A_4 : vector<16xi32>
    %mul3A_120 = arith.constant 64 : i32
    %mul3A_121 = vector.broadcast %mul3A_120 : i32 to vector<16xi32>
    %mul3A_122 = arith.muli %and3A_39, %mul3A_121 : vector<16xi32>
    %add3A_123 = arith.addi %mul3A_122, %iota3A_4 : vector<16xi32>
    %mul3A_124 = arith.constant 64 : i32
    %mul3A_125 = vector.broadcast %mul3A_124 : i32 to vector<16xi32>
    %mul3A_126 = arith.muli %and3A_45, %mul3A_125 : vector<16xi32>
    %add3A_127 = arith.addi %mul3A_126, %iota3A_4 : vector<16xi32>
    %mul3A_128 = arith.constant 64 : i32
    %mul3A_129 = vector.broadcast %mul3A_128 : i32 to vector<16xi32>
    %mul3A_130 = arith.muli %and3A_51, %mul3A_129 : vector<16xi32>
    %add3A_131 = arith.addi %mul3A_130, %iota3A_4 : vector<16xi32>
    %mul3A_132 = arith.constant 64 : i32
    %mul3A_133 = vector.broadcast %mul3A_132 : i32 to vector<16xi32>
    %mul3A_134 = arith.muli %and3A_57, %mul3A_133 : vector<16xi32>
    %add3A_135 = arith.addi %mul3A_134, %iota3A_4 : vector<16xi32>
    %mul3A_136 = arith.constant 64 : i32
    %mul3A_137 = vector.broadcast %mul3A_136 : i32 to vector<16xi32>
    %mul3A_138 = arith.muli %and3A_63, %mul3A_137 : vector<16xi32>
    %add3A_139 = arith.addi %mul3A_138, %iota3A_4 : vector<16xi32>
    %mul3A_140 = arith.constant 64 : i32
    %mul3A_141 = vector.broadcast %mul3A_140 : i32 to vector<16xi32>
    %mul3A_142 = arith.muli %and3A_69, %mul3A_141 : vector<16xi32>
    %add3A_143 = arith.addi %mul3A_142, %iota3A_4 : vector<16xi32>
    %mul3A_144 = arith.constant 64 : i32
    %mul3A_145 = vector.broadcast %mul3A_144 : i32 to vector<16xi32>
    %mul3A_146 = arith.muli %and3A_75, %mul3A_145 : vector<16xi32>
    %add3A_147 = arith.addi %mul3A_146, %iota3A_4 : vector<16xi32>
    %mul3A_148 = arith.constant 64 : i32
    %mul3A_149 = vector.broadcast %mul3A_148 : i32 to vector<16xi32>
    %mul3A_150 = arith.muli %and3A_81, %mul3A_149 : vector<16xi32>
    %add3A_151 = arith.addi %mul3A_150, %iota3A_4 : vector<16xi32>
    %mul3A_152 = arith.constant 64 : i32
    %mul3A_153 = vector.broadcast %mul3A_152 : i32 to vector<16xi32>
    %mul3A_154 = arith.muli %and3A_87, %mul3A_153 : vector<16xi32>
    %add3A_155 = arith.addi %mul3A_154, %iota3A_4 : vector<16xi32>
    %mul3A_156 = arith.constant 64 : i32
    %mul3A_157 = vector.broadcast %mul3A_156 : i32 to vector<16xi32>
    %mul3A_158 = arith.muli %and3A_93, %mul3A_157 : vector<16xi32>
    %add3A_159 = arith.addi %mul3A_158, %iota3A_4 : vector<16xi32>
    %mul3A_160 = arith.constant 64 : i32
    %mul3A_161 = vector.broadcast %mul3A_160 : i32 to vector<16xi32>
    %mul3A_162 = arith.muli %and3A_99, %mul3A_161 : vector<16xi32>
    %add3A_163 = arith.addi %mul3A_162, %iota3A_4 : vector<16xi32>
    %mul3A_164 = arith.constant 123 : i32
    %mul3A_165 = arith.muli %add3A, %mul3A_164 : i32
    %add3A_166 = arith.constant 123 : i32
    %add3A_167 = arith.addi %mul3A_165, %add3A_166 : i32
    %min3A = arith.constant 3906 : i32
    %min3A_168 = arith.minsi %add3A_167, %min3A : i32
    %lt3A = arith.cmpi slt, %mul3A_165, %min3A_168 : i32
    %convert_element_type3A = arith.extui %lt3A : i1 to i32
    %cond3A = arith.constant 0 : i32
    %cond3A_169 = arith.cmpi ne, %convert_element_type3A, %cond3A : i32
    scf.if %cond3A_169 {
      %ge3A_193 = arith.constant 1953 : i32
      %ge3A_194 = arith.cmpi sge, %mul3A_165, %ge3A_193 : i32
      %convert_element_type3A_195 = arith.extui %ge3A_194 : i1 to i32
      %mul3A_196 = arith.constant 1953 : i32
      %mul3A_197 = arith.muli %convert_element_type3A_195, %mul3A_196 : i32
      %sub3A_198 = arith.subi %mul3A_165, %mul3A_197 : i32
      %mul3A_199 = arith.constant 256 : i32
      %mul3A_200 = arith.muli %sub3A_198, %mul3A_199 : i32
      %eq3A_201 = arith.constant 0 : i32
      %eq3A_202 = arith.cmpi eq, %convert_element_type3A_195, %eq3A_201 : i32
      %convert_element_type3A_203 = arith.extui %eq3A_202 : i1 to i32
      %cond3A_204 = arith.constant 0 : i32
      %cond3A_205 = arith.cmpi ne, %convert_element_type3A_203, %cond3A_204 : i32
      scf.if %cond3A_205 {
        %dma_start3A = arith.constant 0 : i32
        %dma_start3A_211 = tpu.memref_slice %arg2[%dma_start3A, %mul3A_200] : memref<64x500000xf32, #tpu.memory_space<hbm>> -> memref<64x256xf32, #tpu.memory_space<hbm>>
        %dma_start3A_212 = arith.constant 0 : i32
        %dma_start3A_213 = tpu.memref_slice %arg2[%dma_start3A_212, %mul3A_200] : memref<64x500000xf32, #tpu.memory_space<hbm>> -> memref<64x256xf32, #tpu.memory_space<hbm>>
        tpu.enqueue_dma source(%dma_start3A_213 : memref<64x256xf32, #tpu.memory_space<hbm>>) target(%arg5 : memref<64x256xf32, #tpu.memory_space<vmem>>) target_semaphore(%arg10 : memref<!tpu.dma_semaphore, #tpu.memory_space<semaphore_mem>>)
      } else {
      }
      %eq3A_206 = arith.constant 1 : i32
      %eq3A_207 = arith.cmpi eq, %convert_element_type3A_195, %eq3A_206 : i32
      %convert_element_type3A_208 = arith.extui %eq3A_207 : i1 to i32
      %cond3A_209 = arith.constant 0 : i32
      %cond3A_210 = arith.cmpi ne, %convert_element_type3A_208, %cond3A_209 : i32
      scf.if %cond3A_210 {
        %dma_start3A = arith.constant 0 : i32
        %dma_start3A_211 = tpu.memref_slice %arg3[%dma_start3A, %mul3A_200] : memref<64x500000xf32, #tpu.memory_space<hbm>> -> memref<64x256xf32, #tpu.memory_space<hbm>>
        %dma_start3A_212 = arith.constant 0 : i32
        %dma_start3A_213 = tpu.memref_slice %arg3[%dma_start3A_212, %mul3A_200] : memref<64x500000xf32, #tpu.memory_space<hbm>> -> memref<64x256xf32, #tpu.memory_space<hbm>>
        tpu.enqueue_dma source(%dma_start3A_213 : memref<64x256xf32, #tpu.memory_space<hbm>>) target(%arg5 : memref<64x256xf32, #tpu.memory_space<vmem>>) target_semaphore(%arg10 : memref<!tpu.dma_semaphore, #tpu.memory_space<semaphore_mem>>)
      } else {
      }
    } else {
    }
    %scan3A = arith.constant 0 : i32
    %scan3A_170 = arith.constant 0 : i32
    %scan3A_171 = arith.constant 62 : i32
    %scan3A_172 = arith.addi %scan3A_170, %scan3A_171 : i32
    %scan3A_173 = arith.constant 1 : i32
    scf.for %scan3A_193 = %scan3A_170 to %scan3A_172 step %scan3A_173  : i32 {
      %mul3A_194 = arith.constant 2 : i32
      %mul3A_195 = arith.muli %mul3A_194, %scan3A_193 : i32
      %add3A_196 = arith.addi %mul3A_165, %mul3A_195 : i32
      %add3A_197 = arith.constant 0 : i32
      %add3A_198 = arith.addi %add3A_196, %add3A_197 : i32
      %lt3A_199 = arith.cmpi slt, %add3A_198, %min3A_168 : i32
      %convert_element_type3A_200 = arith.extui %lt3A_199 : i1 to i32
      %cond3A_201 = arith.constant 0 : i32
      %cond3A_202 = arith.cmpi ne, %convert_element_type3A_200, %cond3A_201 : i32
      scf.if %cond3A_202 {
        %dma_wait3A = arith.constant 0 : i32
        %dma_wait3A_212 = arith.constant 0 : i32
        %dma_wait3A_213 = tpu.memref_slice %arg2[%dma_wait3A, %dma_wait3A_212] : memref<64x500000xf32, #tpu.memory_space<hbm>> -> memref<64x256xf32, #tpu.memory_space<hbm>>
        %dma_wait3A_214 = arith.constant 0 : i32
        %dma_wait3A_215 = arith.constant 0 : i32
        %dma_wait3A_216 = tpu.memref_slice %arg2[%dma_wait3A_214, %dma_wait3A_215] : memref<64x500000xf32, #tpu.memory_space<hbm>> -> memref<64x256xf32, #tpu.memory_space<hbm>>
        tpu.wait_dma2 semaphore(%arg10 : memref<!tpu.dma_semaphore, #tpu.memory_space<semaphore_mem>>) src(%dma_wait3A_216 : memref<64x256xf32, #tpu.memory_space<hbm>>) dst(%arg5 : memref<64x256xf32, #tpu.memory_space<vmem>>)
        %add3A_217 = arith.constant 1 : i32
        %add3A_218 = arith.addi %add3A_198, %add3A_217 : i32
        %lt3A_219 = arith.cmpi slt, %add3A_218, %min3A_168 : i32
        %convert_element_type3A_220 = arith.extui %lt3A_219 : i1 to i32
        %cond3A_221 = arith.constant 0 : i32
        %cond3A_222 = arith.cmpi ne, %convert_element_type3A_220, %cond3A_221 : i32
        scf.if %cond3A_222 {
          %add3A_249 = arith.constant 1 : i32
          %add3A_250 = arith.addi %add3A_198, %add3A_249 : i32
          %ge3A_251 = arith.constant 1953 : i32
          %ge3A_252 = arith.cmpi sge, %add3A_250, %ge3A_251 : i32
          %convert_element_type3A_253 = arith.extui %ge3A_252 : i1 to i32
          %mul3A_254 = arith.constant 1953 : i32
          %mul3A_255 = arith.muli %convert_element_type3A_253, %mul3A_254 : i32
          %sub3A_256 = arith.subi %add3A_250, %mul3A_255 : i32
          %mul3A_257 = arith.constant 256 : i32
          %mul3A_258 = arith.muli %sub3A_256, %mul3A_257 : i32
          %eq3A_259 = arith.constant 0 : i32
          %eq3A_260 = arith.cmpi eq, %convert_element_type3A_253, %eq3A_259 : i32
          %convert_element_type3A_261 = arith.extui %eq3A_260 : i1 to i32
          %cond3A_262 = arith.constant 0 : i32
          %cond3A_263 = arith.cmpi ne, %convert_element_type3A_261, %cond3A_262 : i32
          scf.if %cond3A_263 {
            %dma_start3A_269 = arith.constant 0 : i32
            %dma_start3A_270 = tpu.memref_slice %arg2[%dma_start3A_269, %mul3A_258] : memref<64x500000xf32, #tpu.memory_space<hbm>> -> memref<64x256xf32, #tpu.memory_space<hbm>>
            %dma_start3A_271 = arith.constant 0 : i32
            %dma_start3A_272 = tpu.memref_slice %arg2[%dma_start3A_271, %mul3A_258] : memref<64x500000xf32, #tpu.memory_space<hbm>> -> memref<64x256xf32, #tpu.memory_space<hbm>>
            tpu.enqueue_dma source(%dma_start3A_272 : memref<64x256xf32, #tpu.memory_space<hbm>>) target(%arg6 : memref<64x256xf32, #tpu.memory_space<vmem>>) target_semaphore(%arg10 : memref<!tpu.dma_semaphore, #tpu.memory_space<semaphore_mem>>)
          } else {
          }
          %eq3A_264 = arith.constant 1 : i32
          %eq3A_265 = arith.cmpi eq, %convert_element_type3A_253, %eq3A_264 : i32
          %convert_element_type3A_266 = arith.extui %eq3A_265 : i1 to i32
          %cond3A_267 = arith.constant 0 : i32
          %cond3A_268 = arith.cmpi ne, %convert_element_type3A_266, %cond3A_267 : i32
          scf.if %cond3A_268 {
            %dma_start3A_269 = arith.constant 0 : i32
            %dma_start3A_270 = tpu.memref_slice %arg3[%dma_start3A_269, %mul3A_258] : memref<64x500000xf32, #tpu.memory_space<hbm>> -> memref<64x256xf32, #tpu.memory_space<hbm>>
            %dma_start3A_271 = arith.constant 0 : i32
            %dma_start3A_272 = tpu.memref_slice %arg3[%dma_start3A_271, %mul3A_258] : memref<64x500000xf32, #tpu.memory_space<hbm>> -> memref<64x256xf32, #tpu.memory_space<hbm>>
            tpu.enqueue_dma source(%dma_start3A_272 : memref<64x256xf32, #tpu.memory_space<hbm>>) target(%arg6 : memref<64x256xf32, #tpu.memory_space<vmem>>) target_semaphore(%arg10 : memref<!tpu.dma_semaphore, #tpu.memory_space<semaphore_mem>>)
          } else {
          }
        } else {
        }
        %sub3A_223 = arith.constant 2 : i32
        %sub3A_224 = arith.subi %add3A_198, %sub3A_223 : i32
        %ge3A_225 = arith.cmpi sge, %sub3A_224, %mul3A_165 : i32
        %convert_element_type3A_226 = arith.extui %ge3A_225 : i1 to i32
        %cond3A_227 = arith.constant 0 : i32
        %cond3A_228 = arith.cmpi ne, %convert_element_type3A_226, %cond3A_227 : i32
        scf.if %cond3A_228 {
          %dma_wait3A_249 = arith.constant 0 : i32
          %dma_wait3A_250 = tpu.memref_slice %arg4[%dma_wait3A_249] : memref<64000000xf32, #tpu.memory_space<hbm>> -> memref<16384xf32, #tpu.memory_space<hbm>>
          %dma_wait3A_251 = arith.constant 0 : i32
          %dma_wait3A_252 = tpu.memref_slice %arg4[%dma_wait3A_251] : memref<64000000xf32, #tpu.memory_space<hbm>> -> memref<16384xf32, #tpu.memory_space<hbm>>
          tpu.wait_dma2 semaphore(%arg11 : memref<!tpu.dma_semaphore, #tpu.memory_space<semaphore_mem>>) src(%arg7 : memref<16384xf32, #tpu.memory_space<vmem>>) dst(%dma_wait3A_252 : memref<16384xf32, #tpu.memory_space<hbm>>)
        } else {
        }
        %scan3A_229 = arith.constant 0 : i32
        %scan3A_230 = arith.constant 0 : i32
        %scan3A_231 = arith.constant 16 : i32
        %scan3A_232 = arith.addi %scan3A_230, %scan3A_231 : i32
        %scan3A_233 = arith.constant 1 : i32
        scf.for %scan3A_249 = %scan3A_230 to %scan3A_232 step %scan3A_233  : i32 {
          %mul3A_250 = arith.constant 16 : i32
          %mul3A_251 = arith.muli %scan3A_249, %mul3A_250 : i32
          %add3A_252 = vector.broadcast %mul3A_251 : i32 to vector<16xi32>
          %add3A_253 = arith.addi %add3A_252, %and3A_9 : vector<16xi32>
          %add3A_254 = vector.broadcast %mul3A_251 : i32 to vector<16xi32>
          %add3A_255 = arith.addi %add3A_254, %and3A_15 : vector<16xi32>
          %add3A_256 = vector.broadcast %mul3A_251 : i32 to vector<16xi32>
          %add3A_257 = arith.addi %add3A_256, %and3A_21 : vector<16xi32>
          %add3A_258 = vector.broadcast %mul3A_251 : i32 to vector<16xi32>
          %add3A_259 = arith.addi %add3A_258, %and3A_27 : vector<16xi32>
          %add3A_260 = vector.broadcast %mul3A_251 : i32 to vector<16xi32>
          %add3A_261 = arith.addi %add3A_260, %and3A_33 : vector<16xi32>
          %add3A_262 = vector.broadcast %mul3A_251 : i32 to vector<16xi32>
          %add3A_263 = arith.addi %add3A_262, %and3A_39 : vector<16xi32>
          %add3A_264 = vector.broadcast %mul3A_251 : i32 to vector<16xi32>
          %add3A_265 = arith.addi %add3A_264, %and3A_45 : vector<16xi32>
          %add3A_266 = vector.broadcast %mul3A_251 : i32 to vector<16xi32>
          %add3A_267 = arith.addi %add3A_266, %and3A_51 : vector<16xi32>
          %add3A_268 = vector.broadcast %mul3A_251 : i32 to vector<16xi32>
          %add3A_269 = arith.addi %add3A_268, %and3A_57 : vector<16xi32>
          %add3A_270 = vector.broadcast %mul3A_251 : i32 to vector<16xi32>
          %add3A_271 = arith.addi %add3A_270, %and3A_63 : vector<16xi32>
          %add3A_272 = vector.broadcast %mul3A_251 : i32 to vector<16xi32>
          %add3A_273 = arith.addi %add3A_272, %and3A_69 : vector<16xi32>
          %add3A_274 = vector.broadcast %mul3A_251 : i32 to vector<16xi32>
          %add3A_275 = arith.addi %add3A_274, %and3A_75 : vector<16xi32>
          %add3A_276 = vector.broadcast %mul3A_251 : i32 to vector<16xi32>
          %add3A_277 = arith.addi %add3A_276, %and3A_81 : vector<16xi32>
          %add3A_278 = vector.broadcast %mul3A_251 : i32 to vector<16xi32>
          %add3A_279 = arith.addi %add3A_278, %and3A_87 : vector<16xi32>
          %add3A_280 = vector.broadcast %mul3A_251 : i32 to vector<16xi32>
          %add3A_281 = arith.addi %add3A_280, %and3A_93 : vector<16xi32>
          %add3A_282 = vector.broadcast %mul3A_251 : i32 to vector<16xi32>
          %add3A_283 = arith.addi %add3A_282, %and3A_99 : vector<16xi32>
          %mul3A_284 = arith.constant 64 : i32
          %mul3A_285 = arith.muli %mul3A_251, %mul3A_284 : i32
          %add3A_286 = vector.broadcast %mul3A_285 : i32 to vector<16xi32>
          %add3A_287 = arith.addi %add3A_286, %add3A_103 : vector<16xi32>
          %mul3A_288 = arith.constant 64 : i32
          %mul3A_289 = arith.muli %mul3A_251, %mul3A_288 : i32
          %add3A_290 = vector.broadcast %mul3A_289 : i32 to vector<16xi32>
          %add3A_291 = arith.addi %add3A_290, %add3A_107 : vector<16xi32>
          %mul3A_292 = arith.constant 64 : i32
          %mul3A_293 = arith.muli %mul3A_251, %mul3A_292 : i32
          %add3A_294 = vector.broadcast %mul3A_293 : i32 to vector<16xi32>
          %add3A_295 = arith.addi %add3A_294, %add3A_111 : vector<16xi32>
          %mul3A_296 = arith.constant 64 : i32
          %mul3A_297 = arith.muli %mul3A_251, %mul3A_296 : i32
          %add3A_298 = vector.broadcast %mul3A_297 : i32 to vector<16xi32>
          %add3A_299 = arith.addi %add3A_298, %add3A_115 : vector<16xi32>
          %mul3A_300 = arith.constant 64 : i32
          %mul3A_301 = arith.muli %mul3A_251, %mul3A_300 : i32
          %add3A_302 = vector.broadcast %mul3A_301 : i32 to vector<16xi32>
          %add3A_303 = arith.addi %add3A_302, %add3A_119 : vector<16xi32>
          %mul3A_304 = arith.constant 64 : i32
          %mul3A_305 = arith.muli %mul3A_251, %mul3A_304 : i32
          %add3A_306 = vector.broadcast %mul3A_305 : i32 to vector<16xi32>
          %add3A_307 = arith.addi %add3A_306, %add3A_123 : vector<16xi32>
          %mul3A_308 = arith.constant 64 : i32
          %mul3A_309 = arith.muli %mul3A_251, %mul3A_308 : i32
          %add3A_310 = vector.broadcast %mul3A_309 : i32 to vector<16xi32>
          %add3A_311 = arith.addi %add3A_310, %add3A_127 : vector<16xi32>
          %mul3A_312 = arith.constant 64 : i32
          %mul3A_313 = arith.muli %mul3A_251, %mul3A_312 : i32
          %add3A_314 = vector.broadcast %mul3A_313 : i32 to vector<16xi32>
          %add3A_315 = arith.addi %add3A_314, %add3A_131 : vector<16xi32>
          %mul3A_316 = arith.constant 64 : i32
          %mul3A_317 = arith.muli %mul3A_251, %mul3A_316 : i32
          %add3A_318 = vector.broadcast %mul3A_317 : i32 to vector<16xi32>
          %add3A_319 = arith.addi %add3A_318, %add3A_135 : vector<16xi32>
          %mul3A_320 = arith.constant 64 : i32
          %mul3A_321 = arith.muli %mul3A_251, %mul3A_320 : i32
          %add3A_322 = vector.broadcast %mul3A_321 : i32 to vector<16xi32>
          %add3A_323 = arith.addi %add3A_322, %add3A_139 : vector<16xi32>
          %mul3A_324 = arith.constant 64 : i32
          %mul3A_325 = arith.muli %mul3A_251, %mul3A_324 : i32
          %add3A_326 = vector.broadcast %mul3A_325 : i32 to vector<16xi32>
          %add3A_327 = arith.addi %add3A_326, %add3A_143 : vector<16xi32>
          %mul3A_328 = arith.constant 64 : i32
          %mul3A_329 = arith.muli %mul3A_251, %mul3A_328 : i32
          %add3A_330 = vector.broadcast %mul3A_329 : i32 to vector<16xi32>
          %add3A_331 = arith.addi %add3A_330, %add3A_147 : vector<16xi32>
          %mul3A_332 = arith.constant 64 : i32
          %mul3A_333 = arith.muli %mul3A_251, %mul3A_332 : i32
          %add3A_334 = vector.broadcast %mul3A_333 : i32 to vector<16xi32>
          %add3A_335 = arith.addi %add3A_334, %add3A_151 : vector<16xi32>
          %mul3A_336 = arith.constant 64 : i32
          %mul3A_337 = arith.muli %mul3A_251, %mul3A_336 : i32
          %add3A_338 = vector.broadcast %mul3A_337 : i32 to vector<16xi32>
          %add3A_339 = arith.addi %add3A_338, %add3A_155 : vector<16xi32>
          %mul3A_340 = arith.constant 64 : i32
          %mul3A_341 = arith.muli %mul3A_251, %mul3A_340 : i32
          %add3A_342 = vector.broadcast %mul3A_341 : i32 to vector<16xi32>
          %add3A_343 = arith.addi %add3A_342, %add3A_159 : vector<16xi32>
          %mul3A_344 = arith.constant 64 : i32
          %mul3A_345 = arith.muli %mul3A_251, %mul3A_344 : i32
          %add3A_346 = vector.broadcast %mul3A_345 : i32 to vector<16xi32>
          %add3A_347 = arith.addi %add3A_346, %add3A_163 : vector<16xi32>
          %scan3A_348 = arith.constant 0 : i32
          %scan3A_349 = arith.constant 4 : i32
          %scan3A_350 = arith.addi %scan3A_348, %scan3A_349 : i32
          %scan3A_351 = arith.constant 1 : i32
          scf.for %scan3A_353 = %scan3A_348 to %scan3A_350 step %scan3A_351  : i32 {
            %mul3A_354 = arith.constant 16 : i32
            %mul3A_355 = arith.muli %scan3A_353, %mul3A_354 : i32
            %add3A_356 = vector.broadcast %mul3A_355 : i32 to vector<16xi32>
            %add3A_357 = arith.addi %add3A_356, %iota3A_4 : vector<16xi32>
            %gather3A = tpu.vector_load_idx %arg5[%add3A_357, %add3A_253] : memref<64x256xf32, #tpu.memory_space<vmem>>[vector<16xi32>, vector<16xi32>], vector<16xf32>,
            %add3A_358 = vector.broadcast %mul3A_355 : i32 to vector<16xi32>
            %add3A_359 = arith.addi %add3A_287, %add3A_358 : vector<16xi32>
            tpu.vector_store_idx %arg7[%add3A_359], %gather3A : memref<16384xf32, #tpu.memory_space<vmem>>[vector<16xi32>], vector<16xf32>,
            %gather3A_360 = tpu.vector_load_idx %arg5[%add3A_357, %add3A_255] : memref<64x256xf32, #tpu.memory_space<vmem>>[vector<16xi32>, vector<16xi32>], vector<16xf32>,
            %add3A_361 = vector.broadcast %mul3A_355 : i32 to vector<16xi32>
            %add3A_362 = arith.addi %add3A_291, %add3A_361 : vector<16xi32>
            tpu.vector_store_idx %arg7[%add3A_362], %gather3A_360 : memref<16384xf32, #tpu.memory_space<vmem>>[vector<16xi32>], vector<16xf32>,
            %gather3A_363 = tpu.vector_load_idx %arg5[%add3A_357, %add3A_257] : memref<64x256xf32, #tpu.memory_space<vmem>>[vector<16xi32>, vector<16xi32>], vector<16xf32>,
            %add3A_364 = vector.broadcast %mul3A_355 : i32 to vector<16xi32>
            %add3A_365 = arith.addi %add3A_295, %add3A_364 : vector<16xi32>
            tpu.vector_store_idx %arg7[%add3A_365], %gather3A_363 : memref<16384xf32, #tpu.memory_space<vmem>>[vector<16xi32>], vector<16xf32>,
            %gather3A_366 = tpu.vector_load_idx %arg5[%add3A_357, %add3A_259] : memref<64x256xf32, #tpu.memory_space<vmem>>[vector<16xi32>, vector<16xi32>], vector<16xf32>,
            %add3A_367 = vector.broadcast %mul3A_355 : i32 to vector<16xi32>
            %add3A_368 = arith.addi %add3A_299, %add3A_367 : vector<16xi32>
            tpu.vector_store_idx %arg7[%add3A_368], %gather3A_366 : memref<16384xf32, #tpu.memory_space<vmem>>[vector<16xi32>], vector<16xf32>,
            %gather3A_369 = tpu.vector_load_idx %arg5[%add3A_357, %add3A_261] : memref<64x256xf32, #tpu.memory_space<vmem>>[vector<16xi32>, vector<16xi32>], vector<16xf32>,
            %add3A_370 = vector.broadcast %mul3A_355 : i32 to vector<16xi32>
            %add3A_371 = arith.addi %add3A_303, %add3A_370 : vector<16xi32>
            tpu.vector_store_idx %arg7[%add3A_371], %gather3A_369 : memref<16384xf32, #tpu.memory_space<vmem>>[vector<16xi32>], vector<16xf32>,
            %gather3A_372 = tpu.vector_load_idx %arg5[%add3A_357, %add3A_263] : memref<64x256xf32, #tpu.memory_space<vmem>>[vector<16xi32>, vector<16xi32>], vector<16xf32>,
            %add3A_373 = vector.broadcast %mul3A_355 : i32 to vector<16xi32>
            %add3A_374 = arith.addi %add3A_307, %add3A_373 : vector<16xi32>
            tpu.vector_store_idx %arg7[%add3A_374], %gather3A_372 : memref<16384xf32, #tpu.memory_space<vmem>>[vector<16xi32>], vector<16xf32>,
            %gather3A_375 = tpu.vector_load_idx %arg5[%add3A_357, %add3A_265] : memref<64x256xf32, #tpu.memory_space<vmem>>[vector<16xi32>, vector<16xi32>], vector<16xf32>,
            %add3A_376 = vector.broadcast %mul3A_355 : i32 to vector<16xi32>
            %add3A_377 = arith.addi %add3A_311, %add3A_376 : vector<16xi32>
            tpu.vector_store_idx %arg7[%add3A_377], %gather3A_375 : memref<16384xf32, #tpu.memory_space<vmem>>[vector<16xi32>], vector<16xf32>,
            %gather3A_378 = tpu.vector_load_idx %arg5[%add3A_357, %add3A_267] : memref<64x256xf32, #tpu.memory_space<vmem>>[vector<16xi32>, vector<16xi32>], vector<16xf32>,
            %add3A_379 = vector.broadcast %mul3A_355 : i32 to vector<16xi32>
            %add3A_380 = arith.addi %add3A_315, %add3A_379 : vector<16xi32>
            tpu.vector_store_idx %arg7[%add3A_380], %gather3A_378 : memref<16384xf32, #tpu.memory_space<vmem>>[vector<16xi32>], vector<16xf32>,
            %gather3A_381 = tpu.vector_load_idx %arg5[%add3A_357, %add3A_269] : memref<64x256xf32, #tpu.memory_space<vmem>>[vector<16xi32>, vector<16xi32>], vector<16xf32>,
            %add3A_382 = vector.broadcast %mul3A_355 : i32 to vector<16xi32>
            %add3A_383 = arith.addi %add3A_319, %add3A_382 : vector<16xi32>
            tpu.vector_store_idx %arg7[%add3A_383], %gather3A_381 : memref<16384xf32, #tpu.memory_space<vmem>>[vector<16xi32>], vector<16xf32>,
            %gather3A_384 = tpu.vector_load_idx %arg5[%add3A_357, %add3A_271] : memref<64x256xf32, #tpu.memory_space<vmem>>[vector<16xi32>, vector<16xi32>], vector<16xf32>,
            %add3A_385 = vector.broadcast %mul3A_355 : i32 to vector<16xi32>
            %add3A_386 = arith.addi %add3A_323, %add3A_385 : vector<16xi32>
            tpu.vector_store_idx %arg7[%add3A_386], %gather3A_384 : memref<16384xf32, #tpu.memory_space<vmem>>[vector<16xi32>], vector<16xf32>,
            %gather3A_387 = tpu.vector_load_idx %arg5[%add3A_357, %add3A_273] : memref<64x256xf32, #tpu.memory_space<vmem>>[vector<16xi32>, vector<16xi32>], vector<16xf32>,
            %add3A_388 = vector.broadcast %mul3A_355 : i32 to vector<16xi32>
            %add3A_389 = arith.addi %add3A_327, %add3A_388 : vector<16xi32>
            tpu.vector_store_idx %arg7[%add3A_389], %gather3A_387 : memref<16384xf32, #tpu.memory_space<vmem>>[vector<16xi32>], vector<16xf32>,
            %gather3A_390 = tpu.vector_load_idx %arg5[%add3A_357, %add3A_275] : memref<64x256xf32, #tpu.memory_space<vmem>>[vector<16xi32>, vector<16xi32>], vector<16xf32>,
            %add3A_391 = vector.broadcast %mul3A_355 : i32 to vector<16xi32>
            %add3A_392 = arith.addi %add3A_331, %add3A_391 : vector<16xi32>
            tpu.vector_store_idx %arg7[%add3A_392], %gather3A_390 : memref<16384xf32, #tpu.memory_space<vmem>>[vector<16xi32>], vector<16xf32>,
            %gather3A_393 = tpu.vector_load_idx %arg5[%add3A_357, %add3A_277] : memref<64x256xf32, #tpu.memory_space<vmem>>[vector<16xi32>, vector<16xi32>], vector<16xf32>,
            %add3A_394 = vector.broadcast %mul3A_355 : i32 to vector<16xi32>
            %add3A_395 = arith.addi %add3A_335, %add3A_394 : vector<16xi32>
            tpu.vector_store_idx %arg7[%add3A_395], %gather3A_393 : memref<16384xf32, #tpu.memory_space<vmem>>[vector<16xi32>], vector<16xf32>,
            %gather3A_396 = tpu.vector_load_idx %arg5[%add3A_357, %add3A_279] : memref<64x256xf32, #tpu.memory_space<vmem>>[vector<16xi32>, vector<16xi32>], vector<16xf32>,
            %add3A_397 = vector.broadcast %mul3A_355 : i32 to vector<16xi32>
            %add3A_398 = arith.addi %add3A_339, %add3A_397 : vector<16xi32>
            tpu.vector_store_idx %arg7[%add3A_398], %gather3A_396 : memref<16384xf32, #tpu.memory_space<vmem>>[vector<16xi32>], vector<16xf32>,
            %gather3A_399 = tpu.vector_load_idx %arg5[%add3A_357, %add3A_281] : memref<64x256xf32, #tpu.memory_space<vmem>>[vector<16xi32>, vector<16xi32>], vector<16xf32>,
            %add3A_400 = vector.broadcast %mul3A_355 : i32 to vector<16xi32>
            %add3A_401 = arith.addi %add3A_343, %add3A_400 : vector<16xi32>
            tpu.vector_store_idx %arg7[%add3A_401], %gather3A_399 : memref<16384xf32, #tpu.memory_space<vmem>>[vector<16xi32>], vector<16xf32>,
            %gather3A_402 = tpu.vector_load_idx %arg5[%add3A_357, %add3A_283] : memref<64x256xf32, #tpu.memory_space<vmem>>[vector<16xi32>, vector<16xi32>], vector<16xf32>,
            %add3A_403 = vector.broadcast %mul3A_355 : i32 to vector<16xi32>
            %add3A_404 = arith.addi %add3A_347, %add3A_403 : vector<16xi32>
            tpu.vector_store_idx %arg7[%add3A_404], %gather3A_402 : memref<16384xf32, #tpu.memory_space<vmem>>[vector<16xi32>], vector<16xf32>,
          }
          %scan3A_352 = arith.constant 4 : i32
        }
        %scan3A_234 = arith.constant 16 : i32
        %ge3A_235 = arith.constant 1953 : i32
        %ge3A_236 = arith.cmpi sge, %add3A_198, %ge3A_235 : i32
        %convert_element_type3A_237 = arith.extui %ge3A_236 : i1 to i32
        %mul3A_238 = arith.constant 1953 : i32
        %mul3A_239 = arith.muli %convert_element_type3A_237, %mul3A_238 : i32
        %sub3A_240 = arith.subi %add3A_198, %mul3A_239 : i32
        %mul3A_241 = arith.constant 500000 : i32
        %mul3A_242 = arith.muli %convert_element_type3A_237, %mul3A_241 : i32
        %mul3A_243 = arith.constant 256 : i32
        %mul3A_244 = arith.muli %sub3A_240, %mul3A_243 : i32
        %add3A_245 = arith.addi %mul3A_242, %mul3A_244 : i32
        %mul3A_246 = arith.constant 64 : i32
        %mul3A_247 = arith.muli %add3A_245, %mul3A_246 : i32
        %dma_start3A = tpu.memref_slice %arg4[%mul3A_247] : memref<64000000xf32, #tpu.memory_space<hbm>> -> memref<16384xf32, #tpu.memory_space<hbm>>
        %dma_start3A_248 = tpu.memref_slice %arg4[%mul3A_247] : memref<64000000xf32, #tpu.memory_space<hbm>> -> memref<16384xf32, #tpu.memory_space<hbm>>
        tpu.enqueue_dma source(%arg7 : memref<16384xf32, #tpu.memory_space<vmem>>) target(%dma_start3A_248 : memref<16384xf32, #tpu.memory_space<hbm>>) target_semaphore(%arg11 : memref<!tpu.dma_semaphore, #tpu.memory_space<semaphore_mem>>)
      } else {
      }
      %mul3A_203 = arith.constant 2 : i32
      %mul3A_204 = arith.muli %mul3A_203, %scan3A_193 : i32
      %add3A_205 = arith.addi %mul3A_165, %mul3A_204 : i32
      %add3A_206 = arith.constant 1 : i32
      %add3A_207 = arith.addi %add3A_205, %add3A_206 : i32
      %lt3A_208 = arith.cmpi slt, %add3A_207, %min3A_168 : i32
      %convert_element_type3A_209 = arith.extui %lt3A_208 : i1 to i32
      %cond3A_210 = arith.constant 0 : i32
      %cond3A_211 = arith.cmpi ne, %convert_element_type3A_209, %cond3A_210 : i32
      scf.if %cond3A_211 {
        %dma_wait3A = arith.constant 0 : i32
        %dma_wait3A_212 = arith.constant 0 : i32
        %dma_wait3A_213 = tpu.memref_slice %arg2[%dma_wait3A, %dma_wait3A_212] : memref<64x500000xf32, #tpu.memory_space<hbm>> -> memref<64x256xf32, #tpu.memory_space<hbm>>
        %dma_wait3A_214 = arith.constant 0 : i32
        %dma_wait3A_215 = arith.constant 0 : i32
        %dma_wait3A_216 = tpu.memref_slice %arg2[%dma_wait3A_214, %dma_wait3A_215] : memref<64x500000xf32, #tpu.memory_space<hbm>> -> memref<64x256xf32, #tpu.memory_space<hbm>>
        tpu.wait_dma2 semaphore(%arg10 : memref<!tpu.dma_semaphore, #tpu.memory_space<semaphore_mem>>) src(%dma_wait3A_216 : memref<64x256xf32, #tpu.memory_space<hbm>>) dst(%arg6 : memref<64x256xf32, #tpu.memory_space<vmem>>)
        %add3A_217 = arith.constant 1 : i32
        %add3A_218 = arith.addi %add3A_207, %add3A_217 : i32
        %lt3A_219 = arith.cmpi slt, %add3A_218, %min3A_168 : i32
        %convert_element_type3A_220 = arith.extui %lt3A_219 : i1 to i32
        %cond3A_221 = arith.constant 0 : i32
        %cond3A_222 = arith.cmpi ne, %convert_element_type3A_220, %cond3A_221 : i32
        scf.if %cond3A_222 {
          %add3A_249 = arith.constant 1 : i32
          %add3A_250 = arith.addi %add3A_207, %add3A_249 : i32
          %ge3A_251 = arith.constant 1953 : i32
          %ge3A_252 = arith.cmpi sge, %add3A_250, %ge3A_251 : i32
          %convert_element_type3A_253 = arith.extui %ge3A_252 : i1 to i32
          %mul3A_254 = arith.constant 1953 : i32
          %mul3A_255 = arith.muli %convert_element_type3A_253, %mul3A_254 : i32
          %sub3A_256 = arith.subi %add3A_250, %mul3A_255 : i32
          %mul3A_257 = arith.constant 256 : i32
          %mul3A_258 = arith.muli %sub3A_256, %mul3A_257 : i32
          %eq3A_259 = arith.constant 0 : i32
          %eq3A_260 = arith.cmpi eq, %convert_element_type3A_253, %eq3A_259 : i32
          %convert_element_type3A_261 = arith.extui %eq3A_260 : i1 to i32
          %cond3A_262 = arith.constant 0 : i32
          %cond3A_263 = arith.cmpi ne, %convert_element_type3A_261, %cond3A_262 : i32
          scf.if %cond3A_263 {
            %dma_start3A_269 = arith.constant 0 : i32
            %dma_start3A_270 = tpu.memref_slice %arg2[%dma_start3A_269, %mul3A_258] : memref<64x500000xf32, #tpu.memory_space<hbm>> -> memref<64x256xf32, #tpu.memory_space<hbm>>
            %dma_start3A_271 = arith.constant 0 : i32
            %dma_start3A_272 = tpu.memref_slice %arg2[%dma_start3A_271, %mul3A_258] : memref<64x500000xf32, #tpu.memory_space<hbm>> -> memref<64x256xf32, #tpu.memory_space<hbm>>
            tpu.enqueue_dma source(%dma_start3A_272 : memref<64x256xf32, #tpu.memory_space<hbm>>) target(%arg5 : memref<64x256xf32, #tpu.memory_space<vmem>>) target_semaphore(%arg10 : memref<!tpu.dma_semaphore, #tpu.memory_space<semaphore_mem>>)
          } else {
          }
          %eq3A_264 = arith.constant 1 : i32
          %eq3A_265 = arith.cmpi eq, %convert_element_type3A_253, %eq3A_264 : i32
          %convert_element_type3A_266 = arith.extui %eq3A_265 : i1 to i32
          %cond3A_267 = arith.constant 0 : i32
          %cond3A_268 = arith.cmpi ne, %convert_element_type3A_266, %cond3A_267 : i32
          scf.if %cond3A_268 {
            %dma_start3A_269 = arith.constant 0 : i32
            %dma_start3A_270 = tpu.memref_slice %arg3[%dma_start3A_269, %mul3A_258] : memref<64x500000xf32, #tpu.memory_space<hbm>> -> memref<64x256xf32, #tpu.memory_space<hbm>>
            %dma_start3A_271 = arith.constant 0 : i32
            %dma_start3A_272 = tpu.memref_slice %arg3[%dma_start3A_271, %mul3A_258] : memref<64x500000xf32, #tpu.memory_space<hbm>> -> memref<64x256xf32, #tpu.memory_space<hbm>>
            tpu.enqueue_dma source(%dma_start3A_272 : memref<64x256xf32, #tpu.memory_space<hbm>>) target(%arg5 : memref<64x256xf32, #tpu.memory_space<vmem>>) target_semaphore(%arg10 : memref<!tpu.dma_semaphore, #tpu.memory_space<semaphore_mem>>)
          } else {
          }
        } else {
        }
        %sub3A_223 = arith.constant 2 : i32
        %sub3A_224 = arith.subi %add3A_207, %sub3A_223 : i32
        %ge3A_225 = arith.cmpi sge, %sub3A_224, %mul3A_165 : i32
        %convert_element_type3A_226 = arith.extui %ge3A_225 : i1 to i32
        %cond3A_227 = arith.constant 0 : i32
        %cond3A_228 = arith.cmpi ne, %convert_element_type3A_226, %cond3A_227 : i32
        scf.if %cond3A_228 {
          %dma_wait3A_249 = arith.constant 0 : i32
          %dma_wait3A_250 = tpu.memref_slice %arg4[%dma_wait3A_249] : memref<64000000xf32, #tpu.memory_space<hbm>> -> memref<16384xf32, #tpu.memory_space<hbm>>
          %dma_wait3A_251 = arith.constant 0 : i32
          %dma_wait3A_252 = tpu.memref_slice %arg4[%dma_wait3A_251] : memref<64000000xf32, #tpu.memory_space<hbm>> -> memref<16384xf32, #tpu.memory_space<hbm>>
          tpu.wait_dma2 semaphore(%arg11 : memref<!tpu.dma_semaphore, #tpu.memory_space<semaphore_mem>>) src(%arg7 : memref<16384xf32, #tpu.memory_space<vmem>>) dst(%dma_wait3A_252 : memref<16384xf32, #tpu.memory_space<hbm>>)
        } else {
        }
        %scan3A_229 = arith.constant 0 : i32
        %scan3A_230 = arith.constant 0 : i32
        %scan3A_231 = arith.constant 16 : i32
        %scan3A_232 = arith.addi %scan3A_230, %scan3A_231 : i32
        %scan3A_233 = arith.constant 1 : i32
        scf.for %scan3A_249 = %scan3A_230 to %scan3A_232 step %scan3A_233  : i32 {
          %mul3A_250 = arith.constant 16 : i32
          %mul3A_251 = arith.muli %scan3A_249, %mul3A_250 : i32
          %add3A_252 = vector.broadcast %mul3A_251 : i32 to vector<16xi32>
          %add3A_253 = arith.addi %add3A_252, %and3A_9 : vector<16xi32>
          %add3A_254 = vector.broadcast %mul3A_251 : i32 to vector<16xi32>
          %add3A_255 = arith.addi %add3A_254, %and3A_15 : vector<16xi32>
          %add3A_256 = vector.broadcast %mul3A_251 : i32 to vector<16xi32>
          %add3A_257 = arith.addi %add3A_256, %and3A_21 : vector<16xi32>
          %add3A_258 = vector.broadcast %mul3A_251 : i32 to vector<16xi32>
          %add3A_259 = arith.addi %add3A_258, %and3A_27 : vector<16xi32>
          %add3A_260 = vector.broadcast %mul3A_251 : i32 to vector<16xi32>
          %add3A_261 = arith.addi %add3A_260, %and3A_33 : vector<16xi32>
          %add3A_262 = vector.broadcast %mul3A_251 : i32 to vector<16xi32>
          %add3A_263 = arith.addi %add3A_262, %and3A_39 : vector<16xi32>
          %add3A_264 = vector.broadcast %mul3A_251 : i32 to vector<16xi32>
          %add3A_265 = arith.addi %add3A_264, %and3A_45 : vector<16xi32>
          %add3A_266 = vector.broadcast %mul3A_251 : i32 to vector<16xi32>
          %add3A_267 = arith.addi %add3A_266, %and3A_51 : vector<16xi32>
          %add3A_268 = vector.broadcast %mul3A_251 : i32 to vector<16xi32>
          %add3A_269 = arith.addi %add3A_268, %and3A_57 : vector<16xi32>
          %add3A_270 = vector.broadcast %mul3A_251 : i32 to vector<16xi32>
          %add3A_271 = arith.addi %add3A_270, %and3A_63 : vector<16xi32>
          %add3A_272 = vector.broadcast %mul3A_251 : i32 to vector<16xi32>
          %add3A_273 = arith.addi %add3A_272, %and3A_69 : vector<16xi32>
          %add3A_274 = vector.broadcast %mul3A_251 : i32 to vector<16xi32>
          %add3A_275 = arith.addi %add3A_274, %and3A_75 : vector<16xi32>
          %add3A_276 = vector.broadcast %mul3A_251 : i32 to vector<16xi32>
          %add3A_277 = arith.addi %add3A_276, %and3A_81 : vector<16xi32>
          %add3A_278 = vector.broadcast %mul3A_251 : i32 to vector<16xi32>
          %add3A_279 = arith.addi %add3A_278, %and3A_87 : vector<16xi32>
          %add3A_280 = vector.broadcast %mul3A_251 : i32 to vector<16xi32>
          %add3A_281 = arith.addi %add3A_280, %and3A_93 : vector<16xi32>
          %add3A_282 = vector.broadcast %mul3A_251 : i32 to vector<16xi32>
          %add3A_283 = arith.addi %add3A_282, %and3A_99 : vector<16xi32>
          %mul3A_284 = arith.constant 64 : i32
          %mul3A_285 = arith.muli %mul3A_251, %mul3A_284 : i32
          %add3A_286 = vector.broadcast %mul3A_285 : i32 to vector<16xi32>
          %add3A_287 = arith.addi %add3A_286, %add3A_103 : vector<16xi32>
          %mul3A_288 = arith.constant 64 : i32
          %mul3A_289 = arith.muli %mul3A_251, %mul3A_288 : i32
          %add3A_290 = vector.broadcast %mul3A_289 : i32 to vector<16xi32>
          %add3A_291 = arith.addi %add3A_290, %add3A_107 : vector<16xi32>
          %mul3A_292 = arith.constant 64 : i32
          %mul3A_293 = arith.muli %mul3A_251, %mul3A_292 : i32
          %add3A_294 = vector.broadcast %mul3A_293 : i32 to vector<16xi32>
          %add3A_295 = arith.addi %add3A_294, %add3A_111 : vector<16xi32>
          %mul3A_296 = arith.constant 64 : i32
          %mul3A_297 = arith.muli %mul3A_251, %mul3A_296 : i32
          %add3A_298 = vector.broadcast %mul3A_297 : i32 to vector<16xi32>
          %add3A_299 = arith.addi %add3A_298, %add3A_115 : vector<16xi32>
          %mul3A_300 = arith.constant 64 : i32
          %mul3A_301 = arith.muli %mul3A_251, %mul3A_300 : i32
          %add3A_302 = vector.broadcast %mul3A_301 : i32 to vector<16xi32>
          %add3A_303 = arith.addi %add3A_302, %add3A_119 : vector<16xi32>
          %mul3A_304 = arith.constant 64 : i32
          %mul3A_305 = arith.muli %mul3A_251, %mul3A_304 : i32
          %add3A_306 = vector.broadcast %mul3A_305 : i32 to vector<16xi32>
          %add3A_307 = arith.addi %add3A_306, %add3A_123 : vector<16xi32>
          %mul3A_308 = arith.constant 64 : i32
          %mul3A_309 = arith.muli %mul3A_251, %mul3A_308 : i32
          %add3A_310 = vector.broadcast %mul3A_309 : i32 to vector<16xi32>
          %add3A_311 = arith.addi %add3A_310, %add3A_127 : vector<16xi32>
          %mul3A_312 = arith.constant 64 : i32
          %mul3A_313 = arith.muli %mul3A_251, %mul3A_312 : i32
          %add3A_314 = vector.broadcast %mul3A_313 : i32 to vector<16xi32>
          %add3A_315 = arith.addi %add3A_314, %add3A_131 : vector<16xi32>
          %mul3A_316 = arith.constant 64 : i32
          %mul3A_317 = arith.muli %mul3A_251, %mul3A_316 : i32
          %add3A_318 = vector.broadcast %mul3A_317 : i32 to vector<16xi32>
          %add3A_319 = arith.addi %add3A_318, %add3A_135 : vector<16xi32>
          %mul3A_320 = arith.constant 64 : i32
          %mul3A_321 = arith.muli %mul3A_251, %mul3A_320 : i32
          %add3A_322 = vector.broadcast %mul3A_321 : i32 to vector<16xi32>
          %add3A_323 = arith.addi %add3A_322, %add3A_139 : vector<16xi32>
          %mul3A_324 = arith.constant 64 : i32
          %mul3A_325 = arith.muli %mul3A_251, %mul3A_324 : i32
          %add3A_326 = vector.broadcast %mul3A_325 : i32 to vector<16xi32>
          %add3A_327 = arith.addi %add3A_326, %add3A_143 : vector<16xi32>
          %mul3A_328 = arith.constant 64 : i32
          %mul3A_329 = arith.muli %mul3A_251, %mul3A_328 : i32
          %add3A_330 = vector.broadcast %mul3A_329 : i32 to vector<16xi32>
          %add3A_331 = arith.addi %add3A_330, %add3A_147 : vector<16xi32>
          %mul3A_332 = arith.constant 64 : i32
          %mul3A_333 = arith.muli %mul3A_251, %mul3A_332 : i32
          %add3A_334 = vector.broadcast %mul3A_333 : i32 to vector<16xi32>
          %add3A_335 = arith.addi %add3A_334, %add3A_151 : vector<16xi32>
          %mul3A_336 = arith.constant 64 : i32
          %mul3A_337 = arith.muli %mul3A_251, %mul3A_336 : i32
          %add3A_338 = vector.broadcast %mul3A_337 : i32 to vector<16xi32>
          %add3A_339 = arith.addi %add3A_338, %add3A_155 : vector<16xi32>
          %mul3A_340 = arith.constant 64 : i32
          %mul3A_341 = arith.muli %mul3A_251, %mul3A_340 : i32
          %add3A_342 = vector.broadcast %mul3A_341 : i32 to vector<16xi32>
          %add3A_343 = arith.addi %add3A_342, %add3A_159 : vector<16xi32>
          %mul3A_344 = arith.constant 64 : i32
          %mul3A_345 = arith.muli %mul3A_251, %mul3A_344 : i32
          %add3A_346 = vector.broadcast %mul3A_345 : i32 to vector<16xi32>
          %add3A_347 = arith.addi %add3A_346, %add3A_163 : vector<16xi32>
          %scan3A_348 = arith.constant 0 : i32
          %scan3A_349 = arith.constant 4 : i32
          %scan3A_350 = arith.addi %scan3A_348, %scan3A_349 : i32
          %scan3A_351 = arith.constant 1 : i32
          scf.for %scan3A_353 = %scan3A_348 to %scan3A_350 step %scan3A_351  : i32 {
            %mul3A_354 = arith.constant 16 : i32
            %mul3A_355 = arith.muli %scan3A_353, %mul3A_354 : i32
            %add3A_356 = vector.broadcast %mul3A_355 : i32 to vector<16xi32>
            %add3A_357 = arith.addi %add3A_356, %iota3A_4 : vector<16xi32>
            %gather3A = tpu.vector_load_idx %arg6[%add3A_357, %add3A_253] : memref<64x256xf32, #tpu.memory_space<vmem>>[vector<16xi32>, vector<16xi32>], vector<16xf32>,
            %add3A_358 = vector.broadcast %mul3A_355 : i32 to vector<16xi32>
            %add3A_359 = arith.addi %add3A_287, %add3A_358 : vector<16xi32>
            tpu.vector_store_idx %arg8[%add3A_359], %gather3A : memref<16384xf32, #tpu.memory_space<vmem>>[vector<16xi32>], vector<16xf32>,
            %gather3A_360 = tpu.vector_load_idx %arg6[%add3A_357, %add3A_255] : memref<64x256xf32, #tpu.memory_space<vmem>>[vector<16xi32>, vector<16xi32>], vector<16xf32>,
            %add3A_361 = vector.broadcast %mul3A_355 : i32 to vector<16xi32>
            %add3A_362 = arith.addi %add3A_291, %add3A_361 : vector<16xi32>
            tpu.vector_store_idx %arg8[%add3A_362], %gather3A_360 : memref<16384xf32, #tpu.memory_space<vmem>>[vector<16xi32>], vector<16xf32>,
            %gather3A_363 = tpu.vector_load_idx %arg6[%add3A_357, %add3A_257] : memref<64x256xf32, #tpu.memory_space<vmem>>[vector<16xi32>, vector<16xi32>], vector<16xf32>,
            %add3A_364 = vector.broadcast %mul3A_355 : i32 to vector<16xi32>
            %add3A_365 = arith.addi %add3A_295, %add3A_364 : vector<16xi32>
            tpu.vector_store_idx %arg8[%add3A_365], %gather3A_363 : memref<16384xf32, #tpu.memory_space<vmem>>[vector<16xi32>], vector<16xf32>,
            %gather3A_366 = tpu.vector_load_idx %arg6[%add3A_357, %add3A_259] : memref<64x256xf32, #tpu.memory_space<vmem>>[vector<16xi32>, vector<16xi32>], vector<16xf32>,
            %add3A_367 = vector.broadcast %mul3A_355 : i32 to vector<16xi32>
            %add3A_368 = arith.addi %add3A_299, %add3A_367 : vector<16xi32>
            tpu.vector_store_idx %arg8[%add3A_368], %gather3A_366 : memref<16384xf32, #tpu.memory_space<vmem>>[vector<16xi32>], vector<16xf32>,
            %gather3A_369 = tpu.vector_load_idx %arg6[%add3A_357, %add3A_261] : memref<64x256xf32, #tpu.memory_space<vmem>>[vector<16xi32>, vector<16xi32>], vector<16xf32>,
            %add3A_370 = vector.broadcast %mul3A_355 : i32 to vector<16xi32>
            %add3A_371 = arith.addi %add3A_303, %add3A_370 : vector<16xi32>
            tpu.vector_store_idx %arg8[%add3A_371], %gather3A_369 : memref<16384xf32, #tpu.memory_space<vmem>>[vector<16xi32>], vector<16xf32>,
            %gather3A_372 = tpu.vector_load_idx %arg6[%add3A_357, %add3A_263] : memref<64x256xf32, #tpu.memory_space<vmem>>[vector<16xi32>, vector<16xi32>], vector<16xf32>,
            %add3A_373 = vector.broadcast %mul3A_355 : i32 to vector<16xi32>
            %add3A_374 = arith.addi %add3A_307, %add3A_373 : vector<16xi32>
            tpu.vector_store_idx %arg8[%add3A_374], %gather3A_372 : memref<16384xf32, #tpu.memory_space<vmem>>[vector<16xi32>], vector<16xf32>,
            %gather3A_375 = tpu.vector_load_idx %arg6[%add3A_357, %add3A_265] : memref<64x256xf32, #tpu.memory_space<vmem>>[vector<16xi32>, vector<16xi32>], vector<16xf32>,
            %add3A_376 = vector.broadcast %mul3A_355 : i32 to vector<16xi32>
            %add3A_377 = arith.addi %add3A_311, %add3A_376 : vector<16xi32>
            tpu.vector_store_idx %arg8[%add3A_377], %gather3A_375 : memref<16384xf32, #tpu.memory_space<vmem>>[vector<16xi32>], vector<16xf32>,
            %gather3A_378 = tpu.vector_load_idx %arg6[%add3A_357, %add3A_267] : memref<64x256xf32, #tpu.memory_space<vmem>>[vector<16xi32>, vector<16xi32>], vector<16xf32>,
            %add3A_379 = vector.broadcast %mul3A_355 : i32 to vector<16xi32>
            %add3A_380 = arith.addi %add3A_315, %add3A_379 : vector<16xi32>
            tpu.vector_store_idx %arg8[%add3A_380], %gather3A_378 : memref<16384xf32, #tpu.memory_space<vmem>>[vector<16xi32>], vector<16xf32>,
            %gather3A_381 = tpu.vector_load_idx %arg6[%add3A_357, %add3A_269] : memref<64x256xf32, #tpu.memory_space<vmem>>[vector<16xi32>, vector<16xi32>], vector<16xf32>,
            %add3A_382 = vector.broadcast %mul3A_355 : i32 to vector<16xi32>
            %add3A_383 = arith.addi %add3A_319, %add3A_382 : vector<16xi32>
            tpu.vector_store_idx %arg8[%add3A_383], %gather3A_381 : memref<16384xf32, #tpu.memory_space<vmem>>[vector<16xi32>], vector<16xf32>,
            %gather3A_384 = tpu.vector_load_idx %arg6[%add3A_357, %add3A_271] : memref<64x256xf32, #tpu.memory_space<vmem>>[vector<16xi32>, vector<16xi32>], vector<16xf32>,
            %add3A_385 = vector.broadcast %mul3A_355 : i32 to vector<16xi32>
            %add3A_386 = arith.addi %add3A_323, %add3A_385 : vector<16xi32>
            tpu.vector_store_idx %arg8[%add3A_386], %gather3A_384 : memref<16384xf32, #tpu.memory_space<vmem>>[vector<16xi32>], vector<16xf32>,
            %gather3A_387 = tpu.vector_load_idx %arg6[%add3A_357, %add3A_273] : memref<64x256xf32, #tpu.memory_space<vmem>>[vector<16xi32>, vector<16xi32>], vector<16xf32>,
            %add3A_388 = vector.broadcast %mul3A_355 : i32 to vector<16xi32>
            %add3A_389 = arith.addi %add3A_327, %add3A_388 : vector<16xi32>
            tpu.vector_store_idx %arg8[%add3A_389], %gather3A_387 : memref<16384xf32, #tpu.memory_space<vmem>>[vector<16xi32>], vector<16xf32>,
            %gather3A_390 = tpu.vector_load_idx %arg6[%add3A_357, %add3A_275] : memref<64x256xf32, #tpu.memory_space<vmem>>[vector<16xi32>, vector<16xi32>], vector<16xf32>,
            %add3A_391 = vector.broadcast %mul3A_355 : i32 to vector<16xi32>
            %add3A_392 = arith.addi %add3A_331, %add3A_391 : vector<16xi32>
            tpu.vector_store_idx %arg8[%add3A_392], %gather3A_390 : memref<16384xf32, #tpu.memory_space<vmem>>[vector<16xi32>], vector<16xf32>,
            %gather3A_393 = tpu.vector_load_idx %arg6[%add3A_357, %add3A_277] : memref<64x256xf32, #tpu.memory_space<vmem>>[vector<16xi32>, vector<16xi32>], vector<16xf32>,
            %add3A_394 = vector.broadcast %mul3A_355 : i32 to vector<16xi32>
            %add3A_395 = arith.addi %add3A_335, %add3A_394 : vector<16xi32>
            tpu.vector_store_idx %arg8[%add3A_395], %gather3A_393 : memref<16384xf32, #tpu.memory_space<vmem>>[vector<16xi32>], vector<16xf32>,
            %gather3A_396 = tpu.vector_load_idx %arg6[%add3A_357, %add3A_279] : memref<64x256xf32, #tpu.memory_space<vmem>>[vector<16xi32>, vector<16xi32>], vector<16xf32>,
            %add3A_397 = vector.broadcast %mul3A_355 : i32 to vector<16xi32>
            %add3A_398 = arith.addi %add3A_339, %add3A_397 : vector<16xi32>
            tpu.vector_store_idx %arg8[%add3A_398], %gather3A_396 : memref<16384xf32, #tpu.memory_space<vmem>>[vector<16xi32>], vector<16xf32>,
            %gather3A_399 = tpu.vector_load_idx %arg6[%add3A_357, %add3A_281] : memref<64x256xf32, #tpu.memory_space<vmem>>[vector<16xi32>, vector<16xi32>], vector<16xf32>,
            %add3A_400 = vector.broadcast %mul3A_355 : i32 to vector<16xi32>
            %add3A_401 = arith.addi %add3A_343, %add3A_400 : vector<16xi32>
            tpu.vector_store_idx %arg8[%add3A_401], %gather3A_399 : memref<16384xf32, #tpu.memory_space<vmem>>[vector<16xi32>], vector<16xf32>,
            %gather3A_402 = tpu.vector_load_idx %arg6[%add3A_357, %add3A_283] : memref<64x256xf32, #tpu.memory_space<vmem>>[vector<16xi32>, vector<16xi32>], vector<16xf32>,
            %add3A_403 = vector.broadcast %mul3A_355 : i32 to vector<16xi32>
            %add3A_404 = arith.addi %add3A_347, %add3A_403 : vector<16xi32>
            tpu.vector_store_idx %arg8[%add3A_404], %gather3A_402 : memref<16384xf32, #tpu.memory_space<vmem>>[vector<16xi32>], vector<16xf32>,
          }
          %scan3A_352 = arith.constant 4 : i32
        }
        %scan3A_234 = arith.constant 16 : i32
        %ge3A_235 = arith.constant 1953 : i32
        %ge3A_236 = arith.cmpi sge, %add3A_207, %ge3A_235 : i32
        %convert_element_type3A_237 = arith.extui %ge3A_236 : i1 to i32
        %mul3A_238 = arith.constant 1953 : i32
        %mul3A_239 = arith.muli %convert_element_type3A_237, %mul3A_238 : i32
        %sub3A_240 = arith.subi %add3A_207, %mul3A_239 : i32
        %mul3A_241 = arith.constant 500000 : i32
        %mul3A_242 = arith.muli %convert_element_type3A_237, %mul3A_241 : i32
        %mul3A_243 = arith.constant 256 : i32
        %mul3A_244 = arith.muli %sub3A_240, %mul3A_243 : i32
        %add3A_245 = arith.addi %mul3A_242, %mul3A_244 : i32
        %mul3A_246 = arith.constant 64 : i32
        %mul3A_247 = arith.muli %add3A_245, %mul3A_246 : i32
        %dma_start3A = tpu.memref_slice %arg4[%mul3A_247] : memref<64000000xf32, #tpu.memory_space<hbm>> -> memref<16384xf32, #tpu.memory_space<hbm>>
        %dma_start3A_248 = tpu.memref_slice %arg4[%mul3A_247] : memref<64000000xf32, #tpu.memory_space<hbm>> -> memref<16384xf32, #tpu.memory_space<hbm>>
        tpu.enqueue_dma source(%arg8 : memref<16384xf32, #tpu.memory_space<vmem>>) target(%dma_start3A_248 : memref<16384xf32, #tpu.memory_space<hbm>>) target_semaphore(%arg11 : memref<!tpu.dma_semaphore, #tpu.memory_space<semaphore_mem>>)
      } else {
      }
    }
    %scan3A_174 = arith.constant 62 : i32
    %sub3A = arith.subi %min3A_168, %mul3A_165 : i32
    %ge3A = arith.constant 2 : i32
    %ge3A_175 = arith.cmpi sge, %sub3A, %ge3A : i32
    %convert_element_type3A_176 = arith.extui %ge3A_175 : i1 to i32
    %cond3A_177 = arith.constant 0 : i32
    %cond3A_178 = arith.cmpi ne, %convert_element_type3A_176, %cond3A_177 : i32
    scf.if %cond3A_178 {
      %dma_wait3A = arith.constant 0 : i32
      %dma_wait3A_193 = tpu.memref_slice %arg4[%dma_wait3A] : memref<64000000xf32, #tpu.memory_space<hbm>> -> memref<16384xf32, #tpu.memory_space<hbm>>
      %dma_wait3A_194 = arith.constant 0 : i32
      %dma_wait3A_195 = tpu.memref_slice %arg4[%dma_wait3A_194] : memref<64000000xf32, #tpu.memory_space<hbm>> -> memref<16384xf32, #tpu.memory_space<hbm>>
      tpu.wait_dma2 semaphore(%arg11 : memref<!tpu.dma_semaphore, #tpu.memory_space<semaphore_mem>>) src(%arg7 : memref<16384xf32, #tpu.memory_space<vmem>>) dst(%dma_wait3A_195 : memref<16384xf32, #tpu.memory_space<hbm>>)
    } else {
    }
    %ge3A_179 = arith.constant 1 : i32
    %ge3A_180 = arith.cmpi sge, %sub3A, %ge3A_179 : i32
    %convert_element_type3A_181 = arith.extui %ge3A_180 : i1 to i32
    %cond3A_182 = arith.constant 0 : i32
    %cond3A_183 = arith.cmpi ne, %convert_element_type3A_181, %cond3A_182 : i32
    scf.if %cond3A_183 {
      %dma_wait3A = arith.constant 0 : i32
      %dma_wait3A_193 = tpu.memref_slice %arg4[%dma_wait3A] : memref<64000000xf32, #tpu.memory_space<hbm>> -> memref<16384xf32, #tpu.memory_space<hbm>>
      %dma_wait3A_194 = arith.constant 0 : i32
      %dma_wait3A_195 = tpu.memref_slice %arg4[%dma_wait3A_194] : memref<64000000xf32, #tpu.memory_space<hbm>> -> memref<16384xf32, #tpu.memory_space<hbm>>
      tpu.wait_dma2 semaphore(%arg11 : memref<!tpu.dma_semaphore, #tpu.memory_space<semaphore_mem>>) src(%arg7 : memref<16384xf32, #tpu.memory_space<vmem>>) dst(%dma_wait3A_195 : memref<16384xf32, #tpu.memory_space<hbm>>)
    } else {
    }
    %eq3A = arith.constant 30 : i32
    %eq3A_184 = arith.cmpi eq, %add3A, %eq3A : i32
    %convert_element_type3A_185 = arith.extui %eq3A_184 : i1 to i32
    %cond3A_186 = arith.constant 0 : i32
    %cond3A_187 = arith.cmpi ne, %convert_element_type3A_185, %cond3A_186 : i32
    scf.if %cond3A_187 {
      %dma_start3A = arith.constant 0 : i32
      %dma_start3A_193 = arith.constant 499968 : i32
      %dma_start3A_194 = tpu.memref_slice %arg2[%dma_start3A, %dma_start3A_193] : memref<64x500000xf32, #tpu.memory_space<hbm>> -> memref<64x32xf32, #tpu.memory_space<hbm>>
      %dma_start3A_195 = arith.constant 0 : i32
      %dma_start3A_196 = arith.constant 499968 : i32
      %dma_start3A_197 = tpu.memref_slice %arg2[%dma_start3A_195, %dma_start3A_196] : memref<64x500000xf32, #tpu.memory_space<hbm>> -> memref<64x32xf32, #tpu.memory_space<hbm>>
      tpu.enqueue_dma source(%dma_start3A_197 : memref<64x32xf32, #tpu.memory_space<hbm>>) target(%arg9 : memref<64x32xf32, #tpu.memory_space<vmem>>) target_semaphore(%arg10 : memref<!tpu.dma_semaphore, #tpu.memory_space<semaphore_mem>>)
      %dma_wait3A = arith.constant 0 : i32
      %dma_wait3A_198 = arith.constant 499968 : i32
      %dma_wait3A_199 = tpu.memref_slice %arg2[%dma_wait3A, %dma_wait3A_198] : memref<64x500000xf32, #tpu.memory_space<hbm>> -> memref<64x32xf32, #tpu.memory_space<hbm>>
      %dma_wait3A_200 = arith.constant 0 : i32
      %dma_wait3A_201 = arith.constant 499968 : i32
      %dma_wait3A_202 = tpu.memref_slice %arg2[%dma_wait3A_200, %dma_wait3A_201] : memref<64x500000xf32, #tpu.memory_space<hbm>> -> memref<64x32xf32, #tpu.memory_space<hbm>>
      tpu.wait_dma2 semaphore(%arg10 : memref<!tpu.dma_semaphore, #tpu.memory_space<semaphore_mem>>) src(%dma_wait3A_202 : memref<64x32xf32, #tpu.memory_space<hbm>>) dst(%arg9 : memref<64x32xf32, #tpu.memory_space<vmem>>)
      %scan3A_203 = arith.constant 0 : i32
      %scan3A_204 = arith.constant 0 : i32
      %scan3A_205 = arith.constant 2 : i32
      %scan3A_206 = arith.addi %scan3A_204, %scan3A_205 : i32
      %scan3A_207 = arith.constant 1 : i32
      scf.for %scan3A_225 = %scan3A_204 to %scan3A_206 step %scan3A_207  : i32 {
        %mul3A_226 = arith.constant 16 : i32
        %mul3A_227 = arith.muli %scan3A_225, %mul3A_226 : i32
        %scan3A_228 = arith.constant 0 : i32
        %scan3A_229 = arith.constant 4 : i32
        %scan3A_230 = arith.addi %scan3A_228, %scan3A_229 : i32
        %scan3A_231 = arith.constant 1 : i32
        scf.for %scan3A_233 = %scan3A_228 to %scan3A_230 step %scan3A_231  : i32 {
          %mul3A_234 = arith.constant 16 : i32
          %mul3A_235 = arith.muli %scan3A_233, %mul3A_234 : i32
          %add3A_236 = vector.broadcast %mul3A_235 : i32 to vector<16xi32>
          %add3A_237 = arith.addi %add3A_236, %iota3A_4 : vector<16xi32>
          %mul3A_238 = arith.constant 64 : i32
          %mul3A_239 = arith.muli %mul3A_227, %mul3A_238 : i32
          %add3A_240 = arith.addi %mul3A_239, %mul3A_235 : i32
          %add3A_241 = vector.broadcast %mul3A_227 : i32 to vector<16xi32>
          %add3A_242 = arith.addi %add3A_241, %and3A_9 : vector<16xi32>
          %gather3A = tpu.vector_load_idx %arg9[%add3A_237, %add3A_242] : memref<64x32xf32, #tpu.memory_space<vmem>>[vector<16xi32>, vector<16xi32>], vector<16xf32>,
          %add3A_243 = vector.broadcast %add3A_240 : i32 to vector<16xi32>
          %add3A_244 = arith.addi %add3A_243, %add3A_103 : vector<16xi32>
          tpu.vector_store_idx %arg7[%add3A_244], %gather3A : memref<16384xf32, #tpu.memory_space<vmem>>[vector<16xi32>], vector<16xf32>,
          %add3A_245 = vector.broadcast %mul3A_227 : i32 to vector<16xi32>
          %add3A_246 = arith.addi %add3A_245, %and3A_15 : vector<16xi32>
          %gather3A_247 = tpu.vector_load_idx %arg9[%add3A_237, %add3A_246] : memref<64x32xf32, #tpu.memory_space<vmem>>[vector<16xi32>, vector<16xi32>], vector<16xf32>,
          %add3A_248 = vector.broadcast %add3A_240 : i32 to vector<16xi32>
          %add3A_249 = arith.addi %add3A_248, %add3A_107 : vector<16xi32>
          tpu.vector_store_idx %arg7[%add3A_249], %gather3A_247 : memref<16384xf32, #tpu.memory_space<vmem>>[vector<16xi32>], vector<16xf32>,
          %add3A_250 = vector.broadcast %mul3A_227 : i32 to vector<16xi32>
          %add3A_251 = arith.addi %add3A_250, %and3A_21 : vector<16xi32>
          %gather3A_252 = tpu.vector_load_idx %arg9[%add3A_237, %add3A_251] : memref<64x32xf32, #tpu.memory_space<vmem>>[vector<16xi32>, vector<16xi32>], vector<16xf32>,
          %add3A_253 = vector.broadcast %add3A_240 : i32 to vector<16xi32>
          %add3A_254 = arith.addi %add3A_253, %add3A_111 : vector<16xi32>
          tpu.vector_store_idx %arg7[%add3A_254], %gather3A_252 : memref<16384xf32, #tpu.memory_space<vmem>>[vector<16xi32>], vector<16xf32>,
          %add3A_255 = vector.broadcast %mul3A_227 : i32 to vector<16xi32>
          %add3A_256 = arith.addi %add3A_255, %and3A_27 : vector<16xi32>
          %gather3A_257 = tpu.vector_load_idx %arg9[%add3A_237, %add3A_256] : memref<64x32xf32, #tpu.memory_space<vmem>>[vector<16xi32>, vector<16xi32>], vector<16xf32>,
          %add3A_258 = vector.broadcast %add3A_240 : i32 to vector<16xi32>
          %add3A_259 = arith.addi %add3A_258, %add3A_115 : vector<16xi32>
          tpu.vector_store_idx %arg7[%add3A_259], %gather3A_257 : memref<16384xf32, #tpu.memory_space<vmem>>[vector<16xi32>], vector<16xf32>,
          %add3A_260 = vector.broadcast %mul3A_227 : i32 to vector<16xi32>
          %add3A_261 = arith.addi %add3A_260, %and3A_33 : vector<16xi32>
          %gather3A_262 = tpu.vector_load_idx %arg9[%add3A_237, %add3A_261] : memref<64x32xf32, #tpu.memory_space<vmem>>[vector<16xi32>, vector<16xi32>], vector<16xf32>,
          %add3A_263 = vector.broadcast %add3A_240 : i32 to vector<16xi32>
          %add3A_264 = arith.addi %add3A_263, %add3A_119 : vector<16xi32>
          tpu.vector_store_idx %arg7[%add3A_264], %gather3A_262 : memref<16384xf32, #tpu.memory_space<vmem>>[vector<16xi32>], vector<16xf32>,
          %add3A_265 = vector.broadcast %mul3A_227 : i32 to vector<16xi32>
          %add3A_266 = arith.addi %add3A_265, %and3A_39 : vector<16xi32>
          %gather3A_267 = tpu.vector_load_idx %arg9[%add3A_237, %add3A_266] : memref<64x32xf32, #tpu.memory_space<vmem>>[vector<16xi32>, vector<16xi32>], vector<16xf32>,
          %add3A_268 = vector.broadcast %add3A_240 : i32 to vector<16xi32>
          %add3A_269 = arith.addi %add3A_268, %add3A_123 : vector<16xi32>
          tpu.vector_store_idx %arg7[%add3A_269], %gather3A_267 : memref<16384xf32, #tpu.memory_space<vmem>>[vector<16xi32>], vector<16xf32>,
          %add3A_270 = vector.broadcast %mul3A_227 : i32 to vector<16xi32>
          %add3A_271 = arith.addi %add3A_270, %and3A_45 : vector<16xi32>
          %gather3A_272 = tpu.vector_load_idx %arg9[%add3A_237, %add3A_271] : memref<64x32xf32, #tpu.memory_space<vmem>>[vector<16xi32>, vector<16xi32>], vector<16xf32>,
          %add3A_273 = vector.broadcast %add3A_240 : i32 to vector<16xi32>
          %add3A_274 = arith.addi %add3A_273, %add3A_127 : vector<16xi32>
          tpu.vector_store_idx %arg7[%add3A_274], %gather3A_272 : memref<16384xf32, #tpu.memory_space<vmem>>[vector<16xi32>], vector<16xf32>,
          %add3A_275 = vector.broadcast %mul3A_227 : i32 to vector<16xi32>
          %add3A_276 = arith.addi %add3A_275, %and3A_51 : vector<16xi32>
          %gather3A_277 = tpu.vector_load_idx %arg9[%add3A_237, %add3A_276] : memref<64x32xf32, #tpu.memory_space<vmem>>[vector<16xi32>, vector<16xi32>], vector<16xf32>,
          %add3A_278 = vector.broadcast %add3A_240 : i32 to vector<16xi32>
          %add3A_279 = arith.addi %add3A_278, %add3A_131 : vector<16xi32>
          tpu.vector_store_idx %arg7[%add3A_279], %gather3A_277 : memref<16384xf32, #tpu.memory_space<vmem>>[vector<16xi32>], vector<16xf32>,
          %add3A_280 = vector.broadcast %mul3A_227 : i32 to vector<16xi32>
          %add3A_281 = arith.addi %add3A_280, %and3A_57 : vector<16xi32>
          %gather3A_282 = tpu.vector_load_idx %arg9[%add3A_237, %add3A_281] : memref<64x32xf32, #tpu.memory_space<vmem>>[vector<16xi32>, vector<16xi32>], vector<16xf32>,
          %add3A_283 = vector.broadcast %add3A_240 : i32 to vector<16xi32>
          %add3A_284 = arith.addi %add3A_283, %add3A_135 : vector<16xi32>
          tpu.vector_store_idx %arg7[%add3A_284], %gather3A_282 : memref<16384xf32, #tpu.memory_space<vmem>>[vector<16xi32>], vector<16xf32>,
          %add3A_285 = vector.broadcast %mul3A_227 : i32 to vector<16xi32>
          %add3A_286 = arith.addi %add3A_285, %and3A_63 : vector<16xi32>
          %gather3A_287 = tpu.vector_load_idx %arg9[%add3A_237, %add3A_286] : memref<64x32xf32, #tpu.memory_space<vmem>>[vector<16xi32>, vector<16xi32>], vector<16xf32>,
          %add3A_288 = vector.broadcast %add3A_240 : i32 to vector<16xi32>
          %add3A_289 = arith.addi %add3A_288, %add3A_139 : vector<16xi32>
          tpu.vector_store_idx %arg7[%add3A_289], %gather3A_287 : memref<16384xf32, #tpu.memory_space<vmem>>[vector<16xi32>], vector<16xf32>,
          %add3A_290 = vector.broadcast %mul3A_227 : i32 to vector<16xi32>
          %add3A_291 = arith.addi %add3A_290, %and3A_69 : vector<16xi32>
          %gather3A_292 = tpu.vector_load_idx %arg9[%add3A_237, %add3A_291] : memref<64x32xf32, #tpu.memory_space<vmem>>[vector<16xi32>, vector<16xi32>], vector<16xf32>,
          %add3A_293 = vector.broadcast %add3A_240 : i32 to vector<16xi32>
          %add3A_294 = arith.addi %add3A_293, %add3A_143 : vector<16xi32>
          tpu.vector_store_idx %arg7[%add3A_294], %gather3A_292 : memref<16384xf32, #tpu.memory_space<vmem>>[vector<16xi32>], vector<16xf32>,
          %add3A_295 = vector.broadcast %mul3A_227 : i32 to vector<16xi32>
          %add3A_296 = arith.addi %add3A_295, %and3A_75 : vector<16xi32>
          %gather3A_297 = tpu.vector_load_idx %arg9[%add3A_237, %add3A_296] : memref<64x32xf32, #tpu.memory_space<vmem>>[vector<16xi32>, vector<16xi32>], vector<16xf32>,
          %add3A_298 = vector.broadcast %add3A_240 : i32 to vector<16xi32>
          %add3A_299 = arith.addi %add3A_298, %add3A_147 : vector<16xi32>
          tpu.vector_store_idx %arg7[%add3A_299], %gather3A_297 : memref<16384xf32, #tpu.memory_space<vmem>>[vector<16xi32>], vector<16xf32>,
          %add3A_300 = vector.broadcast %mul3A_227 : i32 to vector<16xi32>
          %add3A_301 = arith.addi %add3A_300, %and3A_81 : vector<16xi32>
          %gather3A_302 = tpu.vector_load_idx %arg9[%add3A_237, %add3A_301] : memref<64x32xf32, #tpu.memory_space<vmem>>[vector<16xi32>, vector<16xi32>], vector<16xf32>,
          %add3A_303 = vector.broadcast %add3A_240 : i32 to vector<16xi32>
          %add3A_304 = arith.addi %add3A_303, %add3A_151 : vector<16xi32>
          tpu.vector_store_idx %arg7[%add3A_304], %gather3A_302 : memref<16384xf32, #tpu.memory_space<vmem>>[vector<16xi32>], vector<16xf32>,
          %add3A_305 = vector.broadcast %mul3A_227 : i32 to vector<16xi32>
          %add3A_306 = arith.addi %add3A_305, %and3A_87 : vector<16xi32>
          %gather3A_307 = tpu.vector_load_idx %arg9[%add3A_237, %add3A_306] : memref<64x32xf32, #tpu.memory_space<vmem>>[vector<16xi32>, vector<16xi32>], vector<16xf32>,
          %add3A_308 = vector.broadcast %add3A_240 : i32 to vector<16xi32>
          %add3A_309 = arith.addi %add3A_308, %add3A_155 : vector<16xi32>
          tpu.vector_store_idx %arg7[%add3A_309], %gather3A_307 : memref<16384xf32, #tpu.memory_space<vmem>>[vector<16xi32>], vector<16xf32>,
          %add3A_310 = vector.broadcast %mul3A_227 : i32 to vector<16xi32>
          %add3A_311 = arith.addi %add3A_310, %and3A_93 : vector<16xi32>
          %gather3A_312 = tpu.vector_load_idx %arg9[%add3A_237, %add3A_311] : memref<64x32xf32, #tpu.memory_space<vmem>>[vector<16xi32>, vector<16xi32>], vector<16xf32>,
          %add3A_313 = vector.broadcast %add3A_240 : i32 to vector<16xi32>
          %add3A_314 = arith.addi %add3A_313, %add3A_159 : vector<16xi32>
          tpu.vector_store_idx %arg7[%add3A_314], %gather3A_312 : memref<16384xf32, #tpu.memory_space<vmem>>[vector<16xi32>], vector<16xf32>,
          %add3A_315 = vector.broadcast %mul3A_227 : i32 to vector<16xi32>
          %add3A_316 = arith.addi %add3A_315, %and3A_99 : vector<16xi32>
          %gather3A_317 = tpu.vector_load_idx %arg9[%add3A_237, %add3A_316] : memref<64x32xf32, #tpu.memory_space<vmem>>[vector<16xi32>, vector<16xi32>], vector<16xf32>,
          %add3A_318 = vector.broadcast %add3A_240 : i32 to vector<16xi32>
          %add3A_319 = arith.addi %add3A_318, %add3A_163 : vector<16xi32>
          tpu.vector_store_idx %arg7[%add3A_319], %gather3A_317 : memref<16384xf32, #tpu.memory_space<vmem>>[vector<16xi32>], vector<16xf32>,
        }
        %scan3A_232 = arith.constant 4 : i32
      }
      %scan3A_208 = arith.constant 2 : i32
      %dma_start3A_209 = arith.constant 0 : i32
      %dma_start3A_210 = tpu.memref_slice %arg7[%dma_start3A_209] : memref<16384xf32, #tpu.memory_space<vmem>> -> memref<2048xf32, #tpu.memory_space<vmem>>
      %dma_start3A_211 = arith.constant 31997952 : i32
      %dma_start3A_212 = tpu.memref_slice %arg4[%dma_start3A_211] : memref<64000000xf32, #tpu.memory_space<hbm>> -> memref<2048xf32, #tpu.memory_space<hbm>>
      %dma_start3A_213 = arith.constant 31997952 : i32
      %dma_start3A_214 = tpu.memref_slice %arg4[%dma_start3A_213] : memref<64000000xf32, #tpu.memory_space<hbm>> -> memref<2048xf32, #tpu.memory_space<hbm>>
      %dma_start3A_215 = arith.constant 0 : i32
      %dma_start3A_216 = tpu.memref_slice %arg7[%dma_start3A_215] : memref<16384xf32, #tpu.memory_space<vmem>> -> memref<2048xf32, #tpu.memory_space<vmem>>
      tpu.enqueue_dma source(%dma_start3A_216 : memref<2048xf32, #tpu.memory_space<vmem>>) target(%dma_start3A_214 : memref<2048xf32, #tpu.memory_space<hbm>>) target_semaphore(%arg11 : memref<!tpu.dma_semaphore, #tpu.memory_space<semaphore_mem>>)
      %dma_wait3A_217 = arith.constant 0 : i32
      %dma_wait3A_218 = tpu.memref_slice %arg7[%dma_wait3A_217] : memref<16384xf32, #tpu.memory_space<vmem>> -> memref<2048xf32, #tpu.memory_space<vmem>>
      %dma_wait3A_219 = arith.constant 31997952 : i32
      %dma_wait3A_220 = tpu.memref_slice %arg4[%dma_wait3A_219] : memref<64000000xf32, #tpu.memory_space<hbm>> -> memref<2048xf32, #tpu.memory_space<hbm>>
      %dma_wait3A_221 = arith.constant 31997952 : i32
      %dma_wait3A_222 = tpu.memref_slice %arg4[%dma_wait3A_221] : memref<64000000xf32, #tpu.memory_space<hbm>> -> memref<2048xf32, #tpu.memory_space<hbm>>
      %dma_wait3A_223 = arith.constant 0 : i32
      %dma_wait3A_224 = tpu.memref_slice %arg7[%dma_wait3A_223] : memref<16384xf32, #tpu.memory_space<vmem>> -> memref<2048xf32, #tpu.memory_space<vmem>>
      tpu.wait_dma2 semaphore(%arg11 : memref<!tpu.dma_semaphore, #tpu.memory_space<semaphore_mem>>) src(%dma_wait3A_224 : memref<2048xf32, #tpu.memory_space<vmem>>) dst(%dma_wait3A_222 : memref<2048xf32, #tpu.memory_space<hbm>>)
    } else {
    }
    %eq3A_188 = arith.constant 31 : i32
    %eq3A_189 = arith.cmpi eq, %add3A, %eq3A_188 : i32
    %convert_element_type3A_190 = arith.extui %eq3A_189 : i1 to i32
    %cond3A_191 = arith.constant 0 : i32
    %cond3A_192 = arith.cmpi ne, %convert_element_type3A_190, %cond3A_191 : i32
    scf.if %cond3A_192 {
      %dma_start3A = arith.constant 0 : i32
      %dma_start3A_193 = arith.constant 499968 : i32
      %dma_start3A_194 = tpu.memref_slice %arg3[%dma_start3A, %dma_start3A_193] : memref<64x500000xf32, #tpu.memory_space<hbm>> -> memref<64x32xf32, #tpu.memory_space<hbm>>
      %dma_start3A_195 = arith.constant 0 : i32
      %dma_start3A_196 = arith.constant 499968 : i32
      %dma_start3A_197 = tpu.memref_slice %arg3[%dma_start3A_195, %dma_start3A_196] : memref<64x500000xf32, #tpu.memory_space<hbm>> -> memref<64x32xf32, #tpu.memory_space<hbm>>
      tpu.enqueue_dma source(%dma_start3A_197 : memref<64x32xf32, #tpu.memory_space<hbm>>) target(%arg9 : memref<64x32xf32, #tpu.memory_space<vmem>>) target_semaphore(%arg10 : memref<!tpu.dma_semaphore, #tpu.memory_space<semaphore_mem>>)
      %dma_wait3A = arith.constant 0 : i32
      %dma_wait3A_198 = arith.constant 499968 : i32
      %dma_wait3A_199 = tpu.memref_slice %arg3[%dma_wait3A, %dma_wait3A_198] : memref<64x500000xf32, #tpu.memory_space<hbm>> -> memref<64x32xf32, #tpu.memory_space<hbm>>
      %dma_wait3A_200 = arith.constant 0 : i32
      %dma_wait3A_201 = arith.constant 499968 : i32
      %dma_wait3A_202 = tpu.memref_slice %arg3[%dma_wait3A_200, %dma_wait3A_201] : memref<64x500000xf32, #tpu.memory_space<hbm>> -> memref<64x32xf32, #tpu.memory_space<hbm>>
      tpu.wait_dma2 semaphore(%arg10 : memref<!tpu.dma_semaphore, #tpu.memory_space<semaphore_mem>>) src(%dma_wait3A_202 : memref<64x32xf32, #tpu.memory_space<hbm>>) dst(%arg9 : memref<64x32xf32, #tpu.memory_space<vmem>>)
      %scan3A_203 = arith.constant 0 : i32
      %scan3A_204 = arith.constant 0 : i32
      %scan3A_205 = arith.constant 2 : i32
      %scan3A_206 = arith.addi %scan3A_204, %scan3A_205 : i32
      %scan3A_207 = arith.constant 1 : i32
      scf.for %scan3A_225 = %scan3A_204 to %scan3A_206 step %scan3A_207  : i32 {
        %mul3A_226 = arith.constant 16 : i32
        %mul3A_227 = arith.muli %scan3A_225, %mul3A_226 : i32
        %scan3A_228 = arith.constant 0 : i32
        %scan3A_229 = arith.constant 4 : i32
        %scan3A_230 = arith.addi %scan3A_228, %scan3A_229 : i32
        %scan3A_231 = arith.constant 1 : i32
        scf.for %scan3A_233 = %scan3A_228 to %scan3A_230 step %scan3A_231  : i32 {
          %mul3A_234 = arith.constant 16 : i32
          %mul3A_235 = arith.muli %scan3A_233, %mul3A_234 : i32
          %add3A_236 = vector.broadcast %mul3A_235 : i32 to vector<16xi32>
          %add3A_237 = arith.addi %add3A_236, %iota3A_4 : vector<16xi32>
          %mul3A_238 = arith.constant 64 : i32
          %mul3A_239 = arith.muli %mul3A_227, %mul3A_238 : i32
          %add3A_240 = arith.addi %mul3A_239, %mul3A_235 : i32
          %add3A_241 = vector.broadcast %mul3A_227 : i32 to vector<16xi32>
          %add3A_242 = arith.addi %add3A_241, %and3A_9 : vector<16xi32>
          %gather3A = tpu.vector_load_idx %arg9[%add3A_237, %add3A_242] : memref<64x32xf32, #tpu.memory_space<vmem>>[vector<16xi32>, vector<16xi32>], vector<16xf32>,
          %add3A_243 = vector.broadcast %add3A_240 : i32 to vector<16xi32>
          %add3A_244 = arith.addi %add3A_243, %add3A_103 : vector<16xi32>
          tpu.vector_store_idx %arg7[%add3A_244], %gather3A : memref<16384xf32, #tpu.memory_space<vmem>>[vector<16xi32>], vector<16xf32>,
          %add3A_245 = vector.broadcast %mul3A_227 : i32 to vector<16xi32>
          %add3A_246 = arith.addi %add3A_245, %and3A_15 : vector<16xi32>
          %gather3A_247 = tpu.vector_load_idx %arg9[%add3A_237, %add3A_246] : memref<64x32xf32, #tpu.memory_space<vmem>>[vector<16xi32>, vector<16xi32>], vector<16xf32>,
          %add3A_248 = vector.broadcast %add3A_240 : i32 to vector<16xi32>
          %add3A_249 = arith.addi %add3A_248, %add3A_107 : vector<16xi32>
          tpu.vector_store_idx %arg7[%add3A_249], %gather3A_247 : memref<16384xf32, #tpu.memory_space<vmem>>[vector<16xi32>], vector<16xf32>,
          %add3A_250 = vector.broadcast %mul3A_227 : i32 to vector<16xi32>
          %add3A_251 = arith.addi %add3A_250, %and3A_21 : vector<16xi32>
          %gather3A_252 = tpu.vector_load_idx %arg9[%add3A_237, %add3A_251] : memref<64x32xf32, #tpu.memory_space<vmem>>[vector<16xi32>, vector<16xi32>], vector<16xf32>,
          %add3A_253 = vector.broadcast %add3A_240 : i32 to vector<16xi32>
          %add3A_254 = arith.addi %add3A_253, %add3A_111 : vector<16xi32>
          tpu.vector_store_idx %arg7[%add3A_254], %gather3A_252 : memref<16384xf32, #tpu.memory_space<vmem>>[vector<16xi32>], vector<16xf32>,
          %add3A_255 = vector.broadcast %mul3A_227 : i32 to vector<16xi32>
          %add3A_256 = arith.addi %add3A_255, %and3A_27 : vector<16xi32>
          %gather3A_257 = tpu.vector_load_idx %arg9[%add3A_237, %add3A_256] : memref<64x32xf32, #tpu.memory_space<vmem>>[vector<16xi32>, vector<16xi32>], vector<16xf32>,
          %add3A_258 = vector.broadcast %add3A_240 : i32 to vector<16xi32>
          %add3A_259 = arith.addi %add3A_258, %add3A_115 : vector<16xi32>
          tpu.vector_store_idx %arg7[%add3A_259], %gather3A_257 : memref<16384xf32, #tpu.memory_space<vmem>>[vector<16xi32>], vector<16xf32>,
          %add3A_260 = vector.broadcast %mul3A_227 : i32 to vector<16xi32>
          %add3A_261 = arith.addi %add3A_260, %and3A_33 : vector<16xi32>
          %gather3A_262 = tpu.vector_load_idx %arg9[%add3A_237, %add3A_261] : memref<64x32xf32, #tpu.memory_space<vmem>>[vector<16xi32>, vector<16xi32>], vector<16xf32>,
          %add3A_263 = vector.broadcast %add3A_240 : i32 to vector<16xi32>
          %add3A_264 = arith.addi %add3A_263, %add3A_119 : vector<16xi32>
          tpu.vector_store_idx %arg7[%add3A_264], %gather3A_262 : memref<16384xf32, #tpu.memory_space<vmem>>[vector<16xi32>], vector<16xf32>,
          %add3A_265 = vector.broadcast %mul3A_227 : i32 to vector<16xi32>
          %add3A_266 = arith.addi %add3A_265, %and3A_39 : vector<16xi32>
          %gather3A_267 = tpu.vector_load_idx %arg9[%add3A_237, %add3A_266] : memref<64x32xf32, #tpu.memory_space<vmem>>[vector<16xi32>, vector<16xi32>], vector<16xf32>,
          %add3A_268 = vector.broadcast %add3A_240 : i32 to vector<16xi32>
          %add3A_269 = arith.addi %add3A_268, %add3A_123 : vector<16xi32>
          tpu.vector_store_idx %arg7[%add3A_269], %gather3A_267 : memref<16384xf32, #tpu.memory_space<vmem>>[vector<16xi32>], vector<16xf32>,
          %add3A_270 = vector.broadcast %mul3A_227 : i32 to vector<16xi32>
          %add3A_271 = arith.addi %add3A_270, %and3A_45 : vector<16xi32>
          %gather3A_272 = tpu.vector_load_idx %arg9[%add3A_237, %add3A_271] : memref<64x32xf32, #tpu.memory_space<vmem>>[vector<16xi32>, vector<16xi32>], vector<16xf32>,
          %add3A_273 = vector.broadcast %add3A_240 : i32 to vector<16xi32>
          %add3A_274 = arith.addi %add3A_273, %add3A_127 : vector<16xi32>
          tpu.vector_store_idx %arg7[%add3A_274], %gather3A_272 : memref<16384xf32, #tpu.memory_space<vmem>>[vector<16xi32>], vector<16xf32>,
          %add3A_275 = vector.broadcast %mul3A_227 : i32 to vector<16xi32>
          %add3A_276 = arith.addi %add3A_275, %and3A_51 : vector<16xi32>
          %gather3A_277 = tpu.vector_load_idx %arg9[%add3A_237, %add3A_276] : memref<64x32xf32, #tpu.memory_space<vmem>>[vector<16xi32>, vector<16xi32>], vector<16xf32>,
          %add3A_278 = vector.broadcast %add3A_240 : i32 to vector<16xi32>
          %add3A_279 = arith.addi %add3A_278, %add3A_131 : vector<16xi32>
          tpu.vector_store_idx %arg7[%add3A_279], %gather3A_277 : memref<16384xf32, #tpu.memory_space<vmem>>[vector<16xi32>], vector<16xf32>,
          %add3A_280 = vector.broadcast %mul3A_227 : i32 to vector<16xi32>
          %add3A_281 = arith.addi %add3A_280, %and3A_57 : vector<16xi32>
          %gather3A_282 = tpu.vector_load_idx %arg9[%add3A_237, %add3A_281] : memref<64x32xf32, #tpu.memory_space<vmem>>[vector<16xi32>, vector<16xi32>], vector<16xf32>,
          %add3A_283 = vector.broadcast %add3A_240 : i32 to vector<16xi32>
          %add3A_284 = arith.addi %add3A_283, %add3A_135 : vector<16xi32>
          tpu.vector_store_idx %arg7[%add3A_284], %gather3A_282 : memref<16384xf32, #tpu.memory_space<vmem>>[vector<16xi32>], vector<16xf32>,
          %add3A_285 = vector.broadcast %mul3A_227 : i32 to vector<16xi32>
          %add3A_286 = arith.addi %add3A_285, %and3A_63 : vector<16xi32>
          %gather3A_287 = tpu.vector_load_idx %arg9[%add3A_237, %add3A_286] : memref<64x32xf32, #tpu.memory_space<vmem>>[vector<16xi32>, vector<16xi32>], vector<16xf32>,
          %add3A_288 = vector.broadcast %add3A_240 : i32 to vector<16xi32>
          %add3A_289 = arith.addi %add3A_288, %add3A_139 : vector<16xi32>
          tpu.vector_store_idx %arg7[%add3A_289], %gather3A_287 : memref<16384xf32, #tpu.memory_space<vmem>>[vector<16xi32>], vector<16xf32>,
          %add3A_290 = vector.broadcast %mul3A_227 : i32 to vector<16xi32>
          %add3A_291 = arith.addi %add3A_290, %and3A_69 : vector<16xi32>
          %gather3A_292 = tpu.vector_load_idx %arg9[%add3A_237, %add3A_291] : memref<64x32xf32, #tpu.memory_space<vmem>>[vector<16xi32>, vector<16xi32>], vector<16xf32>,
          %add3A_293 = vector.broadcast %add3A_240 : i32 to vector<16xi32>
          %add3A_294 = arith.addi %add3A_293, %add3A_143 : vector<16xi32>
          tpu.vector_store_idx %arg7[%add3A_294], %gather3A_292 : memref<16384xf32, #tpu.memory_space<vmem>>[vector<16xi32>], vector<16xf32>,
          %add3A_295 = vector.broadcast %mul3A_227 : i32 to vector<16xi32>
          %add3A_296 = arith.addi %add3A_295, %and3A_75 : vector<16xi32>
          %gather3A_297 = tpu.vector_load_idx %arg9[%add3A_237, %add3A_296] : memref<64x32xf32, #tpu.memory_space<vmem>>[vector<16xi32>, vector<16xi32>], vector<16xf32>,
          %add3A_298 = vector.broadcast %add3A_240 : i32 to vector<16xi32>
          %add3A_299 = arith.addi %add3A_298, %add3A_147 : vector<16xi32>
          tpu.vector_store_idx %arg7[%add3A_299], %gather3A_297 : memref<16384xf32, #tpu.memory_space<vmem>>[vector<16xi32>], vector<16xf32>,
          %add3A_300 = vector.broadcast %mul3A_227 : i32 to vector<16xi32>
          %add3A_301 = arith.addi %add3A_300, %and3A_81 : vector<16xi32>
          %gather3A_302 = tpu.vector_load_idx %arg9[%add3A_237, %add3A_301] : memref<64x32xf32, #tpu.memory_space<vmem>>[vector<16xi32>, vector<16xi32>], vector<16xf32>,
          %add3A_303 = vector.broadcast %add3A_240 : i32 to vector<16xi32>
          %add3A_304 = arith.addi %add3A_303, %add3A_151 : vector<16xi32>
          tpu.vector_store_idx %arg7[%add3A_304], %gather3A_302 : memref<16384xf32, #tpu.memory_space<vmem>>[vector<16xi32>], vector<16xf32>,
          %add3A_305 = vector.broadcast %mul3A_227 : i32 to vector<16xi32>
          %add3A_306 = arith.addi %add3A_305, %and3A_87 : vector<16xi32>
          %gather3A_307 = tpu.vector_load_idx %arg9[%add3A_237, %add3A_306] : memref<64x32xf32, #tpu.memory_space<vmem>>[vector<16xi32>, vector<16xi32>], vector<16xf32>,
          %add3A_308 = vector.broadcast %add3A_240 : i32 to vector<16xi32>
          %add3A_309 = arith.addi %add3A_308, %add3A_155 : vector<16xi32>
          tpu.vector_store_idx %arg7[%add3A_309], %gather3A_307 : memref<16384xf32, #tpu.memory_space<vmem>>[vector<16xi32>], vector<16xf32>,
          %add3A_310 = vector.broadcast %mul3A_227 : i32 to vector<16xi32>
          %add3A_311 = arith.addi %add3A_310, %and3A_93 : vector<16xi32>
          %gather3A_312 = tpu.vector_load_idx %arg9[%add3A_237, %add3A_311] : memref<64x32xf32, #tpu.memory_space<vmem>>[vector<16xi32>, vector<16xi32>], vector<16xf32>,
          %add3A_313 = vector.broadcast %add3A_240 : i32 to vector<16xi32>
          %add3A_314 = arith.addi %add3A_313, %add3A_159 : vector<16xi32>
          tpu.vector_store_idx %arg7[%add3A_314], %gather3A_312 : memref<16384xf32, #tpu.memory_space<vmem>>[vector<16xi32>], vector<16xf32>,
          %add3A_315 = vector.broadcast %mul3A_227 : i32 to vector<16xi32>
          %add3A_316 = arith.addi %add3A_315, %and3A_99 : vector<16xi32>
          %gather3A_317 = tpu.vector_load_idx %arg9[%add3A_237, %add3A_316] : memref<64x32xf32, #tpu.memory_space<vmem>>[vector<16xi32>, vector<16xi32>], vector<16xf32>,
          %add3A_318 = vector.broadcast %add3A_240 : i32 to vector<16xi32>
          %add3A_319 = arith.addi %add3A_318, %add3A_163 : vector<16xi32>
          tpu.vector_store_idx %arg7[%add3A_319], %gather3A_317 : memref<16384xf32, #tpu.memory_space<vmem>>[vector<16xi32>], vector<16xf32>,
        }
        %scan3A_232 = arith.constant 4 : i32
      }
      %scan3A_208 = arith.constant 2 : i32
      %dma_start3A_209 = arith.constant 0 : i32
      %dma_start3A_210 = tpu.memref_slice %arg7[%dma_start3A_209] : memref<16384xf32, #tpu.memory_space<vmem>> -> memref<2048xf32, #tpu.memory_space<vmem>>
      %dma_start3A_211 = arith.constant 63997952 : i32
      %dma_start3A_212 = tpu.memref_slice %arg4[%dma_start3A_211] : memref<64000000xf32, #tpu.memory_space<hbm>> -> memref<2048xf32, #tpu.memory_space<hbm>>
      %dma_start3A_213 = arith.constant 63997952 : i32
      %dma_start3A_214 = tpu.memref_slice %arg4[%dma_start3A_213] : memref<64000000xf32, #tpu.memory_space<hbm>> -> memref<2048xf32, #tpu.memory_space<hbm>>
      %dma_start3A_215 = arith.constant 0 : i32
      %dma_start3A_216 = tpu.memref_slice %arg7[%dma_start3A_215] : memref<16384xf32, #tpu.memory_space<vmem>> -> memref<2048xf32, #tpu.memory_space<vmem>>
      tpu.enqueue_dma source(%dma_start3A_216 : memref<2048xf32, #tpu.memory_space<vmem>>) target(%dma_start3A_214 : memref<2048xf32, #tpu.memory_space<hbm>>) target_semaphore(%arg11 : memref<!tpu.dma_semaphore, #tpu.memory_space<semaphore_mem>>)
      %dma_wait3A_217 = arith.constant 0 : i32
      %dma_wait3A_218 = tpu.memref_slice %arg7[%dma_wait3A_217] : memref<16384xf32, #tpu.memory_space<vmem>> -> memref<2048xf32, #tpu.memory_space<vmem>>
      %dma_wait3A_219 = arith.constant 63997952 : i32
      %dma_wait3A_220 = tpu.memref_slice %arg4[%dma_wait3A_219] : memref<64000000xf32, #tpu.memory_space<hbm>> -> memref<2048xf32, #tpu.memory_space<hbm>>
      %dma_wait3A_221 = arith.constant 63997952 : i32
      %dma_wait3A_222 = tpu.memref_slice %arg4[%dma_wait3A_221] : memref<64000000xf32, #tpu.memory_space<hbm>> -> memref<2048xf32, #tpu.memory_space<hbm>>
      %dma_wait3A_223 = arith.constant 0 : i32
      %dma_wait3A_224 = tpu.memref_slice %arg7[%dma_wait3A_223] : memref<16384xf32, #tpu.memory_space<vmem>> -> memref<2048xf32, #tpu.memory_space<vmem>>
      tpu.wait_dma2 semaphore(%arg11 : memref<!tpu.dma_semaphore, #tpu.memory_space<semaphore_mem>>) src(%dma_wait3A_224 : memref<2048xf32, #tpu.memory_space<vmem>>) dst(%dma_wait3A_222 : memref<2048xf32, #tpu.memory_space<hbm>>)
    } else {
    }
    return
  }
}

#map = affine_map<(d0, d1) -> (0, 0)>
#map1 = affine_map<(d0, d1) -> (0)>
module attributes {stable_mosaic.version = 14 : i64} {
  func.func @k(%arg0: i32, %arg1: i32, %arg2: memref<1000000x64xf32, #tpu.memory_space<hbm>>, %arg3: memref<819200xi32, #tpu.memory_space<hbm>>, %arg4: memref<1638400x64xf32, #tpu.memory_space<hbm>>, %arg5: memref<25600xi32, #tpu.memory_space<vmem>>, %arg6: memref<25600xi32, #tpu.memory_space<vmem>>, %arg7: memref<2x128x64xf32, #tpu.memory_space<vmem>>, %arg8: memref<!tpu.dma_semaphore, #tpu.memory_space<semaphore_mem>>, %arg9: memref<!tpu.dma_semaphore, #tpu.memory_space<semaphore_mem>>, %arg10: memref<!tpu.dma_semaphore, #tpu.memory_space<semaphore_mem>>) attributes {dimension_semantics = [#tpu.dimension_semantics<core_parallel>, #tpu.dimension_semantics<subcore_parallel>], iteration_bounds = array<i64: 2, 16>, scalar_prefetch = 0 : i64, scratch_operands = 6 : i64, tpu.core_type = #tpu.core_type<sc_vector_subcore>, window_params = [{transform_indices = #map}, {transform_indices = #map1}, {transform_indices = #map}]} {
    %mul3A = arith.constant 2 : i32
    %mul3A_0 = arith.muli %arg1, %mul3A : i32
    %add3A = arith.addi %mul3A_0, %arg0 : i32
    %mul3A_1 = arith.constant 25600 : i32
    %mul3A_2 = arith.muli %add3A, %mul3A_1 : i32
    %dma_start3A = tpu.memref_slice %arg3[%mul3A_2] : memref<819200xi32, #tpu.memory_space<hbm>> -> memref<25600xi32, #tpu.memory_space<hbm>>
    %dma_start3A_3 = tpu.memref_slice %arg3[%mul3A_2] : memref<819200xi32, #tpu.memory_space<hbm>> -> memref<25600xi32, #tpu.memory_space<hbm>>
    tpu.enqueue_dma source(%dma_start3A_3 : memref<25600xi32, #tpu.memory_space<hbm>>) target(%arg5 : memref<25600xi32, #tpu.memory_space<vmem>>) target_semaphore(%arg8 : memref<!tpu.dma_semaphore, #tpu.memory_space<semaphore_mem>>)
    %dma_wait3A = tpu.memref_slice %arg3[%mul3A_2] : memref<819200xi32, #tpu.memory_space<hbm>> -> memref<25600xi32, #tpu.memory_space<hbm>>
    %dma_wait3A_4 = tpu.memref_slice %arg3[%mul3A_2] : memref<819200xi32, #tpu.memory_space<hbm>> -> memref<25600xi32, #tpu.memory_space<hbm>>
    tpu.wait_dma2 semaphore(%arg8 : memref<!tpu.dma_semaphore, #tpu.memory_space<semaphore_mem>>) src(%dma_wait3A_4 : memref<25600xi32, #tpu.memory_space<hbm>>) dst(%arg5 : memref<25600xi32, #tpu.memory_space<vmem>>)
    %iota3A = tpu.iota {dimensions = array<i32: 0>} : vector<16xi32>
    %scan3A = arith.constant 0 : i32
    %scan3A_5 = arith.constant 0 : i32
    %scan3A_6 = arith.constant 1600 : i32
    %scan3A_7 = arith.addi %scan3A_5, %scan3A_6 : i32
    %scan3A_8 = arith.constant 1 : i32
    scf.for %scan3A_37 = %scan3A_5 to %scan3A_7 step %scan3A_8  : i32 {
      %mul3A_38 = arith.constant 16 : i32
      %mul3A_39 = arith.muli %scan3A_37, %mul3A_38 : i32
      %add3A_40 = arith.addi %mul3A_2, %mul3A_39 : i32
      %add3A_41 = vector.broadcast %add3A_40 : i32 to vector<16xi32>
      %add3A_42 = arith.addi %add3A_41, %iota3A : vector<16xi32>
      %mul3A_43 = arith.constant 2 : i32
      %mul3A_44 = vector.broadcast %mul3A_43 : i32 to vector<16xi32>
      %mul3A_45 = arith.muli %mul3A_44, %add3A_42 : vector<16xi32>
      %mul3A_46 = arith.constant 16 : i32
      %mul3A_47 = arith.muli %scan3A_37, %mul3A_46 : i32
      %swap3A = arith.index_cast %mul3A_47 : i32 to index
      %swap3A_48 = tpu.vector_load %arg6[%swap3A] {strides = array<i32>} : memref<25600xi32, #tpu.memory_space<vmem>>, vector<16xi32>,
      tpu.vector_store %arg6[%swap3A], %mul3A_45 {strides = array<i32>} : memref<25600xi32, #tpu.memory_space<vmem>>, vector<16xi32>,
    }
    %scan3A_9 = arith.constant 1600 : i32
    %mul3A_10 = arith.constant 0 : i32
    %mul3A_11 = arith.constant 128 : i32
    %mul3A_12 = arith.muli %mul3A_10, %mul3A_11 : i32
    %jit3A = arith.constant 0 : i32
    %jit3A_13 = arith.constant 2 : i32
    %eq3A = arith.constant 0 : i32
    %eq3A_14 = arith.cmpi eq, %jit3A_13, %eq3A : i32
    %jit3A_15 = arith.constant 1 : i32
    %select_n3A = arith.select %eq3A_14, %jit3A_15, %jit3A_13 : i32
    %rem3A = arith.remsi %jit3A, %select_n3A : i32
    %ne3A = arith.constant 0 : i32
    %ne3A_16 = arith.cmpi ne, %rem3A, %ne3A : i32
    %lt3A = arith.constant 0 : i32
    %lt3A_17 = arith.cmpi slt, %rem3A, %lt3A : i32
    %lt3A_18 = arith.constant 0 : i32
    %lt3A_19 = arith.cmpi slt, %select_n3A, %lt3A_18 : i32
    %ne3A_20 = arith.xori %lt3A_17, %lt3A_19 : i1
    %and3A = arith.andi %ne3A_20, %ne3A_16 : i1
    %add3A_21 = arith.addi %rem3A, %select_n3A : i32
    %select_n3A_22 = arith.select %and3A, %add3A_21, %rem3A : i32
    %dma_start3A_23 = arith.constant 0 : i32
    %dma_start3A_24 = arith.constant 0 : i32
    %dma_start3A_25 = tpu.memref_slice %arg7[%select_n3A_22, %dma_start3A_23, %dma_start3A_24] : memref<2x128x64xf32, #tpu.memory_space<vmem>> -> memref<1x128x64xf32, #tpu.memory_space<vmem>>
    %dma_start3A_26 = tpu.memref_squeeze %dma_start3A_25 : memref<1x128x64xf32, #tpu.memory_space<vmem>> -> memref<128x64xf32, #tpu.memory_space<vmem>>
    %dma_start3A_27 = tpu.memref_slice %arg5[%mul3A_12] : memref<25600xi32, #tpu.memory_space<vmem>> -> memref<128xi32, #tpu.memory_space<vmem>>
    %dma_start3A_28 = arith.constant 0 : i32
    %dma_start3A_29 = arith.constant 0 : i32
    %dma_start3A_30 = tpu.memref_slice %arg2[%dma_start3A_28, %dma_start3A_29] : memref<1000000x64xf32, #tpu.memory_space<hbm>> -> memref<1000000x64xf32, #tpu.memory_space<hbm>>
    tpu.enqueue_indirect_dma source(%dma_start3A_30 : memref<1000000x64xf32, #tpu.memory_space<hbm>>) target(%dma_start3A_26 : memref<128x64xf32, #tpu.memory_space<vmem>>) offsets(%dma_start3A_27 : memref<128xi32, #tpu.memory_space<vmem>>) semaphore(%arg9 : memref<!tpu.dma_semaphore, #tpu.memory_space<semaphore_mem>>)
    %scan3A_31 = arith.constant 0 : i32
    %scan3A_32 = arith.constant 0 : i32
    %scan3A_33 = arith.constant 200 : i32
    %scan3A_34 = arith.addi %scan3A_32, %scan3A_33 : i32
    %scan3A_35 = arith.constant 1 : i32
    scf.for %scan3A_37 = %scan3A_32 to %scan3A_34 step %scan3A_35  : i32 {
      %mul3A_38 = arith.constant 128 : i32
      %mul3A_39 = arith.muli %scan3A_37, %mul3A_38 : i32
      %jit3A_40 = arith.constant 2 : i32
      %eq3A_41 = arith.constant 0 : i32
      %eq3A_42 = arith.cmpi eq, %jit3A_40, %eq3A_41 : i32
      %jit3A_43 = arith.constant 1 : i32
      %select_n3A_44 = arith.select %eq3A_42, %jit3A_43, %jit3A_40 : i32
      %rem3A_45 = arith.remsi %scan3A_37, %select_n3A_44 : i32
      %ne3A_46 = arith.constant 0 : i32
      %ne3A_47 = arith.cmpi ne, %rem3A_45, %ne3A_46 : i32
      %lt3A_48 = arith.constant 0 : i32
      %lt3A_49 = arith.cmpi slt, %rem3A_45, %lt3A_48 : i32
      %lt3A_50 = arith.constant 0 : i32
      %lt3A_51 = arith.cmpi slt, %select_n3A_44, %lt3A_50 : i32
      %ne3A_52 = arith.xori %lt3A_49, %lt3A_51 : i1
      %and3A_53 = arith.andi %ne3A_52, %ne3A_47 : i1
      %add3A_54 = arith.addi %rem3A_45, %select_n3A_44 : i32
      %select_n3A_55 = arith.select %and3A_53, %add3A_54, %rem3A_45 : i32
      %dma_wait3A_56 = arith.constant 0 : i32
      %dma_wait3A_57 = arith.constant 0 : i32
      %dma_wait3A_58 = tpu.memref_slice %arg7[%select_n3A_55, %dma_wait3A_56, %dma_wait3A_57] : memref<2x128x64xf32, #tpu.memory_space<vmem>> -> memref<1x128x64xf32, #tpu.memory_space<vmem>>
      %dma_wait3A_59 = tpu.memref_squeeze %dma_wait3A_58 : memref<1x128x64xf32, #tpu.memory_space<vmem>> -> memref<128x64xf32, #tpu.memory_space<vmem>>
      %dma_wait3A_60 = tpu.memref_slice %arg5[%mul3A_39] : memref<25600xi32, #tpu.memory_space<vmem>> -> memref<128xi32, #tpu.memory_space<vmem>>
      %dma_wait3A_61 = arith.constant 0 : i32
      %dma_wait3A_62 = arith.constant 0 : i32
      %dma_wait3A_63 = tpu.memref_slice %arg2[%dma_wait3A_61, %dma_wait3A_62] : memref<1000000x64xf32, #tpu.memory_space<hbm>> -> memref<1000000x64xf32, #tpu.memory_space<hbm>>
      tpu.wait_indirect_dma semaphore(%arg9 : memref<!tpu.dma_semaphore, #tpu.memory_space<semaphore_mem>>) src(%dma_wait3A_63 : memref<1000000x64xf32, #tpu.memory_space<hbm>>) dst(%dma_wait3A_59 : memref<128x64xf32, #tpu.memory_space<vmem>>)
      %add3A_64 = arith.constant 1 : i32
      %add3A_65 = arith.addi %scan3A_37, %add3A_64 : i32
      %lt3A_66 = arith.constant 200 : i32
      %lt3A_67 = arith.cmpi slt, %add3A_65, %lt3A_66 : i32
      %convert_element_type3A = arith.extui %lt3A_67 : i1 to i32
      %cond3A = arith.constant 0 : i32
      %cond3A_68 = arith.cmpi ne, %convert_element_type3A, %cond3A : i32
      scf.if %cond3A_68 {
        %add3A_103 = arith.constant 1 : i32
        %add3A_104 = arith.addi %scan3A_37, %add3A_103 : i32
        %mul3A_105 = arith.constant 128 : i32
        %mul3A_106 = arith.muli %add3A_104, %mul3A_105 : i32
        %jit3A_107 = arith.constant 2 : i32
        %eq3A_108 = arith.constant 0 : i32
        %eq3A_109 = arith.cmpi eq, %jit3A_107, %eq3A_108 : i32
        %jit3A_110 = arith.constant 1 : i32
        %select_n3A_111 = arith.select %eq3A_109, %jit3A_110, %jit3A_107 : i32
        %rem3A_112 = arith.remsi %add3A_104, %select_n3A_111 : i32
        %ne3A_113 = arith.constant 0 : i32
        %ne3A_114 = arith.cmpi ne, %rem3A_112, %ne3A_113 : i32
        %lt3A_115 = arith.constant 0 : i32
        %lt3A_116 = arith.cmpi slt, %rem3A_112, %lt3A_115 : i32
        %lt3A_117 = arith.constant 0 : i32
        %lt3A_118 = arith.cmpi slt, %select_n3A_111, %lt3A_117 : i32
        %ne3A_119 = arith.xori %lt3A_116, %lt3A_118 : i1
        %and3A_120 = arith.andi %ne3A_119, %ne3A_114 : i1
        %add3A_121 = arith.addi %rem3A_112, %select_n3A_111 : i32
        %select_n3A_122 = arith.select %and3A_120, %add3A_121, %rem3A_112 : i32
        %dma_start3A_123 = arith.constant 0 : i32
        %dma_start3A_124 = arith.constant 0 : i32
        %dma_start3A_125 = tpu.memref_slice %arg7[%select_n3A_122, %dma_start3A_123, %dma_start3A_124] : memref<2x128x64xf32, #tpu.memory_space<vmem>> -> memref<1x128x64xf32, #tpu.memory_space<vmem>>
        %dma_start3A_126 = tpu.memref_squeeze %dma_start3A_125 : memref<1x128x64xf32, #tpu.memory_space<vmem>> -> memref<128x64xf32, #tpu.memory_space<vmem>>
        %dma_start3A_127 = tpu.memref_slice %arg5[%mul3A_106] : memref<25600xi32, #tpu.memory_space<vmem>> -> memref<128xi32, #tpu.memory_space<vmem>>
        %dma_start3A_128 = arith.constant 0 : i32
        %dma_start3A_129 = arith.constant 0 : i32
        %dma_start3A_130 = tpu.memref_slice %arg2[%dma_start3A_128, %dma_start3A_129] : memref<1000000x64xf32, #tpu.memory_space<hbm>> -> memref<1000000x64xf32, #tpu.memory_space<hbm>>
        tpu.enqueue_indirect_dma source(%dma_start3A_130 : memref<1000000x64xf32, #tpu.memory_space<hbm>>) target(%dma_start3A_126 : memref<128x64xf32, #tpu.memory_space<vmem>>) offsets(%dma_start3A_127 : memref<128xi32, #tpu.memory_space<vmem>>) semaphore(%arg9 : memref<!tpu.dma_semaphore, #tpu.memory_space<semaphore_mem>>)
      } else {
      }
      %jit3A_69 = arith.constant 2 : i32
      %eq3A_70 = arith.constant 0 : i32
      %eq3A_71 = arith.cmpi eq, %jit3A_69, %eq3A_70 : i32
      %jit3A_72 = arith.constant 1 : i32
      %select_n3A_73 = arith.select %eq3A_71, %jit3A_72, %jit3A_69 : i32
      %rem3A_74 = arith.remsi %scan3A_37, %select_n3A_73 : i32
      %ne3A_75 = arith.constant 0 : i32
      %ne3A_76 = arith.cmpi ne, %rem3A_74, %ne3A_75 : i32
      %lt3A_77 = arith.constant 0 : i32
      %lt3A_78 = arith.cmpi slt, %rem3A_74, %lt3A_77 : i32
      %lt3A_79 = arith.constant 0 : i32
      %lt3A_80 = arith.cmpi slt, %select_n3A_73, %lt3A_79 : i32
      %ne3A_81 = arith.xori %lt3A_78, %lt3A_80 : i1
      %and3A_82 = arith.andi %ne3A_81, %ne3A_76 : i1
      %add3A_83 = arith.addi %rem3A_74, %select_n3A_73 : i32
      %select_n3A_84 = arith.select %and3A_82, %add3A_83, %rem3A_74 : i32
      %mul3A_85 = arith.constant 128 : i32
      %mul3A_86 = arith.muli %scan3A_37, %mul3A_85 : i32
      %dma_start3A_87 = arith.constant 0 : i32
      %dma_start3A_88 = arith.constant 0 : i32
      %dma_start3A_89 = tpu.memref_slice %arg7[%select_n3A_84, %dma_start3A_87, %dma_start3A_88] : memref<2x128x64xf32, #tpu.memory_space<vmem>> -> memref<1x128x64xf32, #tpu.memory_space<vmem>>
      %dma_start3A_90 = tpu.memref_squeeze %dma_start3A_89 : memref<1x128x64xf32, #tpu.memory_space<vmem>> -> memref<128x64xf32, #tpu.memory_space<vmem>>
      %dma_start3A_91 = tpu.memref_slice %arg6[%mul3A_86] : memref<25600xi32, #tpu.memory_space<vmem>> -> memref<128xi32, #tpu.memory_space<vmem>>
      %dma_start3A_92 = arith.constant 0 : i32
      %dma_start3A_93 = arith.constant 0 : i32
      %dma_start3A_94 = tpu.memref_slice %arg4[%dma_start3A_92, %dma_start3A_93] : memref<1638400x64xf32, #tpu.memory_space<hbm>> -> memref<1638400x64xf32, #tpu.memory_space<hbm>>
      tpu.enqueue_indirect_dma source(%dma_start3A_90 : memref<128x64xf32, #tpu.memory_space<vmem>>) target(%dma_start3A_94 : memref<1638400x64xf32, #tpu.memory_space<hbm>>) offsets(%dma_start3A_91 : memref<128xi32, #tpu.memory_space<vmem>>) semaphore(%arg10 : memref<!tpu.dma_semaphore, #tpu.memory_space<semaphore_mem>>)
      %dma_wait3A_95 = arith.constant 0 : i32
      %dma_wait3A_96 = arith.constant 0 : i32
      %dma_wait3A_97 = tpu.memref_slice %arg7[%select_n3A_84, %dma_wait3A_95, %dma_wait3A_96] : memref<2x128x64xf32, #tpu.memory_space<vmem>> -> memref<1x128x64xf32, #tpu.memory_space<vmem>>
      %dma_wait3A_98 = tpu.memref_squeeze %dma_wait3A_97 : memref<1x128x64xf32, #tpu.memory_space<vmem>> -> memref<128x64xf32, #tpu.memory_space<vmem>>
      %dma_wait3A_99 = tpu.memref_slice %arg6[%mul3A_86] : memref<25600xi32, #tpu.memory_space<vmem>> -> memref<128xi32, #tpu.memory_space<vmem>>
      %dma_wait3A_100 = arith.constant 0 : i32
      %dma_wait3A_101 = arith.constant 0 : i32
      %dma_wait3A_102 = tpu.memref_slice %arg4[%dma_wait3A_100, %dma_wait3A_101] : memref<1638400x64xf32, #tpu.memory_space<hbm>> -> memref<1638400x64xf32, #tpu.memory_space<hbm>>
      tpu.wait_indirect_dma semaphore(%arg10 : memref<!tpu.dma_semaphore, #tpu.memory_space<semaphore_mem>>) src(%dma_wait3A_98 : memref<128x64xf32, #tpu.memory_space<vmem>>) dst(%dma_wait3A_102 : memref<1638400x64xf32, #tpu.memory_space<hbm>>)
    }
    %scan3A_36 = arith.constant 200 : i32
    return
  }
}

</mosaic_0001>

<sc_bundles>
// kernel: kernel.4.cloned.1.call-start
scs
__scs_entry_jumppad:
0x0: {  	(pc) =	sbr.rel $0x88, $3  }
0x1: {  	(tag) =	ssettag $0x0;
	lr =	simm.s32 $0x1  }
0x2: {  	[smem:$0x3F9E] =	sst lr;
	_ =	strace $0xD0000000  }
0x3: {  	_ = 	snop  }
0x4: {  	_ = 	snop  }
0x5: {  	_ = 	snop  }
0x6: {  	_ = 	snop  }
0x7: {  	_ = 	snop  }
__scs_overlays_trampoline_lowered:
0x8: {  	[smem:$0x3FAD] =	sst s0  }
0x9: {  	[smem:$0x3FAE] =	sst s1  }
0xa: {  	[smem:$0x3FAF] =	sst s2  }
0xb: {  	[smem:$0x3FB0] =	sst s3  }
0xc: {  	[smem:$0x3FB1] =	sst s4  }
0xd: {  	[smem:$0x3FB2] =	sst s5  }
0xe: {  	[smem:$0x3FB3] =	sst s6  }
0xf: {  	[smem:$0x3FB4] =	sst s7  }
0x10: {  	[smem:$0x3FB5] =	sst s8  }
0x11: {  	[smem:$0x3FB6] =	sst s9;
	s0 =	simm.s32 @!p0 $0x0  }
0x12: {  	s1 =	sld [smem:$0x3F9C];
	s0 =	simm.s32 @p0 $0x1  }
0x13: {  	[smem:$0x3FB7] =	sst s0;
	s0 =	simm.s32 @!p1 $0x0  }
0x14: {  	s2 =	sld [smem:$0x3F9B];
	s0 =	simm.s32 @p1 $0x1  }
0x15: {  	[smem:$0x3FB8] =	sst s0;
	s0 =	simm.s32 @!p2 $0x0  }
0x16: {  	s3 =	sld [smem:$0x3FDB];
	s0 =	simm.s32 @p2 $0x1  }
0x17: {  	s4 =	simm.s32 $0x1BF5;
	[smem:$0x3FBA] =	sst s0  }
0x18: {  	s0 =	sld [smem:$0x3F9D];
	_ =	swait.ge [sflag:s4], $0x0  }
0x19: {  	s7 =	sld [smem:$0x3F9E]  }
0x1a: {  	s8 =	sadd.s32 $0xFFFFE003, lr  }
0x1b: {  	s9 =	sadd.s32 $0xFFFFFEF7, lr;
	s5 =	simm.s32 $0xFFFFFFFF;
	p2 =	slt.u32 s8, $0xFFFFF086  }
0x1c: {  	p1 =	slt.u32 s9, $0xF7A;
	s5 =	simm.s32 @!p2 $0x0  }
0x1d: {  	s5 =	simm.s32 @p1 $0x1;
	p0 =	seq.s32 s7, s2  }
0x1e: {  	s7 =	smul.u32 @!p0 $0xF7A, s2;
	p2 =	seq.s32 @!p0 s5, $0x0  }
0x1f: {  	s9 =	smul.u32 $0xF7A, s1;
	s8 =	simm.s32 @!p0 $0x1BF5;
	p2 =	por !p2, p0  }
0x20: {  	[sflag:s8] =	ssyncset.s32 @!p0 $0xFFFFF086;
	s6 =	sadd.s32 @!p0 s3, s7;
	s7 =	simm.s32 @!p0 $0x108  }
0x21: {  	s3 =	sadd.s32 s3, s9;
	s6 =	sadd.s32 @!p0 $0x88, s6;
	s7 =	simm.s32 @p2 $0x1082  }
0x22: {  	[simem:s7], [sflag:s8] =	dma.local @!p0 [hbm:s6], $0xF7A  }
0x23: {  	s9 =	sor.u32 $0xD0000000, s2;
	s6 =	simm.s32 $0x108;
	_ =	swait.ge @!p0 [sflag:s8], $0x0  }
0x24: {  	s3 =	sadd.s32 $0x88, s3;
	s6 =	simm.s32 @!p1 $0x1082;
	[sflag:s4] =	ssyncset.s32 $0xFFFFF086  }
0x25: {  	[simem:s6], [sflag:s4] =	dma.local [hbm:s3], $0xF7A  }
0x26: {  	[smem:$0x3F9E] =	sst s1;
	(tag) =	ssettag s2;
	_ =	strace s9  }
0x27: {  	s1 =	sld [smem:$0x3FAE]  }
0x28: {  	s2 =	sld [smem:$0x3FAF]  }
0x29: {  	s4 =	sld [smem:$0x3FB1]  }
0x2a: {  	p0 =	seq.s32 s5, $0x0;
	s5 =	sld [smem:$0x3FB2]  }
0x2b: {  	s6 =	sld [smem:$0x3FB3]  }
0x2c: {  	s7 =	sld [smem:$0x3FB4]  }
0x2d: {  	s3 =	simm.s32 $0x108;
	s8 =	sld [smem:$0x3FB5]  }
0x2e: {  	s3 =	simm.s32 @!p0 $0x1082;
	s9 =	sld [smem:$0x3FB6]  }
0x2f: {  	lr =	sadd.s32 s0, s3;
	s0 =	sld [smem:$0x3FAD]  }
0x30: {  	s3 =	sld [smem:$0x3FB0]  }
0x31: {  	[smem:$0x3FB9] =	sst s10  }
0x32: {  	s10 =	sld [smem:$0x3FB7];
	_ =	sdelay $0x3  }
0x33: {  	p0 =	seq.s32 s10, $0x1;
	s10 =	sld [smem:$0x3FB9];
	_ =	sdelay $0x3  }
0x34: {  	[smem:$0x3FB9] =	sst s10  }
0x35: {  	s10 =	sld [smem:$0x3FB8];
	_ =	sdelay $0x3  }
0x36: {  	p1 =	seq.s32 s10, $0x1;
	s10 =	sld [smem:$0x3FB9];
	_ =	sdelay $0x3  }
0x37: {  	[smem:$0x3FB9] =	sst s10  }
0x38: {  	s10 =	sld [smem:$0x3FBA]  }
0x39: {  	_ = 	snop;
	(pc) =	sbr.ind lr, $3  }
0x3a: {  	_ = 	snop  }
0x3b: {  	_ = 	snop  }
0x3c: {  	p2 =	seq.s32 s10, $0x1;
	s10 =	sld [smem:$0x3FB9]  }
0x3d: {  	_ =	shalt  }
0x3e: {  	_ =	shalt  }
0x3f: {  	_ =	shalt  }
0x40: {  	_ =	shalt  }
0x41: {  	_ =	shalt  }
0x42: {  	_ =	shalt  }
0x43: {  	_ =	shalt  }
0x44: {  	_ =	shalt  }
0x45: {  	_ =	shalt  }
0x46: {  	_ =	shalt  }
0x47: {  	_ =	shalt  }
0x48: {  	_ =	shalt  }
0x49: {  	_ =	shalt  }
0x4a: {  	_ =	shalt  }
0x4b: {  	_ =	shalt  }
0x4c: {  	_ =	shalt  }
0x4d: {  	_ =	shalt  }
0x4e: {  	_ =	shalt  }
0x4f: {  	_ =	shalt  }
0x50: {  	_ =	shalt  }
0x51: {  	_ =	shalt  }
0x52: {  	_ =	shalt  }
0x53: {  	_ =	shalt  }
0x54: {  	_ =	shalt  }
0x55: {  	_ =	shalt  }
0x56: {  	_ =	shalt  }
0x57: {  	_ =	shalt  }
0x58: {  	_ =	shalt  }
0x59: {  	_ =	shalt  }
0x5a: {  	_ =	shalt  }
0x5b: {  	_ =	shalt  }
0x5c: {  	_ =	shalt  }
0x5d: {  	_ =	shalt  }
0x5e: {  	_ =	shalt  }
0x5f: {  	_ =	shalt  }
0x60: {  	_ =	shalt  }
0x61: {  	_ =	shalt  }
0x62: {  	_ =	shalt  }
0x63: {  	_ =	shalt  }
0x64: {  	_ =	shalt  }
0x65: {  	_ =	shalt  }
0x66: {  	_ =	shalt  }
0x67: {  	_ =	shalt  }
0x68: {  	_ =	shalt  }
0x69: {  	_ =	shalt  }
0x6a: {  	_ =	shalt  }
0x6b: {  	_ =	shalt  }
0x6c: {  	_ =	shalt  }
0x6d: {  	_ =	shalt  }
0x6e: {  	_ =	shalt  }
0x6f: {  	_ =	shalt  }
0x70: {  	_ =	shalt  }
0x71: {  	_ =	shalt  }
0x72: {  	_ =	shalt  }
0x73: {  	_ =	shalt  }
0x74: {  	_ =	shalt  }
0x75: {  	_ =	shalt  }
0x76: {  	_ =	shalt  }
0x77: {  	_ =	shalt  }
0x78: {  	_ =	shalt  }
0x79: {  	_ =	shalt  }
0x7a: {  	_ =	shalt  }
0x7b: {  	_ =	shalt  }
0x7c: {  	_ =	shalt  }
0x7d: {  	_ =	shalt  }
0x7e: {  	_ =	shalt  }
0x7f: {  	_ =	shalt  }
0x80: {  	_ =	shalt  }
0x81: {  	_ =	shalt  }
0x82: {  	_ =	shalt  }
0x83: {  	_ =	shalt  }
0x84: {  	_ =	shalt  }
0x85: {  	_ =	shalt  }
0x86: {  	_ =	shalt  }
0x87: {  	_ =	shalt  }
.Lfunc_end0:
.L_simem_size_0:
called_computation.1_lowered:
.L_overlay_start_0:
0x88: {  	s2 =	sld [smem:$0x3FD9]  }
0x89: {  	s3 =	sld [smem:$0x3FFE];
	_ =	sdelay $0x1  }
0x8a: {  	s1 =	srdreg.scid  }
0x8b: {  	s0 =	sand.u32 $0x1, s1  }
0x8c: {  	s17 =	sshll.u32 s0, $0xA;
	s2 =	sadd.s32 s3, s2  }
0x8d: {  	s2 =	sadd.s32 s2, s17  }
0x8e: {  	[smem:$0x3FC5] =	sst s2  }
0x8f: {  	_ = 	snop  }
0x90: {  	s2 =	sld [smem:$0x3FC8]  }
0x91: {  	s18 =	sld [smem:$0x3FC7];
	(tm) =	ssettm $0x1  }
0x92: {  	s4 =	sld [smem:$0x3FFB];
	_ =	sdelay $0x3  }
0x93: {  	_ =	strace s4  }
0x94: {  	s4 =	sld [smem:$0x3FFC];
	_ =	sdelay $0x3  }
0x95: {  	_ =	strace s4  }
0x96: {  	s4 =	sld [smem:$0x3FFD];
	_ =	sdelay $0x3  }
0x97: {  	_ =	strace s4  }
0x98: {  	_ =	strace $0x8FFFFFFF  }
0x99: {  	s19 =	sld [smem:$0x3FDB];
	_ =	sdelay $0x1  }
0x9a: {  	s5 =	simm.s32 $_scs_section_size  }
0x9b: {  	s6 =	simm.s32 $_size__tile_overlayer_lowered;
	s7 =	simm.s32 $_tile_overlayer_lowered  }
0x9c: {  	s22 =	simm.s32 $0x1BFF;
	s21 =	sshll.u32 s7, $0x1;
	s4 =	sadd.s32 s5, s19  }
0x9d: {  	s8 =	simm.s32 $0x0;
	s20 =	sshll.u32 s6, $0x1;
	s6 =	sadd.s32 s21, s4  }
0x9e: {  	[timem:s8], [sflag:s22] =	dma.local [hbm:s6], s20  }
0x9f: {  	_ =	swait.ge [sflag:s22], s20  }
0xa0: {  	s5 =	ssub.s32 $0x0, s20;
	[sflag:s22] =	ssyncset.done $0x0  }
0xa1: {  	[sflag:s22] =	ssyncadd.s32 s5;
	_ =	sdelay $0x1  }
0xa2: {  	s23 =	simm.s32 $0x1B8B  }
0xa3: {  	_ =	swait.ge [sflag:s23], $0x1  }
0xa4: {  	[sflag:s23] =	ssyncset.done $0x0  }
0xa5: {  	s25 =	simm.s32 $0x1B8E;
	s24 =	sld [smem:$0x3FFE];
	[sflag:s23] =	ssyncadd.s32 $0xFFFFFFFF  }
0xa6: {  	s26 =	simm.s32 $execute0_lowered;
	[smem:$0x3FD2] =	sst s25  }
0xa7: {  	s6 =	sshll.u32 s26, $0x1;
	_ =	strace $0x80000046;
	[dreg:$0x1] =	wrdreg $0xFFFFFFFF  }
0xa8: {  	s28 =	simm.s32 $_size_execute0_lowered;
	s4 =	sadd.s32 s4, s6;
	[dreg:$0x0] =	wrdreg $0x0  }
0xa9: {  	s6 =	sshll.u32 s28, $0x1;
	[dreg:$0x2] =	wrdreg s4  }
0xaa: {  	[dreg:$0x3] =	wrdreg s6  }
0xab: {  	[dreg:$0x4] =	wrdreg $0xC0  }
0xac: {  	_ =	task [dreg:s8], $0x5FFFF  }
0xad: {  	[dreg:$0x1] =	wrdreg $0xFFFFFFFF  }
0xae: {  	[dreg:$0x0] =	wrdreg $0x60  }
0xaf: {  	[dreg:$0x2] =	wrdreg s2  }
0xb0: {  	[dreg:$0x3] =	wrdreg s18  }
0xb1: {  	[dreg:$0x4] =	wrdreg s24  }
0xb2: {  	[dreg:$0x5] =	wrdreg $0x9  }
0xb3: {  	_ =	task.clear_ibuf [dreg:s8], $0x6FFFF;
	_ =	strace $0x90000046  }
0xb4: {  	s29 =	simm.s32 $0x9;
	_ =	strace $0x80000048  }
0xb5: {  	_ =	swait.ge [sflag:s29], $0x1  }
0xb6: {  	[sflag:s29] =	ssyncadd.s32 $0xFFFFFFFF  }
0xb7: {  	_ =	strace $0x90000048  }
0xb8: {  	_ =	sfence  }
0xb9: {  	s30 =	sld [smem:$0x0];
	_ =	sdelay $0x2  }
0xba: {  	s31 =	sshll.u32 s1, $0xD;
	s1 =	sshrl.u32 s1, $0x2  }
0xbb: {  	s3 =	sand.u32 $0x4000, s31;
	s1 =	sadd.s32 s1, s30  }
0xbc: {  	s0 =	sor.u32 s3, s0;
	s1 =	sshll.u32 s1, $0x11  }
0xbd: {  	s0 =	sor.u32 s1, s0  }
0xbe: {  	s0 =	sadd.s32 $0x8F2B, s0  }
0xbf: {  	[sflag:s0] =	ssyncadd.remote.s32 $0x1  }
0xc0: {  	_ =	sfence.sel $0xFFFF  }
0xc1: {  	[dreg:$0x0] =	wrdreg $0xFFFFFFFF;
	(pc) =	sbr.abs _section_cstart, $3  }
0xc2: {  	[dreg:$0x1] =	wrdreg $0xFFFFFFFF  }
0xc3: {  	_ =	task.clear_ibuf [dreg:s8], $0x2FFFF;
	_ =	strace $0x9FFFFFFF  }
0xc4: {  	(tm) =	ssettm $0x7FFFFFFF  }
0xc5: {  	_ =	shalt  }
tec
execute0_lowered:
.L_overlay_start_1:
0x0: {  	(tag) =	ssettag $0x1  }
0x1: {  	v0 =	vimm.s32 $0xC28140  }
0x2: {  	vm5 =	vcmask $0x300;
	v1 =	vimm.s32 $0x10F;
	vm7 =	vcmask $0x704  }
0x3: {  	vm0 =	vcmask $0xB00;
	vm8 =	vcmask $0xB08;
	vm9 =	vcmask $0xF0C  }
0x4: {  	vm10 =	vcmask $0x1310;
	vm6 =	vcmask $0x1714;
	vm4 =	vcmask $0x1B18  }
0x5: {  	vm3 =	vcmask $0x1F1C;
	vm2 =	vcmask $0x2320;
	v2 =	vimm.s32 $0xBCE8D4C  }
0x6: {  	vm1 =	vcmask $0x2B28;
	vm11 =	vcmask $0x3B2C;
	v4 =	vimm.s32 $0x18F  }
0x7: {  	v5 =	vimm.s32 $0x4B0ACD8C;
	vm12 =	vcmask $0x3728;
	v6 =	vimm.s32 $0x8B4A09CC  }
0x8: {  	vm13 =	vcmask $0x3324;
	v7 =	vimm.s32 $0xCB8A4908;
	vm14 =	vcmask $0x2F20  }
0x9: {  	v8 =	vimm.s32 $0x24F;
	vm15 =	vcmask $0x2B1C;
	v9 =	vimm.s32 $0x4F  }
0xa: {  	v10 =	vimm.s32 $0x28F;
	v11 =	vimm.s32 $0xCF8E4D0C;
	v12 =	vimm.s32 $0x100  }
0xb: {  	v13 =	vimm.s32 $0x874605C8;
	v14 =	vimm.s32 $0x2CF;
	v15 =	vimm.s32 $0x30F  }
0xc: {  	v16 =	vimm.s32 $0x3C68544;
	v49 =	vimm.s32 $0x834201C4;
	v50 =	vimm.s32 $0x38F  }
0xd: {  	v54 =	vimm.s32 $0xFEDCBA9;
	v55 =	vimm.s32 $0x87654321;
	v56 =	vimm.s32 $0x10FEDCBA  }
0xe: {  	v57 =	vimm.s32 $0x98765432;
	v34 =	vlaneseq.u32;
	v21 =	vimm.s32 $0xA9876543  }
0xf: {  	v22 =	vimm.s32 $0x3210FEDC;
	v23 =	vimm.s32 $0xBA987654;
	v26 =	vimm.s32 $0xFEDCBA98  }
0x10: {  	v27 =	vimm.s32 $0x43210FED;
	v28 =	vimm.s32 $0x76543210;
	v31 =	vimm.s32 $0xCBA98765  }
0x11: {  	v32 =	vimm.s32 $0x543210FE;
	v33 =	vimm.s32 $0xDCBA9876;
	v58 =	vimm.s32 $0xEDCBA987  }
0x12: {  	v0 =	vunpack.c.0.s8.s32 v0;
	v1 =	vsel vm5, $0x140, v1;
	v2 =	vunpack.c.0.s8.s32 v2  }
0x13: {  	v4 =	vsel vm5, $0x1C0, v4;
	v5 =	vunpack.c.0.s8.s32 v5;
	v6 =	vunpack.c.0.s8.s32 v6  }
0x14: {  	v7 =	vunpack.c.0.s8.s32 v7;
	v8 =	vsel vm5, $0x280, v8;
	v10 =	vsel vm5, $0x2C0, v10  }
0x15: {  	v11 =	vunpack.c.0.s8.s32 v11;
	v12 =	vsel vm7, $0x141, v12;
	v13 =	vunpack.c.0.s8.s32 v13  }
0x16: {  	v14 =	vsel vm5, $0x300, v14;
	v15 =	vsel vm5, $0x340, v15;
	v16 =	vunpack.c.0.s8.s32 v16  }
0x17: {  	v21 =	vunpack.c.l.s4.s8 v21;
	v22 =	vunpack.c.l.s4.s8 v22;
	v23 =	vunpack.c.l.s4.s8 v23  }
0x18: {  	v26 =	vunpack.c.l.s4.s8 v26;
	v27 =	vunpack.c.l.s4.s8 v27;
	v28 =	vunpack.c.l.s4.s8 v28  }
0x19: {  	v31 =	vunpack.c.l.s4.s8 v31;
	v32 =	vunpack.c.l.s4.s8 v32;
	v33 =	vunpack.c.l.s4.s8 v33  }
0x1a: {  	v1 =	vsel vm7, $0x181, v1;
	v4 =	vsel vm7, $0x201, v4;
	v10 =	vsel vm7, $0x301, v10  }
0x1b: {  	v12 =	vsel vm8, $0x182, v12;
	v0 =	vand.u32 $0xFF, v0;
	v2 =	vand.u32 $0xFF, v2  }
0x1c: {  	v10 =	vsel vm8, $0x342, v10;
	v12 =	vsel vm9, $0x1C3, v12;
	v13 =	vand.u32 $0xFF, v13  }
0x1d: {  	v11 =	vand.u32 $0xFF, v11;
	v16 =	vand.u32 $0xFF, v16;
	v21 =	vunpack.c.0.s8.s32 v21  }
0x1e: {  	v22 =	vunpack.c.0.s8.s32 v22;
	v23 =	vunpack.c.0.s8.s32 v23;
	v26 =	vunpack.c.0.s8.s32 v26  }
0x1f: {  	v27 =	vunpack.c.0.s8.s32 v27;
	v28 =	vunpack.c.0.s8.s32 v28;
	v59 =	vunpack.c.0.s8.s32 v33  }
0x20: {  	v33 =	vmul.u32 $0x100, v34;
	v3 =	vnsel vm0, $0xF, v0;
	v0 =	vsel vm8, $0x1C2, v1  }
0x21: {  	v1 =	vimm.s32 $0x14F;
	vm0 =	vcmask $0x2724;
	v10 =	vsel vm9, $0x383, v10  }
0x22: {  	v12 =	vsel vm10, $0x204, v12;
	v0 =	vsel vm9, $0x203, v0;
	v1 =	vsel vm5, $0x180, v1  }
0x23: {  	v3 =	vsel vm9, $0x103, v3;
	v10 =	vsel vm10, $0x3C4, v10;
	v12 =	vsel vm6, $0x245, v12  }
0x24: {  	v30 =	vcombine.low v23, v22;
	v26 =	vand.u32 $0xF, v26;
	v61 =	vcombine.low v22, v23  }
0x25: {  	v0 =	vsel vm10, $0x244, v0;
	v1 =	vsel vm7, $0x1C1, v1;
	v3 =	vsel vm10, $0x144, v3  }
0x26: {  	v12 =	vsel vm4, $0x286, v12;
	v26 =	vcombine.low v26, v28;
	v28 =	vunpack.c.0.s8.s32 v31  }
0x27: {  	v31 =	vunpack.c.0.s8.s32 v32;
	v0 =	vsel vm6, $0x285, v0;
	v1 =	vsel vm8, $0x202, v1  }
0x28: {  	v3 =	vsel vm6, $0x185, v3;
	v0 =	vsel vm4, $0x2C6, v0;
	v1 =	vsel vm9, $0x243, v1  }
0x29: {  	v3 =	vsel vm4, $0x1C6, v3;
	[tilespmem:$0x1FF90] =	vst v26;
	v26 =	vimm.s32 $0x6543210F;
	v60 =	vcombine.low v28, v27  }
0x2a: {  	v62 =	vcombine.low v27, v28;
	v63 =	vcombine.low v31, v59;
	v0 =	vsel vm3, $0x307, v0  }
0x2b: {  	v1 =	vsel vm10, $0x284, v1;
	v3 =	vsel vm3, $0x207, v3;
	v26 =	vunpack.c.l.s4.s8 v26  }
0x2c: {  	v0 =	vsel vm2, $0x348, v0;
	v1 =	vsel vm6, $0x2C5, v1;
	v3 =	vsel vm2, $0x248, v3  }
0x2d: {  	v27 =	vand.u32 $0xF, v62;
	v28 =	vand.u32 $0xF, v63;
	v0 =	vsel vm0, $0x389, v0  }
0x2e: {  	v1 =	vsel vm4, $0x306, v1;
	v3 =	vsel vm0, $0x289, v3;
	v0 =	vsel vm1, $0x3CA, v0  }
0x2f: {  	v26 =	vunpack.c.0.s8.s32 v26;
	v0 =	vsel vm11, v2, v0;
	v2 =	vsel vm8, $0x242, v4  }
0x30: {  	v1 =	vsel vm3, $0x347, v1;
	v3 =	vsel vm1, $0x2CA, v3;
	v2 =	vsel vm9, $0x283, v2  }
0x31: {  	v1 =	vsel vm2, $0x388, v1;
	v4 =	vand.u32 $0xFF, v5;
	v2 =	vsel vm10, $0x2C4, v2  }
0x32: {  	v5 =	vimm.s32 $0x1CF;
	vm11 =	vcmask $0x1304;
	v2 =	vsel vm6, $0x305, v2  }
0x33: {  	v1 =	vsel vm0, $0x3C9, v1;
	v5 =	vsel vm5, $0x200, v5;
	v2 =	vsel vm4, $0x346, v2  }
0x34: {  	v5 =	vsel vm7, $0x241, v5;
	v4 =	vsel vm12, v4, v1;
	v1 =	vsel vm3, $0x387, v2  }
0x35: {  	v2 =	vsel vm8, $0x282, v5;
	v5 =	vand.u32 $0xFF, v6;
	v6 =	vimm.s32 $0x20F  }
0x36: {  	vm12 =	vcmask $0x2718;
	v2 =	vsel vm9, $0x2C3, v2;
	v6 =	vsel vm5, $0x240, v6  }
0x37: {  	v1 =	vsel vm2, $0x3C8, v1;
	v2 =	vsel vm10, $0x304, v2;
	v6 =	vsel vm7, $0x281, v6  }
0x38: {  	v1 =	vsel vm13, v5, v1;
	vm13 =	vcmask $0x2314;
	v2 =	vsel vm6, $0x345, v2  }
0x39: {  	v5 =	vsel vm8, $0x2C2, v6;
	v6 =	vand.u32 $0xFF, v7;
	v7 =	vimm.s32 $0x7CA8948  }
0x3a: {  	v10 =	vsel vm13, v13, v10;
	v13 =	vsel vm7, $0x341, v14;
	v14 =	vimm.s32 $0xC7864504  }
0x3b: {  	vm13 =	vcmask $0x3330;
	v2 =	vsel vm4, $0x386, v2;
	v5 =	vsel vm9, $0x303, v5  }
0x3c: {  	v7 =	vunpack.c.0.s8.s32 v7;
	v13 =	vsel vm8, $0x382, v13;
	v14 =	vunpack.c.0.s8.s32 v14  }
0x3d: {  	v10 =	vsel vm0, $0x109, v10;
	v2 =	vsel vm3, $0x3C7, v2;
	v5 =	vsel vm10, $0x344, v5  }
0x3e: {  	v13 =	vsel vm9, $0x3C3, v13;
	v10 =	vsel vm1, $0x14A, v10;
	v5 =	vsel vm6, $0x385, v5  }
0x3f: {  	v2 =	vsel vm14, v6, v2;
	v6 =	vsel vm7, $0x2C1, v8;
	v7 =	vand.u32 $0xFF, v7  }
0x40: {  	v8 =	vimm.s32 $0x4706C988;
	vm14 =	vcmask $0x1F10;
	v17 =	vand.u32 $0xFF, v14  }
0x41: {  	v14 =	vsel vm7, $0x381, v15;
	v5 =	vsel vm4, $0x3C6, v5;
	v6 =	vsel vm8, $0x302, v6  }
0x42: {  	v8 =	vunpack.c.0.s8.s32 v8;
	v15 =	vsel vm8, $0x3C2, v14;
	v6 =	vsel vm9, $0x343, v6  }
0x43: {  	v2 =	vsel vm13, $0x10C, v2;
	v5 =	vsel vm15, v7, v5;
	v6 =	vsel vm10, $0x384, v6  }
0x44: {  	v7 =	vand.u32 $0xFF, v8;
	v8 =	vimm.s32 $0x8F;
	v6 =	vsel vm6, $0x3C5, v6  }
0x45: {  	vm15 =	vcmask $0x1B0C;
	v8 =	vsel vm5, $0xC0, v8;
	v6 =	vsel vm12, v7, v6  }
0x46: {  	v7 =	vsel vm5, $0x80, v9;
	v8 =	vsel vm7, $0x101, v8;
	v9 =	vimm.s32 $0x308  }
0x47: {  	vm12 =	vcmask $0x2F2C;
	v7 =	vsel vm7, $0xC1, v7;
	v8 =	vsel vm8, $0x142, v8  }
0x48: {  	v9 =	vsel vm7, $0x349, v9;
	v3 =	vsel vm12, $0x30B, v3;
	v6 =	vsel vm1, $0x10A, v6  }
0x49: {  	v5 =	vsel vm12, $0x10B, v5;
	v10 =	vsel vm12, $0x18B, v10;
	v7 =	vsel vm8, $0x102, v7  }
0x4a: {  	v8 =	vsel vm9, $0x183, v8;
	v9 =	vsel vm8, $0x38A, v9;
	v3 =	vsel vm13, $0x34C, v3  }
0x4b: {  	v6 =	vsel vm12, $0x14B, v6;
	v5 =	vsel vm13, $0x14C, v5;
	v10 =	vsel vm13, $0x1CC, v10  }
0x4c: {  	v7 =	vsel vm9, $0x143, v7;
	v8 =	vsel vm10, $0x1C4, v8;
	v9 =	vsel vm9, $0x3CB, v9  }
0x4d: {  	v6 =	vsel vm13, $0x18C, v6;
	v7 =	vsel vm10, $0x184, v7;
	v14 =	vsel vm14, v11, v9  }
0x4e: {  	v9 =	vsel vm14, v17, v13;
	v11 =	vsel vm15, v16, v15;
	v13 =	vimm.s32 $0x34F  }
0x4f: {  	v15 =	vimm.s32 $0x4302C584;
	v16 =	vunpack.c.0.s8.s32 v49;
	vm10 =	vcmask $0x1708  }
0x50: {  	v17 =	vsel vm5, $0x3C0, v50;
	v8 =	vsel vm6, $0x205, v8;
	vm14 =	vcmask $0x3734  }
0x51: {  	vm15 =	vcmask $0x3B38;
	v13 =	vsel vm5, $0x380, v13;
	v15 =	vunpack.c.0.s8.s32 v15  }
0x52: {  	v7 =	vsel vm6, $0x1C5, v7;
	v8 =	vsel vm4, $0x246, v8;
	v11 =	vsel vm3, $0x107, v11  }
0x53: {  	v9 =	vsel vm2, $0x108, v9;
	v3 =	vsel vm14, $0x38D, v3;
	v52 =	vsel vm14, $0x10D, v1  }
0x54: {  	v53 =	vsel vm14, $0x14D, v2;
	v18 =	vsel vm14, $0x18D, v5;
	v19 =	vsel vm14, $0x1CD, v6  }
0x55: {  	v10 =	vsel vm14, $0x20D, v10;
	v4 =	vsel vm15, $0x10E, v4;
	v13 =	vsel vm7, $0x3C1, v13  }
0x56: {  	v16 =	vand.u32 $0xFF, v16;
	v7 =	vsel vm4, $0x206, v7;
	v8 =	vsel vm3, $0x287, v8  }
0x57: {  	v11 =	vsel vm2, $0x148, v11;
	v9 =	vsel vm0, $0x149, v9;
	v1 =	vsel vm15, $0x3CE, v3  }
0x58: {  	v5 =	vsel vm15, $0x14E, v52;
	v6 =	vsel vm15, $0x18E, v53;
	v15 =	vand.u32 $0xFF, v15  }
0x59: {  	v7 =	vsel vm3, $0x247, v7;
	v8 =	vsel vm2, $0x2C8, v8;
	v11 =	vsel vm0, $0x189, v11  }
0x5a: {  	v9 =	vsel vm1, $0x18A, v9;
	v13 =	vsel vm10, v15, v13;
	v15 =	vsel vm11, v16, v17  }
0x5b: {  	v7 =	vsel vm2, $0x288, v7;
	v8 =	vsel vm0, $0x309, v8;
	v11 =	vsel vm1, $0x1CA, v11  }
0x5c: {  	v9 =	vsel vm12, $0x1CB, v9;
	v16 =	vunpack.c.l.s4.s8 v54;
	v17 =	vunpack.c.l.s4.s8 v55  }
0x5d: {  	v15 =	vsel vm6, $0x105, v15;
	v13 =	vsel vm4, $0x106, v13;
	v7 =	vsel vm0, $0x2C9, v7  }
0x5e: {  	v8 =	vsel vm1, $0x34A, v8;
	v11 =	vsel vm12, $0x20B, v11;
	v9 =	vsel vm13, $0x20C, v9  }
0x5f: {  	v51 =	vsel vm4, $0x146, v15;
	v15 =	vsel vm3, $0x2C7, v12;
	v12 =	vsel vm3, $0x147, v13  }
0x60: {  	v7 =	vsel vm1, $0x30A, v7;
	v8 =	vsel vm12, $0x38B, v8;
	v11 =	vsel vm13, $0x24C, v11  }
0x61: {  	v20 =	vsel vm14, $0x24D, v9;
	v9 =	vsel vm15, $0x24E, v10;
	v16 =	vunpack.c.0.s8.s32 v16  }
0x62: {  	v17 =	vunpack.c.0.s8.s32 v17;
	v13 =	vsel vm3, $0x187, v51;
	v12 =	vsel vm2, $0x188, v12  }
0x63: {  	v7 =	vsel vm12, $0x34B, v7;
	v8 =	vsel vm13, $0x3CC, v8;
	v11 =	vsel vm14, $0x28D, v11  }
0x64: {  	s0 =	rddreg [dreg:$0x0];
	v10 =	vsel vm15, $0x28E, v20;
	v20 =	vimm.s32 $0x210FEDCB;
	v13 =	vsel vm2, $0x1C8, v13  }
0x65: {  	s1 =	rddreg [dreg:$0x1];
	v12 =	vsel vm0, $0x1C9, v12;
	v7 =	vsel vm13, $0x38C, v7;
	v8 =	vsel vm14, $0xD, v8  }
0x66: {  	s11 =	rddreg [dreg:$0x2];
	v11 =	vsel vm15, $0x2CE, v11;
	v20 =	vunpack.c.l.s4.s8 v20;
	v24 =	vcombine.low v17, v16  }
0x67: {  	s2 =	rddreg [dreg:$0x3];
	v16 =	vcombine.low v16, v17;
	v17 =	vunpack.c.l.s4.s8 v58;
	v13 =	vsel vm0, $0x209, v13  }
0x68: {  	s5 =	srdreg.scid;
	s3 =	stileid.u32;
	s4 =	simm.s32 $0x0;
	v12 =	vsel vm1, $0x20A, v12;
	v7 =	vsel vm14, $0x3CD, v7;
	v3 =	vsel vm15, $0x4E, v8  }
0x69: {  	s8 =	simm.s32 $0x0;
	s15 =	simm.s32 $0x8000;
	s16 =	simm.s32 $0x4000;
	v8 =	vsel vm15, $0x20E, v19;
	v19 =	vunpack.c.l.s4.s8 v57;
	v13 =	vsel vm1, $0x24A, v13  }
0x6a: {  	s17 =	simm.s32 $0xC000;
	s18 =	simm.s32 $0x2;
	s19 =	simm.s32 $0x400;
	v12 =	vsel vm12, $0x24B, v12;
	v2 =	vsel vm15, $0xE, v7;
	v7 =	vsel vm15, $0x1CE, v18  }
0x6b: {  	s20 =	simm.s32 $0x3D0C00;
	s21 =	simm.s32 $0x10000;
	s7 =	sand.u32 $0x1, s5;
	v18 =	vunpack.c.l.s4.s8 v56;
	v20 =	vunpack.c.0.s8.s32 v20;
	v17 =	vunpack.c.0.s8.s32 v17  }
0x6c: {  	s30 =	sshll.u32 s3, $0x1;
	[smem:$0x7FF] =	sst s4;
	p0 =	slt.u32 s3, $0x8;
	v24 =	vand.u32 $0xF, v24;
	v13 =	vsel vm12, $0x28B, v13;
	v12 =	vsel vm13, $0x28C, v12  }
0x6d: {  	s6 =	sadd.s32 $0xE00, s11;
	s14 =	smov.u32 s1;
	s22 =	sor.u32 s7, s30;
	v19 =	vunpack.c.0.s8.s32 v19;
	v13 =	vsel vm13, $0x2CC, v13;
	v29 =	vcombine.low v21, v20  }
0x6e: {  	s8 =	simm.s32 @!p0 $0x1FF85F;
	s9 =	ssub.s32 $0x2, s7;
	s5 =	smul.u32 $0x7B, s22;
	v12 =	vsel vm14, $0x2CD, v12;
	v20 =	vcombine.low v20, v21;
	v21 =	vcombine.low v59, v31  }
0x6f: {  	s10 =	sshrl.u32 s9, $0x1;
	p2 =	seq.s32 s22, $0x1F;
	p3 =	sne.s32 s22, $0x1E;
	v18 =	vunpack.c.0.s8.s32 v18;
	v22 =	vcombine.low v17, v26;
	v17 =	vcombine.low v26, v17  }
0x70: {  	s12 =	ssub.s32 s9, s10;
	s9 =	sadd.s32 $0x7A1F00, s11;
	s11 =	sadd.s32 $0x3D1600, s11;
	v26 =	vand.u32 $0xF, v61;
	v31 =	vcombine.low v15, v14;
	v14 =	vand.u32 $0x7, v34  }
0x71: {  	s14 =	smov.u32 @p0 s0;
	s22 =	simm.s32 $0x0;
	_ =	strace $0x80000047;
	[tilespmem:$0x1FFA0] =	vst v24;
	v13 =	vsel vm14, $0x30D, v13;
	v14 =	vmul.u32 $0x80, v14;
	v23 =	vand.u32 $0xF, v29  }
.Ltmp0:
0x72: {  	s31 =	smin.u32 s5, $0xEC7;
	s8 =	sadd.s32 s8, s5;
	v25 =	vcombine.low v19, v18;
	v18 =	vcombine.low v18, v19;
	v19 =	vand.u32 $0xF, v60;
	[tilespmem:$0x1FFC0] =	vst v23;
	(pc) =	sbr.rel .LBB2_1-.Ltmp0, $4  }
0x73: {  	s10 =	sadd.s32 $0x7A100, s0;
	s7 =	sadd.s32 $0x7B, s31;
	s8 =	sshll.u32 s8, $0x8;
	v12 =	vsel vm15, $0x30E, v12;
	v13 =	vsel vm15, $0x34E, v13;
	v21 =	vand.u32 $0xF, v21;
	[tilespmem:$0x1FFE0] =	vst v19  }
0x74: {  	s12 =	smax.u32 s12, $0x1;
	s13 =	sand.u32 $0x1FFFFF00, s8;
	s23 =	ssub.s32 s7, s5;
	v22 =	vand.u32 $0xF, v22;
	v29 =	vand.u32 $0xF, v17;
	v23 =	vand.u32 $0xF, v30;
	[tilespmem:$0x1FFF0] =	vst v14  }
0x75: {  	s8 =	sadd.s32 $0x7A100, s1;
	p0 =	sle.u32 s7, s5;
	s13 =	sadd.s32 s14, s13;
	v30 =	vmul.u32 $0x41, v34;
	v34 =	vmul.u32 $0x80, v34;
	v24 =	vand.u32 $0xF, v25;
	[tilespmem:$0x1FFD0] =	vst v23  }
0x76: {  	s14 =	simm.s32 $0x1;
	p1 =	slt.s32 s23, $0x2;
	p4 =	sne.s32 s23, $0x1;
	v23 =	vand.u32 $0xF, v16;
	v25 =	vand.u32 $0xF, v20;
	[tilespmem:$0x1FFB0] =	vst v24;
	v24 =	vand.u32 $0xF, v18  }
.LBB2_31:
0x77: {  	[hbm4b:s23+s4] =	stream.linear.scatter [tilespmem:s15], [sflag:$0x2], $0x800, $0x38;
	[tilespmem:$0x12000] =	vst v63  }
0x78: {  	_ =	swait.ge [sflag:s18], $0x800  }
0x79: {  	[sflag:s18] =	ssyncset.done $0x0  }
0x7a: {  	[sflag:s18] =	ssyncadd.s32 $0xFFFFF800  }
.LBB2_32:
0x7b: {  	s22 =	sadd.s32 $0x1, s22  }
0x7c: {  	p5 =	sne.s32 s22, s12  }
.Ltmp1:
0x7d: {  	_ = 	snop;
	(pc) =	sbr.rel @!p5 .LBB2_33-.Ltmp1, $1  }
0x7e: {  	_ =	sdelay $0x3  }
.LBB2_1:
.Ltmp2:
0x7f: {  	(pc) =	sbr.rel .LBB2_2-.Ltmp2, $4  }
0x80: {  	_ = 	snop  }
0x81: {  	s23 =	simm.s32 @!p0 $0x800;
	s24 =	simm.s32 @!p0 $0x3D0C00;
	s25 =	simm.s32 @!p0 $0x0  }
0x82: {  	[tilespmem:s25], [sflag:$0x1] =	stream.strided.gather @!p0 [hbm4b:s13+s23], $0x4000, s24, s23, $0x38;
	[tilespmem:$0x12000] =	vst v63  }
0x83: {  	s23 =	simm.s32 $0x0  }
.LBB2_14:
0x84: {  	s23 =	sadd.s32 $0x1, s23  }
0x85: {  	p5 =	sne.s32 s23, $0x3E  }
.Ltmp3:
0x86: {  	_ = 	snop;
	(pc) =	sbr.rel @!p5 .LBB2_15-.Ltmp3, $1  }
0x87: {  	_ =	sdelay $0x3  }
.LBB2_2:
0x88: {  	s24 =	sshll.u32 s23, $0x1  }
0x89: {  	s25 =	sadd.s32 s5, s24  }
0x8a: {  	p5 =	slt.u32 s25, s7  }
.Ltmp4:
0x8b: {  	_ = 	snop;
	(pc) =	sbr.rel @!p5 .LBB2_8-.Ltmp4, $2  }
0x8c: {  	_ =	sdelay $0x2  }
0x8d: {  	s24 =	sadd.s32 $0x1, s25  }
0x8e: {  	s24 =	sadd.s32 $0x1, s25  }
0x8f: {  	p5 =	sge.u32 s24, s7  }
0x90: {  	p6 =	slt.u32 @!p5 s25, $0x7A0  }
0x91: {  	s26 =	simm.s32 @!p5 $0x0;
	p6 =	por !p6, p5  }
0x92: {  	_ =	swait.ge [sflag:s14], $0x4000;
	s26 =	simm.s32 @p6 $0x1FF85F  }
0x93: {  	[sflag:s14] =	ssyncset.done $0x0;
	s26 =	sadd.s32 @!p5 s24, s26  }
0x94: {  	s28 =	smov.u32 s0;
	[sflag:s14] =	ssyncadd.s32 $0xFFFFC000;
	s26 =	sshll.u32 @!p5 s26, $0x8  }
0x95: {  	s29 =	simm.s32 @!p5 $0x3D0C00;
	s28 =	smov.u32 @p6 s1;
	s26 =	sand.u32 @!p5 $0x1FFFFF00, s26  }
0x96: {  	s30 =	simm.s32 @!p5 $0x4000;
	s26 =	sadd.s32 @!p5 s28, s26;
	s28 =	simm.s32 @!p5 $0x800  }
0x97: {  	[tilespmem:s30], [sflag:$0x1] =	stream.strided.gather @!p5 [hbm4b:s26+s28], $0x4000, s29, s28, $0x38;
	[tilespmem:$0x12000] =	vst v63  }
0x98: {  	p5 =	seq.s32 s23, $0x0  }
0x99: {  	s26 =	simm.s32 @!p5 $0x2  }
0x9a: {  	_ =	swait.ge @!p5 [sflag:s26], $0x4000  }
0x9b: {  	[sflag:s26] =	ssyncset.done @!p5 $0x0  }
0x9c: {  	s28 =	simm.s32 $0x0;
	[sflag:s26] =	ssyncadd.s32 @!p5 $0xFFFFC000;
	s26 =	simm.s32 $0x0  }
.LBB2_4:
0x9d: {  	v17 =	vld [tilespmem:$0x1FFF0]  }
0x9e: {  	s29 =	sshll.u32 s28, $0x4  }
0x9f: {  	v15 =	vmov s26;
	v14 =	vmov s29  }
0xa0: {  	v15 =	vshll.u32 v15, $0x8;
	v14 =	vshll.u32 v14, $0x3  }
0xa1: {  	v16 =	vlaneseq.u32;
	v15 =	vor.u32 v33, v15;
	v14 =	vand.u32 $0x400, v14  }
0xa2: {  	v16 =	vor.u32 s29, v16;
	v36 =	vor.u32 v17, v14;
	v14 =	vand.u32 $0x3800, v15  }
0xa3: {  	v35 =	vand.u32 $0x7F, v16;
	v15 =	vld [tilespmem:$0x1FFA0];
	v20 =	vor.u32 v14, v36  }
0xa4: {  	v14 =	vor.u32 v35, v20;
	_ =	sdelay $0x2  }
0xa5: {  	s30 =	sshll.u32 s28, $0xA  }
0xa6: {  	v37 =	vor.u32 s30, v30;
	v17 =	vld [tilespmem:$0x1FFB0];
	v15 =	vor.u32 s29, v15  }
0xa7: {  	v38 =	vand.u32 $0x7F, v15;
	v15 =	vor.u32 s26, v37;
	v14 =	vld.idx.msk [tilespmem:v14+s4+$0x0], $0xffff  }
0xa8: {  	v16 =	vor.u32 v38, v20;
	_ =	sdelay $0x2  }
0xa9: {  	v17 =	vor.u32 s29, v17  }
0xaa: {  	v39 =	vor.u32 s30, v1;
	v40 =	vand.u32 $0x7F, v17;
	v17 =	vld [tilespmem:$0x1FFC0];
	[tilespmem:v15+s15+$0x0] =	vst.idx.msk $0xffff, v14  }
0xab: {  	v15 =	vor.u32 s26, v39;
	v14 =	vld.idx.msk [tilespmem:v16+s4+$0x0], $0xffff  }
0xac: {  	v16 =	vor.u32 v40, v20;
	_ =	sdelay $0x2  }
0xad: {  	v17 =	vor.u32 s29, v17  }
0xae: {  	v41 =	vor.u32 s30, v2;
	v42 =	vand.u32 $0x7F, v17;
	v17 =	vld [tilespmem:$0x1FFD0];
	[tilespmem:v15+s15+$0x0] =	vst.idx.msk $0xffff, v14  }
0xaf: {  	v15 =	vor.u32 s26, v41;
	v14 =	vld.idx.msk [tilespmem:v16+s4+$0x0], $0xffff  }
0xb0: {  	v16 =	vor.u32 v42, v20;
	_ =	sdelay $0x2  }
0xb1: {  	v17 =	vor.u32 s29, v17  }
0xb2: {  	v43 =	vor.u32 s30, v3;
	v44 =	vand.u32 $0x7F, v17;
	v17 =	vld [tilespmem:$0x1FFE0];
	[tilespmem:v15+s15+$0x0] =	vst.idx.msk $0xffff, v14  }
0xb3: {  	v15 =	vor.u32 s26, v43;
	v14 =	vld.idx.msk [tilespmem:v16+s4+$0x0], $0xffff  }
0xb4: {  	v16 =	vor.u32 v44, v20;
	_ =	sdelay $0x3  }
0xb5: {  	v45 =	vor.u32 s30, v31;
	v17 =	vor.u32 s29, v17;
	[tilespmem:v15+s15+$0x0] =	vst.idx.msk $0xffff, v14  }
0xb6: {  	v46 =	vand.u32 $0x7F, v17;
	v15 =	vor.u32 s26, v45;
	v14 =	vld.idx.msk [tilespmem:v16+s4+$0x0], $0xffff  }
0xb7: {  	v16 =	vor.u32 v46, v20;
	_ =	sdelay $0x3  }
0xb8: {  	v47 =	vor.u32 s30, v0;
	v17 =	vor.u32 s29, v21;
	[tilespmem:v15+s15+$0x0] =	vst.idx.msk $0xffff, v14  }
0xb9: {  	v48 =	vand.u32 $0x7F, v17;
	v15 =	vor.u32 s26, v47;
	v14 =	vld.idx.msk [tilespmem:v16+s4+$0x0], $0xffff  }
0xba: {  	v16 =	vor.u32 v48, v20;
	_ =	sdelay $0x2  }
0xbb: {  	v17 =	vor.u32 s29, v22  }
0xbc: {  	v49 =	vor.u32 s30, v4;
	v50 =	vand.u32 $0x7F, v17;
	v17 =	vld [tilespmem:$0x1FF90];
	[tilespmem:v15+s15+$0x0] =	vst.idx.msk $0xffff, v14  }
0xbd: {  	v15 =	vor.u32 s26, v49;
	v14 =	vld.idx.msk [tilespmem:v16+s4+$0x0], $0xffff  }
0xbe: {  	v16 =	vor.u32 v50, v20;
	_ =	sdelay $0x3  }
0xbf: {  	v51 =	vor.u32 s30, v5;
	v17 =	vor.u32 s29, v17;
	[tilespmem:v15+s15+$0x0] =	vst.idx.msk $0xffff, v14  }
0xc0: {  	v52 =	vand.u32 $0x7F, v17;
	v15 =	vor.u32 s26, v51;
	v14 =	vld.idx.msk [tilespmem:v16+s4+$0x0], $0xffff  }
0xc1: {  	v16 =	vor.u32 v52, v20;
	_ =	sdelay $0x3  }
0xc2: {  	v53 =	vor.u32 s30, v6;
	v17 =	vor.u32 s29, v23;
	[tilespmem:v15+s15+$0x0] =	vst.idx.msk $0xffff, v14  }
0xc3: {  	v54 =	vand.u32 $0x7F, v17;
	v15 =	vor.u32 s26, v53;
	v14 =	vld.idx.msk [tilespmem:v16+s4+$0x0], $0xffff  }
0xc4: {  	v16 =	vor.u32 v54, v20;
	_ =	sdelay $0x3  }
0xc5: {  	v55 =	vor.u32 s30, v7;
	v17 =	vor.u32 s29, v24;
	[tilespmem:v15+s15+$0x0] =	vst.idx.msk $0xffff, v14  }
0xc6: {  	v56 =	vand.u32 $0x7F, v17;
	v15 =	vor.u32 s26, v55;
	v14 =	vld.idx.msk [tilespmem:v16+s4+$0x0], $0xffff  }
0xc7: {  	v16 =	vor.u32 v56, v20;
	_ =	sdelay $0x3  }
0xc8: {  	v57 =	vor.u32 s30, v8;
	v17 =	vor.u32 s29, v25;
	[tilespmem:v15+s15+$0x0] =	vst.idx.msk $0xffff, v14  }
0xc9: {  	v58 =	vand.u32 $0x7F, v17;
	v15 =	vor.u32 s26, v57;
	v14 =	vld.idx.msk [tilespmem:v16+s4+$0x0], $0xffff  }
0xca: {  	v16 =	vor.u32 v58, v20;
	_ =	sdelay $0x3  }
0xcb: {  	v59 =	vor.u32 s30, v9;
	v17 =	vor.u32 s29, v26;
	[tilespmem:v15+s15+$0x0] =	vst.idx.msk $0xffff, v14  }
0xcc: {  	v60 =	vand.u32 $0x7F, v17;
	v15 =	vor.u32 s26, v59;
	v14 =	vld.idx.msk [tilespmem:v16+s4+$0x0], $0xffff  }
0xcd: {  	v16 =	vor.u32 v60, v20;
	_ =	sdelay $0x3  }
0xce: {  	v61 =	vor.u32 s30, v10;
	v17 =	vor.u32 s29, v27;
	[tilespmem:v15+s15+$0x0] =	vst.idx.msk $0xffff, v14  }
0xcf: {  	v62 =	vand.u32 $0x7F, v17;
	v15 =	vor.u32 s26, v61;
	v14 =	vld.idx.msk [tilespmem:v16+s4+$0x0], $0xffff  }
0xd0: {  	v16 =	vor.u32 v62, v20;
	_ =	sdelay $0x3  }
0xd1: {  	v63 =	vor.u32 s30, v11;
	v17 =	vor.u32 s29, v28;
	[tilespmem:v15+s15+$0x0] =	vst.idx.msk $0xffff, v14  }
0xd2: {  	v19 =	vor.u32 s26, v63;
	v15 =	vand.u32 $0x7F, v17;
	v18 =	vld.idx.msk [tilespmem:v16+s4+$0x0], $0xffff  }
0xd3: {  	v32 =	vor.u32 v15, v20;
	_ =	sdelay $0x3  }
0xd4: {  	v17 =	vor.u32 s29, v29;
	v16 =	vor.u32 s30, v12;
	[tilespmem:v19+s15+$0x0] =	vst.idx.msk $0xffff, v18  }
0xd5: {  	v17 =	vand.u32 $0x7F, v17;
	v19 =	vor.u32 s26, v16;
	v18 =	vld.idx.msk [tilespmem:v32+s4+$0x0], $0xffff  }
0xd6: {  	v32 =	vor.u32 v17, v20  }
0xd7: {  	s29 =	simm.s32 $0x10  }
0xd8: {  	s31 =	simm.s32 $0x20;
	v14 =	vor.u32 s30, v13;
	s30 =	simm.s32 $0x0;
	v20 =	vmov s29  }
.LBB2_5:
0xd9: {  	p5 =	sne.s32 s31, $0x30;
	v20 =	vshll.u32 v20, $0x8  }
0xda: {  	v20 =	vor.u32 v33, v20;
	[tilespmem:v19+s15+$0x0] =	vst.idx.msk $0xffff, v18  }
0xdb: {  	v18 =	vand.u32 $0x3800, v20;
	v19 =	vld.idx.msk [tilespmem:v32+s4+$0x0], $0xffff  }
0xdc: {  	v32 =	vor.u32 v18, v36;
	v18 =	vor.u32 s30, v14;
	s30 =	smov.u32 s29;
	s29 =	smov.u32 s31  }
0xdd: {  	v20 =	vor.u32 v35, v32;
	_ =	sdelay $0x3  }
0xde: {  	[tilespmem:v18+s15+$0x0] =	vst.idx.msk $0xffff, v19  }
0xdf: {  	v18 =	vld.idx.msk [tilespmem:v20+s4+$0x0], $0xffff  }
0xe0: {  	v19 =	vor.u32 s30, v37  }
0xe1: {  	v20 =	vor.u32 v38, v32;
	_ =	sdelay $0x3  }
0xe2: {  	[tilespmem:v19+s15+$0x0] =	vst.idx.msk $0xffff, v18  }
0xe3: {  	v18 =	vld.idx.msk [tilespmem:v20+s4+$0x0], $0xffff  }
0xe4: {  	v19 =	vor.u32 s30, v39  }
0xe5: {  	v20 =	vor.u32 v40, v32;
	_ =	sdelay $0x3  }
0xe6: {  	[tilespmem:v19+s15+$0x0] =	vst.idx.msk $0xffff, v18  }
0xe7: {  	v18 =	vld.idx.msk [tilespmem:v20+s4+$0x0], $0xffff  }
0xe8: {  	v19 =	vor.u32 s30, v41  }
0xe9: {  	v20 =	vor.u32 v42, v32;
	_ =	sdelay $0x3  }
0xea: {  	[tilespmem:v19+s15+$0x0] =	vst.idx.msk $0xffff, v18  }
0xeb: {  	v18 =	vld.idx.msk [tilespmem:v20+s4+$0x0], $0xffff  }
0xec: {  	v19 =	vor.u32 s30, v43  }
0xed: {  	v20 =	vor.u32 v44, v32;
	_ =	sdelay $0x3  }
0xee: {  	[tilespmem:v19+s15+$0x0] =	vst.idx.msk $0xffff, v18  }
0xef: {  	v18 =	vld.idx.msk [tilespmem:v20+s4+$0x0], $0xffff  }
0xf0: {  	v19 =	vor.u32 s30, v45  }
0xf1: {  	v20 =	vor.u32 v46, v32;
	_ =	sdelay $0x3  }
0xf2: {  	[tilespmem:v19+s15+$0x0] =	vst.idx.msk $0xffff, v18  }
0xf3: {  	v18 =	vld.idx.msk [tilespmem:v20+s4+$0x0], $0xffff  }
0xf4: {  	v19 =	vor.u32 s30, v47  }
0xf5: {  	v20 =	vor.u32 v48, v32;
	_ =	sdelay $0x3  }
0xf6: {  	[tilespmem:v19+s15+$0x0] =	vst.idx.msk $0xffff, v18  }
0xf7: {  	v18 =	vld.idx.msk [tilespmem:v20+s4+$0x0], $0xffff  }
0xf8: {  	v19 =	vor.u32 s30, v49  }
0xf9: {  	v20 =	vor.u32 v50, v32;
	_ =	sdelay $0x3  }
0xfa: {  	[tilespmem:v19+s15+$0x0] =	vst.idx.msk $0xffff, v18  }
0xfb: {  	v18 =	vld.idx.msk [tilespmem:v20+s4+$0x0], $0xffff  }
0xfc: {  	v19 =	vor.u32 s30, v51  }
0xfd: {  	v20 =	vor.u32 v52, v32;
	_ =	sdelay $0x3  }
0xfe: {  	[tilespmem:v19+s15+$0x0] =	vst.idx.msk $0xffff, v18  }
0xff: {  	v18 =	vld.idx.msk [tilespmem:v20+s4+$0x0], $0xffff  }
0x100: {  	v19 =	vor.u32 s30, v53  }
0x101: {  	v20 =	vor.u32 v54, v32;
	_ =	sdelay $0x3  }
0x102: {  	[tilespmem:v19+s15+$0x0] =	vst.idx.msk $0xffff, v18  }
0x103: {  	v18 =	vld.idx.msk [tilespmem:v20+s4+$0x0], $0xffff  }
0x104: {  	v19 =	vor.u32 s30, v55  }
0x105: {  	v20 =	vor.u32 v56, v32;
	_ =	sdelay $0x3  }
0x106: {  	[tilespmem:v19+s15+$0x0] =	vst.idx.msk $0xffff, v18  }
0x107: {  	v18 =	vld.idx.msk [tilespmem:v20+s4+$0x0], $0xffff  }
0x108: {  	v19 =	vor.u32 s30, v57  }
0x109: {  	v20 =	vor.u32 v58, v32;
	_ =	sdelay $0x3  }
0x10a: {  	[tilespmem:v19+s15+$0x0] =	vst.idx.msk $0xffff, v18  }
0x10b: {  	v18 =	vld.idx.msk [tilespmem:v20+s4+$0x0], $0xffff  }
0x10c: {  	v19 =	vor.u32 s30, v59  }
0x10d: {  	v20 =	vor.u32 v60, v32;
	_ =	sdelay $0x3  }
0x10e: {  	[tilespmem:v19+s15+$0x0] =	vst.idx.msk $0xffff, v18  }
0x10f: {  	v18 =	vld.idx.msk [tilespmem:v20+s4+$0x0], $0xffff  }
0x110: {  	v19 =	vor.u32 s30, v61  }
0x111: {  	v20 =	vor.u32 v62, v32;
	_ =	sdelay $0x3  }
0x112: {  	[tilespmem:v19+s15+$0x0] =	vst.idx.msk $0xffff, v18  }
0x113: {  	v18 =	vld.idx.msk [tilespmem:v20+s4+$0x0], $0xffff  }
0x114: {  	v19 =	vor.u32 s30, v63  }
0x115: {  	v20 =	vor.u32 v15, v32;
	_ =	sdelay $0x3  }
0x116: {  	[tilespmem:v19+s15+$0x0] =	vst.idx.msk $0xffff, v18  }
.Ltmp5:
0x117: {  	v18 =	vld.idx.msk [tilespmem:v20+s4+$0x0], $0xffff;
	(pc) =	sbr.rel @p5 .LBB2_5-.Ltmp5, $3  }
0x118: {  	v19 =	vor.u32 s30, v16  }
0x119: {  	v32 =	vor.u32 v17, v32;
	_ =	sdelay $0x1  }
0x11a: {  	s31 =	sadd.s32 $0x10, s31;
	v20 =	vmov s29  }
0x11b: {  	_ =	sdelay $0x1  }
0x11c: {  	v20 =	vshll.u32 v20, $0x8  }
0x11d: {  	v20 =	vor.u32 v33, v20  }
0x11e: {  	[tilespmem:v19+s15+$0x0] =	vst.idx.msk $0xffff, v18;
	v18 =	vand.u32 $0x3800, v20  }
0x11f: {  	v19 =	vld.idx.msk [tilespmem:v32+s4+$0x0], $0xffff;
	v20 =	vor.u32 s30, v14;
	v18 =	vor.u32 v18, v36  }
0x120: {  	v36 =	vor.u32 v35, v18;
	_ =	sdelay $0x3  }
0x121: {  	[tilespmem:v20+s15+$0x0] =	vst.idx.msk $0xffff, v19  }
0x122: {  	v20 =	vor.u32 s29, v37;
	v19 =	vld.idx.msk [tilespmem:v36+s4+$0x0], $0xffff  }
0x123: {  	v38 =	vor.u32 v38, v18;
	_ =	sdelay $0x3  }
0x124: {  	[tilespmem:v20+s15+$0x0] =	vst.idx.msk $0xffff, v19  }
0x125: {  	v20 =	vor.u32 s29, v39;
	v19 =	vld.idx.msk [tilespmem:v38+s4+$0x0], $0xffff  }
0x126: {  	v40 =	vor.u32 v40, v18;
	_ =	sdelay $0x3  }
0x127: {  	[tilespmem:v20+s15+$0x0] =	vst.idx.msk $0xffff, v19  }
0x128: {  	v20 =	vor.u32 s29, v41;
	v19 =	vld.idx.msk [tilespmem:v40+s4+$0x0], $0xffff  }
0x129: {  	v42 =	vor.u32 v42, v18;
	_ =	sdelay $0x3  }
0x12a: {  	[tilespmem:v20+s15+$0x0] =	vst.idx.msk $0xffff, v19  }
0x12b: {  	v20 =	vor.u32 s29, v43;
	v19 =	vld.idx.msk [tilespmem:v42+s4+$0x0], $0xffff  }
0x12c: {  	v44 =	vor.u32 v44, v18;
	_ =	sdelay $0x3  }
0x12d: {  	[tilespmem:v20+s15+$0x0] =	vst.idx.msk $0xffff, v19  }
0x12e: {  	v20 =	vor.u32 s29, v45;
	v19 =	vld.idx.msk [tilespmem:v44+s4+$0x0], $0xffff  }
0x12f: {  	v46 =	vor.u32 v46, v18;
	_ =	sdelay $0x3  }
0x130: {  	[tilespmem:v20+s15+$0x0] =	vst.idx.msk $0xffff, v19  }
0x131: {  	v20 =	vor.u32 s29, v47;
	v19 =	vld.idx.msk [tilespmem:v46+s4+$0x0], $0xffff  }
0x132: {  	v48 =	vor.u32 v48, v18;
	_ =	sdelay $0x3  }
0x133: {  	[tilespmem:v20+s15+$0x0] =	vst.idx.msk $0xffff, v19  }
0x134: {  	v20 =	vor.u32 s29, v49;
	v19 =	vld.idx.msk [tilespmem:v48+s4+$0x0], $0xffff  }
0x135: {  	v50 =	vor.u32 v50, v18;
	_ =	sdelay $0x3  }
0x136: {  	[tilespmem:v20+s15+$0x0] =	vst.idx.msk $0xffff, v19  }
0x137: {  	v20 =	vor.u32 s29, v51;
	v19 =	vld.idx.msk [tilespmem:v50+s4+$0x0], $0xffff  }
0x138: {  	v52 =	vor.u32 v52, v18;
	_ =	sdelay $0x3  }
0x139: {  	[tilespmem:v20+s15+$0x0] =	vst.idx.msk $0xffff, v19  }
0x13a: {  	v20 =	vor.u32 s29, v53;
	v19 =	vld.idx.msk [tilespmem:v52+s4+$0x0], $0xffff  }
0x13b: {  	v54 =	vor.u32 v54, v18;
	_ =	sdelay $0x3  }
0x13c: {  	[tilespmem:v20+s15+$0x0] =	vst.idx.msk $0xffff, v19  }
0x13d: {  	v20 =	vor.u32 s29, v55;
	v19 =	vld.idx.msk [tilespmem:v54+s4+$0x0], $0xffff  }
0x13e: {  	v56 =	vor.u32 v56, v18;
	_ =	sdelay $0x3  }
0x13f: {  	[tilespmem:v20+s15+$0x0] =	vst.idx.msk $0xffff, v19  }
0x140: {  	v20 =	vor.u32 s29, v57;
	v19 =	vld.idx.msk [tilespmem:v56+s4+$0x0], $0xffff  }
0x141: {  	v58 =	vor.u32 v58, v18;
	_ =	sdelay $0x3  }
0x142: {  	[tilespmem:v20+s15+$0x0] =	vst.idx.msk $0xffff, v19  }
0x143: {  	v20 =	vor.u32 s29, v59;
	v19 =	vld.idx.msk [tilespmem:v58+s4+$0x0], $0xffff  }
0x144: {  	v60 =	vor.u32 v60, v18;
	_ =	sdelay $0x3  }
0x145: {  	[tilespmem:v20+s15+$0x0] =	vst.idx.msk $0xffff, v19  }
0x146: {  	v20 =	vor.u32 s29, v61;
	v19 =	vld.idx.msk [tilespmem:v60+s4+$0x0], $0xffff  }
0x147: {  	v62 =	vor.u32 v62, v18;
	_ =	sdelay $0x3  }
0x148: {  	[tilespmem:v20+s15+$0x0] =	vst.idx.msk $0xffff, v19  }
0x149: {  	v20 =	vor.u32 s29, v63;
	v19 =	vld.idx.msk [tilespmem:v62+s4+$0x0], $0xffff  }
0x14a: {  	v15 =	vor.u32 v15, v18;
	_ =	sdelay $0x3  }
0x14b: {  	[tilespmem:v20+s15+$0x0] =	vst.idx.msk $0xffff, v19  }
0x14c: {  	v16 =	vor.u32 s29, v16;
	v15 =	vld.idx.msk [tilespmem:v15+s4+$0x0], $0xffff  }
0x14d: {  	v17 =	vor.u32 v17, v18;
	_ =	sdelay $0x3  }
0x14e: {  	s28 =	sadd.s32 $0x1, s28;
	[tilespmem:v16+s15+$0x0] =	vst.idx.msk $0xffff, v15  }
0x14f: {  	p5 =	sne.s32 s28, $0x10;
	v14 =	vor.u32 s29, v14;
	v15 =	vld.idx.msk [tilespmem:v17+s4+$0x0], $0xffff  }
.Ltmp6:
0x150: {  	_ = 	snop;
	(pc) =	sbr.rel @p5 .LBB2_4-.Ltmp6, $2  }
0x151: {  	_ =	sdelay $0x2  }
0x152: {  	[tilespmem:v14+s15+$0x0] =	vst.idx.msk $0xffff, v15  }
0x153: {  	p5 =	sgt.u32 s25, $0x7A0;
	s26 =	simm.s32 $0x3F85F  }
0x154: {  	s26 =	simm.s32 @!p5 $0x0  }
0x155: {  	s28 =	simm.s32 $0x1E84800;
	s26 =	sadd.s32 s25, s26  }
0x156: {  	s28 =	simm.s32 @!p5 $0x0;
	s26 =	sshll.u32 s26, $0xE  }
0x157: {  	s26 =	sadd.s32 s28, s26  }
0x158: {  	s26 =	sshrl.u32 s26, $0x3  }
0x159: {  	s26 =	sadd.s32 s6, s26  }
0x15a: {  	[hbm4b:s26+s4] =	stream.linear.scatter [tilespmem:s15], [sflag:$0x2], $0x4000, $0x38;
	[tilespmem:$0x12000] =	vst v63  }
.LBB2_8:
0x15b: {  	p5 =	sge.u32 s24, s7  }
.Ltmp7:
0x15c: {  	_ = 	snop;
	(pc) =	sbr.rel @p5 .LBB2_14-.Ltmp7, $1  }
0x15d: {  	_ =	sdelay $0x3  }
0x15e: {  	s26 =	sadd.s32 $0x2, s25  }
0x15f: {  	p5 =	sge.u32 s26, s7  }
0x160: {  	p6 =	slt.u32 @!p5 s25, $0x79F  }
0x161: {  	s28 =	simm.s32 @!p5 $0x0;
	p6 =	por !p6, p5  }
0x162: {  	_ =	swait.ge [sflag:s14], $0x4000;
	s28 =	simm.s32 @p6 $0x1FF85F  }
0x163: {  	[sflag:s14] =	ssyncset.done $0x0;
	s26 =	sadd.s32 @!p5 s26, s28  }
0x164: {  	[sflag:s14] =	ssyncadd.s32 $0xFFFFC000;
	s28 =	smov.u32 s0;
	s26 =	sshll.u32 @!p5 s26, $0x8  }
0x165: {  	s29 =	simm.s32 @!p5 $0x0;
	s28 =	smov.u32 @p6 s1;
	s26 =	sand.u32 @!p5 $0x1FFFFF00, s26  }
0x166: {  	s30 =	simm.s32 @!p5 $0x3D0C00;
	s26 =	sadd.s32 @!p5 s28, s26;
	s28 =	simm.s32 @!p5 $0x800  }
0x167: {  	[tilespmem:s29], [sflag:$0x1] =	stream.strided.gather @!p5 [hbm4b:s26+s28], $0x4000, s30, s28, $0x38;
	[tilespmem:$0x12000] =	vst v63  }
0x168: {  	p5 =	seq.s32 s23, $0x0  }
0x169: {  	s26 =	simm.s32 @!p5 $0x2  }
0x16a: {  	_ =	swait.ge @!p5 [sflag:s26], $0x4000  }
0x16b: {  	[sflag:s26] =	ssyncset.done @!p5 $0x0  }
0x16c: {  	s28 =	simm.s32 $0x0;
	[sflag:s26] =	ssyncadd.s32 @!p5 $0xFFFFC000;
	s26 =	simm.s32 $0x0  }
.LBB2_10:
0x16d: {  	v17 =	vld [tilespmem:$0x1FFF0]  }
0x16e: {  	s29 =	sshll.u32 s28, $0x4  }
0x16f: {  	v15 =	vmov s26;
	v14 =	vmov s29  }
0x170: {  	v15 =	vshll.u32 v15, $0x8;
	v14 =	vshll.u32 v14, $0x3  }
0x171: {  	v16 =	vlaneseq.u32;
	v15 =	vor.u32 v33, v15;
	v14 =	vand.u32 $0x400, v14  }
0x172: {  	v16 =	vor.u32 s29, v16;
	v36 =	vor.u32 v17, v14;
	v14 =	vand.u32 $0x3800, v15  }
0x173: {  	v35 =	vand.u32 $0x7F, v16;
	v15 =	vld [tilespmem:$0x1FFA0];
	v20 =	vor.u32 v14, v36  }
0x174: {  	v14 =	vor.u32 v35, v20;
	_ =	sdelay $0x2  }
0x175: {  	s30 =	sshll.u32 s28, $0xA  }
0x176: {  	v37 =	vor.u32 s30, v30;
	v17 =	vld [tilespmem:$0x1FFB0];
	v15 =	vor.u32 s29, v15  }
0x177: {  	v38 =	vand.u32 $0x7F, v15;
	v15 =	vor.u32 s26, v37;
	v14 =	vld.idx.msk [tilespmem:v14+s16+$0x0], $0xffff  }
0x178: {  	v16 =	vor.u32 v38, v20;
	_ =	sdelay $0x2  }
0x179: {  	v17 =	vor.u32 s29, v17  }
0x17a: {  	v39 =	vor.u32 s30, v1;
	v40 =	vand.u32 $0x7F, v17;
	v17 =	vld [tilespmem:$0x1FFC0];
	[tilespmem:v15+s17+$0x0] =	vst.idx.msk $0xffff, v14  }
0x17b: {  	v15 =	vor.u32 s26, v39;
	v14 =	vld.idx.msk [tilespmem:v16+s16+$0x0], $0xffff  }
0x17c: {  	v16 =	vor.u32 v40, v20;
	_ =	sdelay $0x2  }
0x17d: {  	v17 =	vor.u32 s29, v17  }
0x17e: {  	v41 =	vor.u32 s30, v2;
	v42 =	vand.u32 $0x7F, v17;
	v17 =	vld [tilespmem:$0x1FFD0];
	[tilespmem:v15+s17+$0x0] =	vst.idx.msk $0xffff, v14  }
0x17f: {  	v15 =	vor.u32 s26, v41;
	v14 =	vld.idx.msk [tilespmem:v16+s16+$0x0], $0xffff  }
0x180: {  	v16 =	vor.u32 v42, v20;
	_ =	sdelay $0x2  }
0x181: {  	v17 =	vor.u32 s29, v17  }
0x182: {  	v43 =	vor.u32 s30, v3;
	v44 =	vand.u32 $0x7F, v17;
	v17 =	vld [tilespmem:$0x1FFE0];
	[tilespmem:v15+s17+$0x0] =	vst.idx.msk $0xffff, v14  }
0x183: {  	v15 =	vor.u32 s26, v43;
	v14 =	vld.idx.msk [tilespmem:v16+s16+$0x0], $0xffff  }
0x184: {  	v16 =	vor.u32 v44, v20;
	_ =	sdelay $0x3  }
0x185: {  	v45 =	vor.u32 s30, v31;
	v17 =	vor.u32 s29, v17;
	[tilespmem:v15+s17+$0x0] =	vst.idx.msk $0xffff, v14  }
0x186: {  	v46 =	vand.u32 $0x7F, v17;
	v15 =	vor.u32 s26, v45;
	v14 =	vld.idx.msk [tilespmem:v16+s16+$0x0], $0xffff  }
0x187: {  	v16 =	vor.u32 v46, v20;
	_ =	sdelay $0x3  }
0x188: {  	v47 =	vor.u32 s30, v0;
	v17 =	vor.u32 s29, v21;
	[tilespmem:v15+s17+$0x0] =	vst.idx.msk $0xffff, v14  }
0x189: {  	v48 =	vand.u32 $0x7F, v17;
	v15 =	vor.u32 s26, v47;
	v14 =	vld.idx.msk [tilespmem:v16+s16+$0x0], $0xffff  }
0x18a: {  	v16 =	vor.u32 v48, v20;
	_ =	sdelay $0x2  }
0x18b: {  	v17 =	vor.u32 s29, v22  }
0x18c: {  	v49 =	vor.u32 s30, v4;
	v50 =	vand.u32 $0x7F, v17;
	v17 =	vld [tilespmem:$0x1FF90];
	[tilespmem:v15+s17+$0x0] =	vst.idx.msk $0xffff, v14  }
0x18d: {  	v15 =	vor.u32 s26, v49;
	v14 =	vld.idx.msk [tilespmem:v16+s16+$0x0], $0xffff  }
0x18e: {  	v16 =	vor.u32 v50, v20;
	_ =	sdelay $0x3  }
0x18f: {  	v51 =	vor.u32 s30, v5;
	v17 =	vor.u32 s29, v17;
	[tilespmem:v15+s17+$0x0] =	vst.idx.msk $0xffff, v14  }
0x190: {  	v52 =	vand.u32 $0x7F, v17;
	v15 =	vor.u32 s26, v51;
	v14 =	vld.idx.msk [tilespmem:v16+s16+$0x0], $0xffff  }
0x191: {  	v16 =	vor.u32 v52, v20;
	_ =	sdelay $0x3  }
0x192: {  	v53 =	vor.u32 s30, v6;
	v17 =	vor.u32 s29, v23;
	[tilespmem:v15+s17+$0x0] =	vst.idx.msk $0xffff, v14  }
0x193: {  	v54 =	vand.u32 $0x7F, v17;
	v15 =	vor.u32 s26, v53;
	v14 =	vld.idx.msk [tilespmem:v16+s16+$0x0], $0xffff  }
0x194: {  	v16 =	vor.u32 v54, v20;
	_ =	sdelay $0x3  }
0x195: {  	v55 =	vor.u32 s30, v7;
	v17 =	vor.u32 s29, v24;
	[tilespmem:v15+s17+$0x0] =	vst.idx.msk $0xffff, v14  }
0x196: {  	v56 =	vand.u32 $0x7F, v17;
	v15 =	vor.u32 s26, v55;
	v14 =	vld.idx.msk [tilespmem:v16+s16+$0x0], $0xffff  }
0x197: {  	v16 =	vor.u32 v56, v20;
	_ =	sdelay $0x3  }
0x198: {  	v57 =	vor.u32 s30, v8;
	v17 =	vor.u32 s29, v25;
	[tilespmem:v15+s17+$0x0] =	vst.idx.msk $0xffff, v14  }
0x199: {  	v58 =	vand.u32 $0x7F, v17;
	v15 =	vor.u32 s26, v57;
	v14 =	vld.idx.msk [tilespmem:v16+s16+$0x0], $0xffff  }
0x19a: {  	v16 =	vor.u32 v58, v20;
	_ =	sdelay $0x3  }
0x19b: {  	v59 =	vor.u32 s30, v9;
	v17 =	vor.u32 s29, v26;
	[tilespmem:v15+s17+$0x0] =	vst.idx.msk $0xffff, v14  }
0x19c: {  	v60 =	vand.u32 $0x7F, v17;
	v15 =	vor.u32 s26, v59;
	v14 =	vld.idx.msk [tilespmem:v16+s16+$0x0], $0xffff  }
0x19d: {  	v16 =	vor.u32 v60, v20;
	_ =	sdelay $0x3  }
0x19e: {  	v61 =	vor.u32 s30, v10;
	v17 =	vor.u32 s29, v27;
	[tilespmem:v15+s17+$0x0] =	vst.idx.msk $0xffff, v14  }
0x19f: {  	v62 =	vand.u32 $0x7F, v17;
	v15 =	vld.idx.msk [tilespmem:v16+s16+$0x0], $0xffff;
	v16 =	vor.u32 s26, v61  }
0x1a0: {  	v17 =	vor.u32 v62, v20;
	_ =	sdelay $0x3  }
0x1a1: {  	v18 =	vor.u32 s29, v28;
	v14 =	vor.u32 s30, v11;
	[tilespmem:v16+s17+$0x0] =	vst.idx.msk $0xffff, v15  }
0x1a2: {  	v19 =	vor.u32 s26, v14;
	v15 =	vand.u32 $0x7F, v18;
	v18 =	vld.idx.msk [tilespmem:v17+s16+$0x0], $0xffff  }
0x1a3: {  	v32 =	vor.u32 v15, v20;
	_ =	sdelay $0x3  }
0x1a4: {  	v16 =	vor.u32 s30, v12;
	v17 =	vor.u32 s29, v29;
	[tilespmem:v19+s17+$0x0] =	vst.idx.msk $0xffff, v18  }
0x1a5: {  	v17 =	vand.u32 $0x7F, v17;
	v19 =	vor.u32 s26, v16;
	v18 =	vld.idx.msk [tilespmem:v32+s16+$0x0], $0xffff  }
0x1a6: {  	v32 =	vor.u32 v17, v20  }
0x1a7: {  	s29 =	simm.s32 $0x10  }
0x1a8: {  	s31 =	simm.s32 $0x20;
	v63 =	vor.u32 s30, v13;
	s30 =	simm.s32 $0x0;
	v20 =	vmov s29  }
.LBB2_11:
0x1a9: {  	p5 =	sne.s32 s31, $0x30;
	v20 =	vshll.u32 v20, $0x8  }
0x1aa: {  	v20 =	vor.u32 v33, v20;
	[tilespmem:v19+s17+$0x0] =	vst.idx.msk $0xffff, v18  }
0x1ab: {  	v18 =	vand.u32 $0x3800, v20;
	v19 =	vld.idx.msk [tilespmem:v32+s16+$0x0], $0xffff  }
0x1ac: {  	v32 =	vor.u32 v18, v36;
	v18 =	vor.u32 s30, v63;
	s30 =	smov.u32 s29;
	s29 =	smov.u32 s31  }
0x1ad: {  	v20 =	vor.u32 v35, v32;
	_ =	sdelay $0x3  }
0x1ae: {  	[tilespmem:v18+s17+$0x0] =	vst.idx.msk $0xffff, v19  }
0x1af: {  	v18 =	vld.idx.msk [tilespmem:v20+s16+$0x0], $0xffff  }
0x1b0: {  	v19 =	vor.u32 s30, v37  }
0x1b1: {  	v20 =	vor.u32 v38, v32;
	_ =	sdelay $0x3  }
0x1b2: {  	[tilespmem:v19+s17+$0x0] =	vst.idx.msk $0xffff, v18  }
0x1b3: {  	v18 =	vld.idx.msk [tilespmem:v20+s16+$0x0], $0xffff  }
0x1b4: {  	v19 =	vor.u32 s30, v39  }
0x1b5: {  	v20 =	vor.u32 v40, v32;
	_ =	sdelay $0x3  }
0x1b6: {  	[tilespmem:v19+s17+$0x0] =	vst.idx.msk $0xffff, v18  }
0x1b7: {  	v18 =	vld.idx.msk [tilespmem:v20+s16+$0x0], $0xffff  }
0x1b8: {  	v19 =	vor.u32 s30, v41  }
0x1b9: {  	v20 =	vor.u32 v42, v32;
	_ =	sdelay $0x3  }
0x1ba: {  	[tilespmem:v19+s17+$0x0] =	vst.idx.msk $0xffff, v18  }
0x1bb: {  	v18 =	vld.idx.msk [tilespmem:v20+s16+$0x0], $0xffff  }
0x1bc: {  	v19 =	vor.u32 s30, v43  }
0x1bd: {  	v20 =	vor.u32 v44, v32;
	_ =	sdelay $0x3  }
0x1be: {  	[tilespmem:v19+s17+$0x0] =	vst.idx.msk $0xffff, v18  }
0x1bf: {  	v18 =	vld.idx.msk [tilespmem:v20+s16+$0x0], $0xffff  }
0x1c0: {  	v19 =	vor.u32 s30, v45  }
0x1c1: {  	v20 =	vor.u32 v46, v32;
	_ =	sdelay $0x3  }
0x1c2: {  	[tilespmem:v19+s17+$0x0] =	vst.idx.msk $0xffff, v18  }
0x1c3: {  	v18 =	vld.idx.msk [tilespmem:v20+s16+$0x0], $0xffff  }
0x1c4: {  	v19 =	vor.u32 s30, v47  }
0x1c5: {  	v20 =	vor.u32 v48, v32;
	_ =	sdelay $0x3  }
0x1c6: {  	[tilespmem:v19+s17+$0x0] =	vst.idx.msk $0xffff, v18  }
0x1c7: {  	v18 =	vld.idx.msk [tilespmem:v20+s16+$0x0], $0xffff  }
0x1c8: {  	v19 =	vor.u32 s30, v49  }
0x1c9: {  	v20 =	vor.u32 v50, v32;
	_ =	sdelay $0x3  }
0x1ca: {  	[tilespmem:v19+s17+$0x0] =	vst.idx.msk $0xffff, v18  }
0x1cb: {  	v18 =	vld.idx.msk [tilespmem:v20+s16+$0x0], $0xffff  }
0x1cc: {  	v19 =	vor.u32 s30, v51  }
0x1cd: {  	v20 =	vor.u32 v52, v32;
	_ =	sdelay $0x3  }
0x1ce: {  	[tilespmem:v19+s17+$0x0] =	vst.idx.msk $0xffff, v18  }
0x1cf: {  	v18 =	vld.idx.msk [tilespmem:v20+s16+$0x0], $0xffff  }
0x1d0: {  	v19 =	vor.u32 s30, v53  }
0x1d1: {  	v20 =	vor.u32 v54, v32;
	_ =	sdelay $0x3  }
0x1d2: {  	[tilespmem:v19+s17+$0x0] =	vst.idx.msk $0xffff, v18  }
0x1d3: {  	v18 =	vld.idx.msk [tilespmem:v20+s16+$0x0], $0xffff  }
0x1d4: {  	v19 =	vor.u32 s30, v55  }
0x1d5: {  	v20 =	vor.u32 v56, v32;
	_ =	sdelay $0x3  }
0x1d6: {  	[tilespmem:v19+s17+$0x0] =	vst.idx.msk $0xffff, v18  }
0x1d7: {  	v18 =	vld.idx.msk [tilespmem:v20+s16+$0x0], $0xffff  }
0x1d8: {  	v19 =	vor.u32 s30, v57  }
0x1d9: {  	v20 =	vor.u32 v58, v32;
	_ =	sdelay $0x3  }
0x1da: {  	[tilespmem:v19+s17+$0x0] =	vst.idx.msk $0xffff, v18  }
0x1db: {  	v18 =	vld.idx.msk [tilespmem:v20+s16+$0x0], $0xffff  }
0x1dc: {  	v19 =	vor.u32 s30, v59  }
0x1dd: {  	v20 =	vor.u32 v60, v32;
	_ =	sdelay $0x3  }
0x1de: {  	[tilespmem:v19+s17+$0x0] =	vst.idx.msk $0xffff, v18  }
0x1df: {  	v18 =	vld.idx.msk [tilespmem:v20+s16+$0x0], $0xffff  }
0x1e0: {  	v19 =	vor.u32 s30, v61  }
0x1e1: {  	v20 =	vor.u32 v62, v32;
	_ =	sdelay $0x3  }
0x1e2: {  	[tilespmem:v19+s17+$0x0] =	vst.idx.msk $0xffff, v18  }
0x1e3: {  	v18 =	vld.idx.msk [tilespmem:v20+s16+$0x0], $0xffff  }
0x1e4: {  	v19 =	vor.u32 s30, v14  }
0x1e5: {  	v20 =	vor.u32 v15, v32;
	_ =	sdelay $0x3  }
0x1e6: {  	[tilespmem:v19+s17+$0x0] =	vst.idx.msk $0xffff, v18  }
.Ltmp8:
0x1e7: {  	v18 =	vld.idx.msk [tilespmem:v20+s16+$0x0], $0xffff;
	(pc) =	sbr.rel @p5 .LBB2_11-.Ltmp8, $3  }
0x1e8: {  	v19 =	vor.u32 s30, v16  }
0x1e9: {  	v32 =	vor.u32 v17, v32;
	_ =	sdelay $0x1  }
0x1ea: {  	s31 =	sadd.s32 $0x10, s31;
	v20 =	vmov s29  }
0x1eb: {  	_ =	sdelay $0x1  }
0x1ec: {  	v20 =	vshll.u32 v20, $0x8  }
0x1ed: {  	v20 =	vor.u32 v33, v20  }
0x1ee: {  	[tilespmem:v19+s17+$0x0] =	vst.idx.msk $0xffff, v18;
	v18 =	vand.u32 $0x3800, v20  }
0x1ef: {  	v19 =	vld.idx.msk [tilespmem:v32+s16+$0x0], $0xffff;
	v20 =	vor.u32 s30, v63;
	v18 =	vor.u32 v18, v36  }
0x1f0: {  	v36 =	vor.u32 v35, v18;
	_ =	sdelay $0x3  }
0x1f1: {  	[tilespmem:v20+s17+$0x0] =	vst.idx.msk $0xffff, v19  }
0x1f2: {  	v20 =	vor.u32 s29, v37;
	v19 =	vld.idx.msk [tilespmem:v36+s16+$0x0], $0xffff  }
0x1f3: {  	v38 =	vor.u32 v38, v18;
	_ =	sdelay $0x3  }
0x1f4: {  	[tilespmem:v20+s17+$0x0] =	vst.idx.msk $0xffff, v19  }
0x1f5: {  	v20 =	vor.u32 s29, v39;
	v19 =	vld.idx.msk [tilespmem:v38+s16+$0x0], $0xffff  }
0x1f6: {  	v40 =	vor.u32 v40, v18;
	_ =	sdelay $0x3  }
0x1f7: {  	[tilespmem:v20+s17+$0x0] =	vst.idx.msk $0xffff, v19  }
0x1f8: {  	v20 =	vor.u32 s29, v41;
	v19 =	vld.idx.msk [tilespmem:v40+s16+$0x0], $0xffff  }
0x1f9: {  	v42 =	vor.u32 v42, v18;
	_ =	sdelay $0x3  }
0x1fa: {  	[tilespmem:v20+s17+$0x0] =	vst.idx.msk $0xffff, v19  }
0x1fb: {  	v20 =	vor.u32 s29, v43;
	v19 =	vld.idx.msk [tilespmem:v42+s16+$0x0], $0xffff  }
0x1fc: {  	v44 =	vor.u32 v44, v18;
	_ =	sdelay $0x3  }
0x1fd: {  	[tilespmem:v20+s17+$0x0] =	vst.idx.msk $0xffff, v19  }
0x1fe: {  	v20 =	vor.u32 s29, v45;
	v19 =	vld.idx.msk [tilespmem:v44+s16+$0x0], $0xffff  }
0x1ff: {  	v46 =	vor.u32 v46, v18;
	_ =	sdelay $0x3  }
0x200: {  	[tilespmem:v20+s17+$0x0] =	vst.idx.msk $0xffff, v19  }
0x201: {  	v20 =	vor.u32 s29, v47;
	v19 =	vld.idx.msk [tilespmem:v46+s16+$0x0], $0xffff  }
0x202: {  	v48 =	vor.u32 v48, v18;
	_ =	sdelay $0x3  }
0x203: {  	[tilespmem:v20+s17+$0x0] =	vst.idx.msk $0xffff, v19  }
0x204: {  	v20 =	vor.u32 s29, v49;
	v19 =	vld.idx.msk [tilespmem:v48+s16+$0x0], $0xffff  }
0x205: {  	v50 =	vor.u32 v50, v18;
	_ =	sdelay $0x3  }
0x206: {  	[tilespmem:v20+s17+$0x0] =	vst.idx.msk $0xffff, v19  }
0x207: {  	v20 =	vor.u32 s29, v51;
	v19 =	vld.idx.msk [tilespmem:v50+s16+$0x0], $0xffff  }
0x208: {  	v52 =	vor.u32 v52, v18;
	_ =	sdelay $0x3  }
0x209: {  	[tilespmem:v20+s17+$0x0] =	vst.idx.msk $0xffff, v19  }
0x20a: {  	v20 =	vor.u32 s29, v53;
	v19 =	vld.idx.msk [tilespmem:v52+s16+$0x0], $0xffff  }
0x20b: {  	v54 =	vor.u32 v54, v18;
	_ =	sdelay $0x3  }
0x20c: {  	[tilespmem:v20+s17+$0x0] =	vst.idx.msk $0xffff, v19  }
0x20d: {  	v20 =	vor.u32 s29, v55;
	v19 =	vld.idx.msk [tilespmem:v54+s16+$0x0], $0xffff  }
0x20e: {  	v56 =	vor.u32 v56, v18;
	_ =	sdelay $0x3  }
0x20f: {  	[tilespmem:v20+s17+$0x0] =	vst.idx.msk $0xffff, v19  }
0x210: {  	v20 =	vor.u32 s29, v57;
	v19 =	vld.idx.msk [tilespmem:v56+s16+$0x0], $0xffff  }
0x211: {  	v58 =	vor.u32 v58, v18;
	_ =	sdelay $0x3  }
0x212: {  	[tilespmem:v20+s17+$0x0] =	vst.idx.msk $0xffff, v19  }
0x213: {  	v20 =	vor.u32 s29, v59;
	v19 =	vld.idx.msk [tilespmem:v58+s16+$0x0], $0xffff  }
0x214: {  	v60 =	vor.u32 v60, v18;
	_ =	sdelay $0x3  }
0x215: {  	[tilespmem:v20+s17+$0x0] =	vst.idx.msk $0xffff, v19  }
0x216: {  	v20 =	vor.u32 s29, v61;
	v19 =	vld.idx.msk [tilespmem:v60+s16+$0x0], $0xffff  }
0x217: {  	v61 =	vor.u32 v62, v18;
	_ =	sdelay $0x3  }
0x218: {  	[tilespmem:v20+s17+$0x0] =	vst.idx.msk $0xffff, v19  }
0x219: {  	v14 =	vor.u32 s29, v14;
	v19 =	vld.idx.msk [tilespmem:v61+s16+$0x0], $0xffff  }
0x21a: {  	v15 =	vor.u32 v15, v18;
	_ =	sdelay $0x3  }
0x21b: {  	[tilespmem:v14+s17+$0x0] =	vst.idx.msk $0xffff, v19  }
0x21c: {  	v14 =	vld.idx.msk [tilespmem:v15+s16+$0x0], $0xffff;
	v15 =	vor.u32 s29, v16  }
0x21d: {  	v62 =	vor.u32 v17, v18;
	_ =	sdelay $0x3  }
0x21e: {  	s28 =	sadd.s32 $0x1, s28;
	[tilespmem:v15+s17+$0x0] =	vst.idx.msk $0xffff, v14  }
0x21f: {  	p5 =	sne.s32 s28, $0x10;
	v15 =	vor.u32 s29, v63;
	v14 =	vld.idx.msk [tilespmem:v62+s16+$0x0], $0xffff  }
.Ltmp9:
0x220: {  	_ = 	snop;
	(pc) =	sbr.rel @p5 .LBB2_10-.Ltmp9, $2  }
0x221: {  	_ =	sdelay $0x2  }
0x222: {  	[tilespmem:v15+s17+$0x0] =	vst.idx.msk $0xffff, v14  }
0x223: {  	p5 =	sgt.u32 s25, $0x79F;
	s25 =	simm.s32 $0x3F85F  }
0x224: {  	s25 =	simm.s32 @!p5 $0x0  }
0x225: {  	s26 =	simm.s32 $0x1E84800;
	s24 =	sadd.s32 s24, s25  }
.Ltmp10:
0x226: {  	s26 =	simm.s32 @!p5 $0x0;
	s24 =	sshll.u32 s24, $0xE;
	(pc) =	sbr.rel .LBB2_14-.Ltmp10, $4  }
0x227: {  	s24 =	sadd.s32 s26, s24  }
0x228: {  	s24 =	sshrl.u32 s24, $0x3  }
0x229: {  	s24 =	sadd.s32 s6, s24  }
0x22a: {  	[hbm4b:s24+s4] =	stream.linear.scatter [tilespmem:s17], [sflag:$0x2], $0x4000, $0x38;
	[tilespmem:$0x12000] =	vst v63  }
.LBB2_15:
.Ltmp11:
0x22b: {  	(pc) =	sbr.rel @p1 .LBB2_17-.Ltmp11, $1  }
0x22c: {  	_ =	sdelay $0x3  }
.Ltmp12:
0x22d: {  	(pc) =	sbr.rel .LBB2_18-.Ltmp12, $4  }
0x22e: {  	_ = 	snop  }
0x22f: {  	_ =	swait.ge [sflag:s18], $0x4000  }
0x230: {  	[sflag:s18] =	ssyncset.done $0x0  }
0x231: {  	[sflag:s18] =	ssyncadd.s32 $0xFFFFC000  }
.LBB2_17:
.Ltmp13:
0x232: {  	(pc) =	sbr.rel @p4 .LBB2_19-.Ltmp13, $1  }
0x233: {  	_ =	sdelay $0x3  }
.LBB2_18:
0x234: {  	_ =	swait.ge [sflag:s18], $0x4000  }
0x235: {  	[sflag:s18] =	ssyncset.done $0x0  }
0x236: {  	[sflag:s18] =	ssyncadd.s32 $0xFFFFC000  }
.LBB2_19:
.Ltmp14:
0x237: {  	(pc) =	sbr.rel @p2 .LBB2_26-.Ltmp14, $1  }
0x238: {  	_ =	sdelay $0x3  }
.Ltmp15:
0x239: {  	(pc) =	sbr.rel @p3 .LBB2_32-.Ltmp15, $1  }
0x23a: {  	_ =	sdelay $0x3  }
0x23b: {  	[tilespmem:s21], [sflag:$0x1] =	stream.strided.gather [hbm4b:s10+s19], $0x2000, s20, s19, $0x38;
	[tilespmem:$0x12000] =	vst v63  }
0x23c: {  	_ =	swait.ge [sflag:s14], $0x2000  }
0x23d: {  	s23 =	simm.s32 $0x0;
	[sflag:s14] =	ssyncset.done $0x0  }
0x23e: {  	p6 =	por $0x1, $0x1;
	s24 =	simm.s32 $0x0;
	[sflag:s14] =	ssyncadd.s32 $0xFFFFE000  }
.LBB2_22:
0x23f: {  	v14 =	vmov s23  }
0x240: {  	s26 =	sshll.u32 s24, $0x4;
	v15 =	vlaneseq.u32;
	v14 =	vshll.u32 v14, $0x7  }
0x241: {  	v35 =	vor.u32 s26, v15;
	v18 =	vor.u32 v34, v14  }
0x242: {  	v15 =	vld [tilespmem:$0x1FFA0];
	v14 =	vor.u32 v35, v18;
	_ =	sdelay $0x2  }
0x243: {  	s24 =	sshll.u32 s24, $0xA  }
0x244: {  	s25 =	sadd.s32 $0x0, s24  }
0x245: {  	v36 =	vor.u32 s26, v15;
	v15 =	vor.u32 s25, v30;
	v14 =	vld.idx.msk [tilespmem:v14+s21+$0x0], $0xffff;
	_ =	sdelay $0x4  }
0x246: {  	v16 =	vor.u32 v36, v18;
	[tilespmem:v15+s15+$0x0] =	vst.idx.msk $0xffff, v14;
	v14 =	vld [tilespmem:$0x1FFB0];
	_ =	sdelay $0x4  }
0x247: {  	v15 =	vor.u32 s25, v1;
	v37 =	vor.u32 s26, v14;
	v14 =	vld.idx.msk [tilespmem:v16+s21+$0x0], $0xffff;
	_ =	sdelay $0x4  }
0x248: {  	v16 =	vor.u32 v37, v18;
	[tilespmem:v15+s15+$0x0] =	vst.idx.msk $0xffff, v14;
	v14 =	vld [tilespmem:$0x1FFC0];
	_ =	sdelay $0x4  }
0x249: {  	v15 =	vor.u32 s25, v2;
	v38 =	vor.u32 s26, v14;
	v14 =	vld.idx.msk [tilespmem:v16+s21+$0x0], $0xffff;
	_ =	sdelay $0x4  }
0x24a: {  	v16 =	vor.u32 v38, v18;
	[tilespmem:v15+s15+$0x0] =	vst.idx.msk $0xffff, v14;
	v14 =	vld [tilespmem:$0x1FFD0];
	_ =	sdelay $0x4  }
0x24b: {  	v15 =	vor.u32 s25, v3;
	v39 =	vor.u32 s26, v14;
	v14 =	vld.idx.msk [tilespmem:v16+s21+$0x0], $0xffff;
	_ =	sdelay $0x4  }
0x24c: {  	v16 =	vor.u32 v39, v18;
	[tilespmem:v15+s15+$0x0] =	vst.idx.msk $0xffff, v14;
	v14 =	vld [tilespmem:$0x1FFE0];
	_ =	sdelay $0x4  }
0x24d: {  	v15 =	vor.u32 s25, v31;
	v40 =	vor.u32 s26, v14;
	v14 =	vld.idx.msk [tilespmem:v16+s21+$0x0], $0xffff  }
0x24e: {  	v16 =	vor.u32 v40, v18;
	_ =	sdelay $0x3  }
0x24f: {  	[tilespmem:v15+s15+$0x0] =	vst.idx.msk $0xffff, v14  }
0x250: {  	v41 =	vor.u32 s26, v21;
	v15 =	vor.u32 s25, v0;
	v14 =	vld.idx.msk [tilespmem:v16+s21+$0x0], $0xffff  }
0x251: {  	v16 =	vor.u32 v41, v18;
	_ =	sdelay $0x3  }
0x252: {  	[tilespmem:v15+s15+$0x0] =	vst.idx.msk $0xffff, v14  }
0x253: {  	v15 =	vld.idx.msk [tilespmem:v16+s21+$0x0], $0xffff;
	v16 =	vor.u32 s25, v4;
	_ =	sdelay $0x3  }
0x254: {  	v14 =	vor.u32 s26, v22  }
0x255: {  	v17 =	vor.u32 v14, v18;
	[tilespmem:v16+s15+$0x0] =	vst.idx.msk $0xffff, v15;
	v15 =	vld [tilespmem:$0x1FF90];
	_ =	sdelay $0x4  }
0x256: {  	v16 =	vld.idx.msk [tilespmem:v17+s21+$0x0], $0xffff;
	v17 =	vor.u32 s25, v5;
	v15 =	vor.u32 s26, v15  }
0x257: {  	v19 =	vor.u32 v15, v18;
	_ =	sdelay $0x3  }
0x258: {  	[tilespmem:v17+s15+$0x0] =	vst.idx.msk $0xffff, v16  }
0x259: {  	v42 =	vor.u32 s26, v23;
	v17 =	vor.u32 s25, v6;
	v16 =	vld.idx.msk [tilespmem:v19+s21+$0x0], $0xffff  }
0x25a: {  	v19 =	vor.u32 v42, v18;
	_ =	sdelay $0x3  }
0x25b: {  	[tilespmem:v17+s15+$0x0] =	vst.idx.msk $0xffff, v16  }
0x25c: {  	v16 =	vor.u32 s26, v24;
	v17 =	vld.idx.msk [tilespmem:v19+s21+$0x0], $0xffff;
	v19 =	vor.u32 s25, v7  }
0x25d: {  	v20 =	vor.u32 v16, v18;
	_ =	sdelay $0x3  }
0x25e: {  	[tilespmem:v19+s15+$0x0] =	vst.idx.msk $0xffff, v17  }
0x25f: {  	v17 =	vor.u32 s26, v25;
	v19 =	vld.idx.msk [tilespmem:v20+s21+$0x0], $0xffff;
	v20 =	vor.u32 s25, v8  }
0x260: {  	v32 =	vor.u32 v17, v18;
	_ =	sdelay $0x3  }
0x261: {  	[tilespmem:v20+s15+$0x0] =	vst.idx.msk $0xffff, v19  }
0x262: {  	v43 =	vor.u32 s26, v26;
	v20 =	vor.u32 s25, v9;
	v19 =	vld.idx.msk [tilespmem:v32+s21+$0x0], $0xffff  }
0x263: {  	v60 =	vor.u32 v43, v18;
	_ =	sdelay $0x3  }
0x264: {  	[tilespmem:v20+s15+$0x0] =	vst.idx.msk $0xffff, v19  }
0x265: {  	v44 =	vor.u32 s26, v27;
	v20 =	vor.u32 s25, v10;
	v19 =	vld.idx.msk [tilespmem:v60+s21+$0x0], $0xffff  }
0x266: {  	v61 =	vor.u32 v44, v18;
	_ =	sdelay $0x3  }
0x267: {  	[tilespmem:v20+s15+$0x0] =	vst.idx.msk $0xffff, v19  }
0x268: {  	v45 =	vor.u32 s26, v28;
	v20 =	vor.u32 s25, v11;
	v19 =	vld.idx.msk [tilespmem:v61+s21+$0x0], $0xffff  }
0x269: {  	v62 =	vor.u32 v45, v18;
	_ =	sdelay $0x3  }
0x26a: {  	[tilespmem:v20+s15+$0x0] =	vst.idx.msk $0xffff, v19  }
0x26b: {  	v46 =	vor.u32 s26, v29;
	v63 =	vor.u32 s25, v12;
	v20 =	vld.idx.msk [tilespmem:v62+s21+$0x0], $0xffff  }
0x26c: {  	v18 =	vor.u32 v46, v18;
	_ =	sdelay $0x2  }
0x26d: {  	s26 =	simm.s32 $0x10  }
0x26e: {  	p5 =	por p6, p6;
	s28 =	simm.s32 $0x20;
	v19 =	vmov s26;
	[tilespmem:v63+s15+$0x0] =	vst.idx.msk $0xffff, v20  }
.LBB2_23:
0x26f: {  	p6 =	sne.s32 s28, $0x30;
	v19 =	vshll.u32 v19, $0x7;
	v18 =	vld.idx.msk [tilespmem:v18+s21+$0x0], $0xffff  }
0x270: {  	v32 =	vor.u32 v34, v19;
	v19 =	vor.u32 s25, v13  }
0x271: {  	v20 =	vor.u32 v35, v32;
	_ =	sdelay $0x3  }
0x272: {  	[tilespmem:v19+s15+$0x0] =	vst.idx.msk $0xffff, v18  }
0x273: {  	s25 =	sadd.s32 s26, s24;
	s26 =	smov.u32 s28;
	v18 =	vld.idx.msk [tilespmem:v20+s21+$0x0], $0xffff  }
0x274: {  	v19 =	vor.u32 s25, v30  }
0x275: {  	v20 =	vor.u32 v36, v32;
	_ =	sdelay $0x3  }
0x276: {  	[tilespmem:v19+s15+$0x0] =	vst.idx.msk $0xffff, v18  }
0x277: {  	v18 =	vld.idx.msk [tilespmem:v20+s21+$0x0], $0xffff  }
0x278: {  	v19 =	vor.u32 s25, v1  }
0x279: {  	v20 =	vor.u32 v37, v32;
	_ =	sdelay $0x3  }
0x27a: {  	[tilespmem:v19+s15+$0x0] =	vst.idx.msk $0xffff, v18  }
0x27b: {  	v18 =	vld.idx.msk [tilespmem:v20+s21+$0x0], $0xffff  }
0x27c: {  	v19 =	vor.u32 s25, v2  }
0x27d: {  	v20 =	vor.u32 v38, v32;
	_ =	sdelay $0x3  }
0x27e: {  	[tilespmem:v19+s15+$0x0] =	vst.idx.msk $0xffff, v18  }
0x27f: {  	v18 =	vld.idx.msk [tilespmem:v20+s21+$0x0], $0xffff  }
0x280: {  	v19 =	vor.u32 s25, v3  }
0x281: {  	v20 =	vor.u32 v39, v32;
	_ =	sdelay $0x3  }
0x282: {  	[tilespmem:v19+s15+$0x0] =	vst.idx.msk $0xffff, v18  }
0x283: {  	v18 =	vld.idx.msk [tilespmem:v20+s21+$0x0], $0xffff  }
0x284: {  	v19 =	vor.u32 s25, v31  }
0x285: {  	v20 =	vor.u32 v40, v32;
	_ =	sdelay $0x3  }
0x286: {  	[tilespmem:v19+s15+$0x0] =	vst.idx.msk $0xffff, v18  }
0x287: {  	v18 =	vld.idx.msk [tilespmem:v20+s21+$0x0], $0xffff  }
0x288: {  	v19 =	vor.u32 s25, v0  }
0x289: {  	v20 =	vor.u32 v41, v32;
	_ =	sdelay $0x3  }
0x28a: {  	[tilespmem:v19+s15+$0x0] =	vst.idx.msk $0xffff, v18  }
0x28b: {  	v18 =	vld.idx.msk [tilespmem:v20+s21+$0x0], $0xffff  }
0x28c: {  	v19 =	vor.u32 s25, v4  }
0x28d: {  	v20 =	vor.u32 v14, v32;
	_ =	sdelay $0x3  }
0x28e: {  	[tilespmem:v19+s15+$0x0] =	vst.idx.msk $0xffff, v18  }
0x28f: {  	v18 =	vld.idx.msk [tilespmem:v20+s21+$0x0], $0xffff  }
0x290: {  	v19 =	vor.u32 s25, v5  }
0x291: {  	v20 =	vor.u32 v15, v32;
	_ =	sdelay $0x3  }
0x292: {  	[tilespmem:v19+s15+$0x0] =	vst.idx.msk $0xffff, v18  }
0x293: {  	v18 =	vld.idx.msk [tilespmem:v20+s21+$0x0], $0xffff  }
0x294: {  	v19 =	vor.u32 s25, v6  }
0x295: {  	v20 =	vor.u32 v42, v32;
	_ =	sdelay $0x3  }
0x296: {  	[tilespmem:v19+s15+$0x0] =	vst.idx.msk $0xffff, v18  }
0x297: {  	v18 =	vld.idx.msk [tilespmem:v20+s21+$0x0], $0xffff  }
0x298: {  	v19 =	vor.u32 s25, v7  }
0x299: {  	v20 =	vor.u32 v16, v32;
	_ =	sdelay $0x3  }
0x29a: {  	[tilespmem:v19+s15+$0x0] =	vst.idx.msk $0xffff, v18  }
0x29b: {  	v18 =	vld.idx.msk [tilespmem:v20+s21+$0x0], $0xffff  }
0x29c: {  	v19 =	vor.u32 s25, v8  }
0x29d: {  	v20 =	vor.u32 v17, v32;
	_ =	sdelay $0x3  }
0x29e: {  	[tilespmem:v19+s15+$0x0] =	vst.idx.msk $0xffff, v18  }
0x29f: {  	v18 =	vld.idx.msk [tilespmem:v20+s21+$0x0], $0xffff  }
0x2a0: {  	v19 =	vor.u32 s25, v9  }
0x2a1: {  	v20 =	vor.u32 v43, v32;
	_ =	sdelay $0x3  }
0x2a2: {  	[tilespmem:v19+s15+$0x0] =	vst.idx.msk $0xffff, v18  }
0x2a3: {  	v18 =	vld.idx.msk [tilespmem:v20+s21+$0x0], $0xffff  }
0x2a4: {  	v19 =	vor.u32 s25, v10  }
0x2a5: {  	v20 =	vor.u32 v44, v32;
	_ =	sdelay $0x3  }
0x2a6: {  	[tilespmem:v19+s15+$0x0] =	vst.idx.msk $0xffff, v18  }
0x2a7: {  	v18 =	vld.idx.msk [tilespmem:v20+s21+$0x0], $0xffff  }
0x2a8: {  	v19 =	vor.u32 s25, v11  }
0x2a9: {  	v20 =	vor.u32 v45, v32;
	_ =	sdelay $0x3  }
0x2aa: {  	[tilespmem:v19+s15+$0x0] =	vst.idx.msk $0xffff, v18  }
0x2ab: {  	v20 =	vld.idx.msk [tilespmem:v20+s21+$0x0], $0xffff  }
0x2ac: {  	v47 =	vor.u32 s25, v12  }
.Ltmp16:
0x2ad: {  	v18 =	vor.u32 v46, v32;
	(pc) =	sbr.rel @p6 .LBB2_23-.Ltmp16, $2  }
0x2ae: {  	_ =	sdelay $0x2  }
0x2af: {  	s28 =	sadd.s32 $0x10, s28;
	v19 =	vmov s26;
	[tilespmem:v47+s15+$0x0] =	vst.idx.msk $0xffff, v20  }
0x2b0: {  	_ =	sdelay $0x2  }
0x2b1: {  	v19 =	vshll.u32 v19, $0x7  }
0x2b2: {  	v18 =	vld.idx.msk [tilespmem:v18+s21+$0x0], $0xffff;
	v20 =	vor.u32 s25, v13;
	v19 =	vor.u32 v34, v19  }
0x2b3: {  	v32 =	vor.u32 v35, v19;
	_ =	sdelay $0x3  }
0x2b4: {  	s24 =	sadd.s32 s26, s24;
	[tilespmem:v20+s15+$0x0] =	vst.idx.msk $0xffff, v18  }
0x2b5: {  	v20 =	vor.u32 s24, v30;
	v18 =	vld.idx.msk [tilespmem:v32+s21+$0x0], $0xffff  }
0x2b6: {  	v51 =	vor.u32 v36, v19;
	_ =	sdelay $0x3  }
0x2b7: {  	[tilespmem:v20+s15+$0x0] =	vst.idx.msk $0xffff, v18  }
0x2b8: {  	v20 =	vor.u32 s24, v1;
	v18 =	vld.idx.msk [tilespmem:v51+s21+$0x0], $0xffff  }
0x2b9: {  	v52 =	vor.u32 v37, v19;
	_ =	sdelay $0x3  }
0x2ba: {  	[tilespmem:v20+s15+$0x0] =	vst.idx.msk $0xffff, v18  }
0x2bb: {  	v20 =	vor.u32 s24, v2;
	v18 =	vld.idx.msk [tilespmem:v52+s21+$0x0], $0xffff  }
0x2bc: {  	v53 =	vor.u32 v38, v19;
	_ =	sdelay $0x3  }
0x2bd: {  	[tilespmem:v20+s15+$0x0] =	vst.idx.msk $0xffff, v18  }
0x2be: {  	v20 =	vor.u32 s24, v3;
	v18 =	vld.idx.msk [tilespmem:v53+s21+$0x0], $0xffff  }
0x2bf: {  	v54 =	vor.u32 v39, v19;
	_ =	sdelay $0x3  }
0x2c0: {  	[tilespmem:v20+s15+$0x0] =	vst.idx.msk $0xffff, v18  }
0x2c1: {  	v20 =	vor.u32 s24, v31;
	v18 =	vld.idx.msk [tilespmem:v54+s21+$0x0], $0xffff  }
0x2c2: {  	v55 =	vor.u32 v40, v19;
	_ =	sdelay $0x3  }
0x2c3: {  	[tilespmem:v20+s15+$0x0] =	vst.idx.msk $0xffff, v18  }
0x2c4: {  	v20 =	vor.u32 s24, v0;
	v18 =	vld.idx.msk [tilespmem:v55+s21+$0x0], $0xffff  }
0x2c5: {  	v56 =	vor.u32 v41, v19;
	_ =	sdelay $0x3  }
0x2c6: {  	[tilespmem:v20+s15+$0x0] =	vst.idx.msk $0xffff, v18  }
0x2c7: {  	v20 =	vor.u32 s24, v4;
	v18 =	vld.idx.msk [tilespmem:v56+s21+$0x0], $0xffff  }
0x2c8: {  	v14 =	vor.u32 v14, v19;
	_ =	sdelay $0x3  }
0x2c9: {  	[tilespmem:v20+s15+$0x0] =	vst.idx.msk $0xffff, v18  }
0x2ca: {  	v57 =	vor.u32 s24, v5;
	v14 =	vld.idx.msk [tilespmem:v14+s21+$0x0], $0xffff  }
0x2cb: {  	v15 =	vor.u32 v15, v19;
	_ =	sdelay $0x3  }
0x2cc: {  	[tilespmem:v57+s15+$0x0] =	vst.idx.msk $0xffff, v14  }
0x2cd: {  	v14 =	vld.idx.msk [tilespmem:v15+s21+$0x0], $0xffff;
	v15 =	vor.u32 s24, v6  }
0x2ce: {  	v58 =	vor.u32 v42, v19;
	_ =	sdelay $0x3  }
0x2cf: {  	[tilespmem:v15+s15+$0x0] =	vst.idx.msk $0xffff, v14  }
0x2d0: {  	v15 =	vor.u32 s24, v7;
	v14 =	vld.idx.msk [tilespmem:v58+s21+$0x0], $0xffff  }
0x2d1: {  	v16 =	vor.u32 v16, v19;
	_ =	sdelay $0x3  }
0x2d2: {  	[tilespmem:v15+s15+$0x0] =	vst.idx.msk $0xffff, v14  }
0x2d3: {  	v15 =	vor.u32 s24, v8;
	v14 =	vld.idx.msk [tilespmem:v16+s21+$0x0], $0xffff  }
0x2d4: {  	v59 =	vor.u32 v17, v19;
	_ =	sdelay $0x3  }
0x2d5: {  	[tilespmem:v15+s15+$0x0] =	vst.idx.msk $0xffff, v14  }
0x2d6: {  	v15 =	vor.u32 s24, v9;
	v14 =	vld.idx.msk [tilespmem:v59+s21+$0x0], $0xffff  }
0x2d7: {  	v60 =	vor.u32 v43, v19;
	_ =	sdelay $0x3  }
0x2d8: {  	[tilespmem:v15+s15+$0x0] =	vst.idx.msk $0xffff, v14  }
0x2d9: {  	v15 =	vor.u32 s24, v10;
	v14 =	vld.idx.msk [tilespmem:v60+s21+$0x0], $0xffff  }
0x2da: {  	v61 =	vor.u32 v44, v19;
	_ =	sdelay $0x3  }
0x2db: {  	[tilespmem:v15+s15+$0x0] =	vst.idx.msk $0xffff, v14  }
0x2dc: {  	v15 =	vor.u32 s24, v11;
	v14 =	vld.idx.msk [tilespmem:v61+s21+$0x0], $0xffff  }
0x2dd: {  	v62 =	vor.u32 v45, v19;
	_ =	sdelay $0x3  }
0x2de: {  	[tilespmem:v15+s15+$0x0] =	vst.idx.msk $0xffff, v14  }
0x2df: {  	v15 =	vor.u32 s24, v12;
	v14 =	vld.idx.msk [tilespmem:v62+s21+$0x0], $0xffff  }
0x2e0: {  	v63 =	vor.u32 v46, v19;
	_ =	sdelay $0x3  }
0x2e1: {  	[tilespmem:v15+s15+$0x0] =	vst.idx.msk $0xffff, v14  }
0x2e2: {  	v15 =	vor.u32 s24, v13;
	v14 =	vld.idx.msk [tilespmem:v63+s21+$0x0], $0xffff  }
.Ltmp17:
0x2e3: {  	_ = 	snop;
	(pc) =	sbr.rel @p5 .LBB2_22-.Ltmp17, $2  }
0x2e4: {  	_ =	sdelay $0x2  }
0x2e5: {  	p6 =	por $0x0, $0x0;
	s24 =	simm.s32 $0x1;
	[tilespmem:v15+s15+$0x0] =	vst.idx.msk $0xffff, v14  }
.Ltmp18:
0x2e6: {  	(pc) =	sbr.rel .LBB2_31-.Ltmp18, $2  }
0x2e7: {  	_ =	sdelay $0x2  }
0x2e8: {  	s23 =	smov.u32 s11  }
.LBB2_26:
0x2e9: {  	[tilespmem:s21], [sflag:$0x1] =	stream.strided.gather [hbm4b:s8+s19], $0x2000, s20, s19, $0x38;
	[tilespmem:$0x12000] =	vst v63  }
0x2ea: {  	_ =	swait.ge [sflag:s14], $0x2000  }
0x2eb: {  	s23 =	simm.s32 $0x0;
	[sflag:s14] =	ssyncset.done $0x0  }
0x2ec: {  	p6 =	por $0x1, $0x1;
	s24 =	simm.s32 $0x0;
	[sflag:s14] =	ssyncadd.s32 $0xFFFFE000  }
.LBB2_27:
0x2ed: {  	v14 =	vmov s23  }
0x2ee: {  	s26 =	sshll.u32 s24, $0x4;
	v15 =	vlaneseq.u32;
	v14 =	vshll.u32 v14, $0x7  }
0x2ef: {  	v35 =	vor.u32 s26, v15;
	v18 =	vor.u32 v34, v14  }
0x2f0: {  	v15 =	vld [tilespmem:$0x1FFA0];
	v14 =	vor.u32 v35, v18;
	_ =	sdelay $0x2  }
0x2f1: {  	s24 =	sshll.u32 s24, $0xA  }
0x2f2: {  	s25 =	sadd.s32 $0x0, s24  }
0x2f3: {  	v36 =	vor.u32 s26, v15;
	v15 =	vor.u32 s25, v30;
	v14 =	vld.idx.msk [tilespmem:v14+s21+$0x0], $0xffff;
	_ =	sdelay $0x4  }
0x2f4: {  	v16 =	vor.u32 v36, v18;
	[tilespmem:v15+s15+$0x0] =	vst.idx.msk $0xffff, v14;
	v14 =	vld [tilespmem:$0x1FFB0];
	_ =	sdelay $0x4  }
0x2f5: {  	v15 =	vor.u32 s25, v1;
	v37 =	vor.u32 s26, v14;
	v14 =	vld.idx.msk [tilespmem:v16+s21+$0x0], $0xffff;
	_ =	sdelay $0x4  }
0x2f6: {  	v16 =	vor.u32 v37, v18;
	[tilespmem:v15+s15+$0x0] =	vst.idx.msk $0xffff, v14;
	v14 =	vld [tilespmem:$0x1FFC0];
	_ =	sdelay $0x4  }
0x2f7: {  	v15 =	vor.u32 s25, v2;
	v38 =	vor.u32 s26, v14;
	v14 =	vld.idx.msk [tilespmem:v16+s21+$0x0], $0xffff;
	_ =	sdelay $0x4  }
0x2f8: {  	v16 =	vor.u32 v38, v18;
	[tilespmem:v15+s15+$0x0] =	vst.idx.msk $0xffff, v14;
	v14 =	vld [tilespmem:$0x1FFD0];
	_ =	sdelay $0x4  }
0x2f9: {  	v15 =	vor.u32 s25, v3;
	v39 =	vor.u32 s26, v14;
	v14 =	vld.idx.msk [tilespmem:v16+s21+$0x0], $0xffff;
	_ =	sdelay $0x4  }
0x2fa: {  	v16 =	vor.u32 v39, v18;
	[tilespmem:v15+s15+$0x0] =	vst.idx.msk $0xffff, v14;
	v14 =	vld [tilespmem:$0x1FFE0];
	_ =	sdelay $0x4  }
0x2fb: {  	v15 =	vor.u32 s25, v31;
	v40 =	vor.u32 s26, v14;
	v14 =	vld.idx.msk [tilespmem:v16+s21+$0x0], $0xffff  }
0x2fc: {  	v16 =	vor.u32 v40, v18;
	_ =	sdelay $0x3  }
0x2fd: {  	[tilespmem:v15+s15+$0x0] =	vst.idx.msk $0xffff, v14  }
0x2fe: {  	v41 =	vor.u32 s26, v21;
	v15 =	vor.u32 s25, v0;
	v14 =	vld.idx.msk [tilespmem:v16+s21+$0x0], $0xffff  }
0x2ff: {  	v16 =	vor.u32 v41, v18;
	_ =	sdelay $0x3  }
0x300: {  	[tilespmem:v15+s15+$0x0] =	vst.idx.msk $0xffff, v14  }
0x301: {  	v15 =	vld.idx.msk [tilespmem:v16+s21+$0x0], $0xffff;
	v16 =	vor.u32 s25, v4;
	_ =	sdelay $0x3  }
0x302: {  	v14 =	vor.u32 s26, v22  }
0x303: {  	v17 =	vor.u32 v14, v18;
	[tilespmem:v16+s15+$0x0] =	vst.idx.msk $0xffff, v15;
	v15 =	vld [tilespmem:$0x1FF90];
	_ =	sdelay $0x4  }
0x304: {  	v16 =	vld.idx.msk [tilespmem:v17+s21+$0x0], $0xffff;
	v17 =	vor.u32 s25, v5;
	v15 =	vor.u32 s26, v15  }
0x305: {  	v19 =	vor.u32 v15, v18;
	_ =	sdelay $0x3  }
0x306: {  	[tilespmem:v17+s15+$0x0] =	vst.idx.msk $0xffff, v16  }
0x307: {  	v42 =	vor.u32 s26, v23;
	v17 =	vor.u32 s25, v6;
	v16 =	vld.idx.msk [tilespmem:v19+s21+$0x0], $0xffff  }
0x308: {  	v19 =	vor.u32 v42, v18;
	_ =	sdelay $0x3  }
0x309: {  	[tilespmem:v17+s15+$0x0] =	vst.idx.msk $0xffff, v16  }
0x30a: {  	v16 =	vor.u32 s26, v24;
	v17 =	vld.idx.msk [tilespmem:v19+s21+$0x0], $0xffff;
	v19 =	vor.u32 s25, v7  }
0x30b: {  	v20 =	vor.u32 v16, v18;
	_ =	sdelay $0x3  }
0x30c: {  	[tilespmem:v19+s15+$0x0] =	vst.idx.msk $0xffff, v17  }
0x30d: {  	v17 =	vor.u32 s26, v25;
	v19 =	vld.idx.msk [tilespmem:v20+s21+$0x0], $0xffff;
	v20 =	vor.u32 s25, v8  }
0x30e: {  	v32 =	vor.u32 v17, v18;
	_ =	sdelay $0x3  }
0x30f: {  	[tilespmem:v20+s15+$0x0] =	vst.idx.msk $0xffff, v19  }
0x310: {  	v43 =	vor.u32 s26, v26;
	v20 =	vor.u32 s25, v9;
	v19 =	vld.idx.msk [tilespmem:v32+s21+$0x0], $0xffff  }
0x311: {  	v60 =	vor.u32 v43, v18;
	_ =	sdelay $0x3  }
0x312: {  	[tilespmem:v20+s15+$0x0] =	vst.idx.msk $0xffff, v19  }
0x313: {  	v44 =	vor.u32 s26, v27;
	v20 =	vor.u32 s25, v10;
	v19 =	vld.idx.msk [tilespmem:v60+s21+$0x0], $0xffff  }
0x314: {  	v61 =	vor.u32 v44, v18;
	_ =	sdelay $0x3  }
0x315: {  	[tilespmem:v20+s15+$0x0] =	vst.idx.msk $0xffff, v19  }
0x316: {  	v45 =	vor.u32 s26, v28;
	v20 =	vor.u32 s25, v11;
	v19 =	vld.idx.msk [tilespmem:v61+s21+$0x0], $0xffff  }
0x317: {  	v62 =	vor.u32 v45, v18;
	_ =	sdelay $0x3  }
0x318: {  	[tilespmem:v20+s15+$0x0] =	vst.idx.msk $0xffff, v19  }
0x319: {  	v46 =	vor.u32 s26, v29;
	v63 =	vor.u32 s25, v12;
	v20 =	vld.idx.msk [tilespmem:v62+s21+$0x0], $0xffff  }
0x31a: {  	v18 =	vor.u32 v46, v18;
	_ =	sdelay $0x2  }
0x31b: {  	s26 =	simm.s32 $0x10  }
0x31c: {  	p5 =	por p6, p6;
	s28 =	simm.s32 $0x20;
	v19 =	vmov s26;
	[tilespmem:v63+s15+$0x0] =	vst.idx.msk $0xffff, v20  }
.LBB2_28:
0x31d: {  	p6 =	sne.s32 s28, $0x30;
	v19 =	vshll.u32 v19, $0x7;
	v18 =	vld.idx.msk [tilespmem:v18+s21+$0x0], $0xffff  }
0x31e: {  	v32 =	vor.u32 v34, v19;
	v19 =	vor.u32 s25, v13  }
0x31f: {  	v20 =	vor.u32 v35, v32;
	_ =	sdelay $0x3  }
0x320: {  	[tilespmem:v19+s15+$0x0] =	vst.idx.msk $0xffff, v18  }
0x321: {  	s25 =	sadd.s32 s26, s24;
	s26 =	smov.u32 s28;
	v18 =	vld.idx.msk [tilespmem:v20+s21+$0x0], $0xffff  }
0x322: {  	v19 =	vor.u32 s25, v30  }
0x323: {  	v20 =	vor.u32 v36, v32;
	_ =	sdelay $0x3  }
0x324: {  	[tilespmem:v19+s15+$0x0] =	vst.idx.msk $0xffff, v18  }
0x325: {  	v18 =	vld.idx.msk [tilespmem:v20+s21+$0x0], $0xffff  }
0x326: {  	v19 =	vor.u32 s25, v1  }
0x327: {  	v20 =	vor.u32 v37, v32;
	_ =	sdelay $0x3  }
0x328: {  	[tilespmem:v19+s15+$0x0] =	vst.idx.msk $0xffff, v18  }
0x329: {  	v18 =	vld.idx.msk [tilespmem:v20+s21+$0x0], $0xffff  }
0x32a: {  	v19 =	vor.u32 s25, v2  }
0x32b: {  	v20 =	vor.u32 v38, v32;
	_ =	sdelay $0x3  }
0x32c: {  	[tilespmem:v19+s15+$0x0] =	vst.idx.msk $0xffff, v18  }
0x32d: {  	v18 =	vld.idx.msk [tilespmem:v20+s21+$0x0], $0xffff  }
0x32e: {  	v19 =	vor.u32 s25, v3  }
0x32f: {  	v20 =	vor.u32 v39, v32;
	_ =	sdelay $0x3  }
0x330: {  	[tilespmem:v19+s15+$0x0] =	vst.idx.msk $0xffff, v18  }
0x331: {  	v18 =	vld.idx.msk [tilespmem:v20+s21+$0x0], $0xffff  }
0x332: {  	v19 =	vor.u32 s25, v31  }
0x333: {  	v20 =	vor.u32 v40, v32;
	_ =	sdelay $0x3  }
0x334: {  	[tilespmem:v19+s15+$0x0] =	vst.idx.msk $0xffff, v18  }
0x335: {  	v18 =	vld.idx.msk [tilespmem:v20+s21+$0x0], $0xffff  }
0x336: {  	v19 =	vor.u32 s25, v0  }
0x337: {  	v20 =	vor.u32 v41, v32;
	_ =	sdelay $0x3  }
0x338: {  	[tilespmem:v19+s15+$0x0] =	vst.idx.msk $0xffff, v18  }
0x339: {  	v18 =	vld.idx.msk [tilespmem:v20+s21+$0x0], $0xffff  }
0x33a: {  	v19 =	vor.u32 s25, v4  }
0x33b: {  	v20 =	vor.u32 v14, v32;
	_ =	sdelay $0x3  }
0x33c: {  	[tilespmem:v19+s15+$0x0] =	vst.idx.msk $0xffff, v18  }
0x33d: {  	v18 =	vld.idx.msk [tilespmem:v20+s21+$0x0], $0xffff  }
0x33e: {  	v19 =	vor.u32 s25, v5  }
0x33f: {  	v20 =	vor.u32 v15, v32;
	_ =	sdelay $0x3  }
0x340: {  	[tilespmem:v19+s15+$0x0] =	vst.idx.msk $0xffff, v18  }
0x341: {  	v18 =	vld.idx.msk [tilespmem:v20+s21+$0x0], $0xffff  }
0x342: {  	v19 =	vor.u32 s25, v6  }
0x343: {  	v20 =	vor.u32 v42, v32;
	_ =	sdelay $0x3  }
0x344: {  	[tilespmem:v19+s15+$0x0] =	vst.idx.msk $0xffff, v18  }
0x345: {  	v18 =	vld.idx.msk [tilespmem:v20+s21+$0x0], $0xffff  }
0x346: {  	v19 =	vor.u32 s25, v7  }
0x347: {  	v20 =	vor.u32 v16, v32;
	_ =	sdelay $0x3  }
0x348: {  	[tilespmem:v19+s15+$0x0] =	vst.idx.msk $0xffff, v18  }
0x349: {  	v18 =	vld.idx.msk [tilespmem:v20+s21+$0x0], $0xffff  }
0x34a: {  	v19 =	vor.u32 s25, v8  }
0x34b: {  	v20 =	vor.u32 v17, v32;
	_ =	sdelay $0x3  }
0x34c: {  	[tilespmem:v19+s15+$0x0] =	vst.idx.msk $0xffff, v18  }
0x34d: {  	v18 =	vld.idx.msk [tilespmem:v20+s21+$0x0], $0xffff  }
0x34e: {  	v19 =	vor.u32 s25, v9  }
0x34f: {  	v20 =	vor.u32 v43, v32;
	_ =	sdelay $0x3  }
0x350: {  	[tilespmem:v19+s15+$0x0] =	vst.idx.msk $0xffff, v18  }
0x351: {  	v18 =	vld.idx.msk [tilespmem:v20+s21+$0x0], $0xffff  }
0x352: {  	v19 =	vor.u32 s25, v10  }
0x353: {  	v20 =	vor.u32 v44, v32;
	_ =	sdelay $0x3  }
0x354: {  	[tilespmem:v19+s15+$0x0] =	vst.idx.msk $0xffff, v18  }
0x355: {  	v18 =	vld.idx.msk [tilespmem:v20+s21+$0x0], $0xffff  }
0x356: {  	v19 =	vor.u32 s25, v11  }
0x357: {  	v20 =	vor.u32 v45, v32;
	_ =	sdelay $0x3  }
0x358: {  	[tilespmem:v19+s15+$0x0] =	vst.idx.msk $0xffff, v18  }
0x359: {  	v20 =	vld.idx.msk [tilespmem:v20+s21+$0x0], $0xffff  }
0x35a: {  	v47 =	vor.u32 s25, v12  }
.Ltmp19:
0x35b: {  	v18 =	vor.u32 v46, v32;
	(pc) =	sbr.rel @p6 .LBB2_28-.Ltmp19, $2  }
0x35c: {  	_ =	sdelay $0x2  }
0x35d: {  	s28 =	sadd.s32 $0x10, s28;
	v19 =	vmov s26;
	[tilespmem:v47+s15+$0x0] =	vst.idx.msk $0xffff, v20  }
0x35e: {  	_ =	sdelay $0x2  }
0x35f: {  	v19 =	vshll.u32 v19, $0x7  }
0x360: {  	v18 =	vld.idx.msk [tilespmem:v18+s21+$0x0], $0xffff;
	v20 =	vor.u32 s25, v13;
	v19 =	vor.u32 v34, v19  }
0x361: {  	v32 =	vor.u32 v35, v19;
	_ =	sdelay $0x3  }
0x362: {  	s24 =	sadd.s32 s26, s24;
	[tilespmem:v20+s15+$0x0] =	vst.idx.msk $0xffff, v18  }
0x363: {  	v20 =	vor.u32 s24, v30;
	v18 =	vld.idx.msk [tilespmem:v32+s21+$0x0], $0xffff  }
0x364: {  	v51 =	vor.u32 v36, v19;
	_ =	sdelay $0x3  }
0x365: {  	[tilespmem:v20+s15+$0x0] =	vst.idx.msk $0xffff, v18  }
0x366: {  	v20 =	vor.u32 s24, v1;
	v18 =	vld.idx.msk [tilespmem:v51+s21+$0x0], $0xffff  }
0x367: {  	v52 =	vor.u32 v37, v19;
	_ =	sdelay $0x3  }
0x368: {  	[tilespmem:v20+s15+$0x0] =	vst.idx.msk $0xffff, v18  }
0x369: {  	v20 =	vor.u32 s24, v2;
	v18 =	vld.idx.msk [tilespmem:v52+s21+$0x0], $0xffff  }
0x36a: {  	v53 =	vor.u32 v38, v19;
	_ =	sdelay $0x3  }
0x36b: {  	[tilespmem:v20+s15+$0x0] =	vst.idx.msk $0xffff, v18  }
0x36c: {  	v20 =	vor.u32 s24, v3;
	v18 =	vld.idx.msk [tilespmem:v53+s21+$0x0], $0xffff  }
0x36d: {  	v54 =	vor.u32 v39, v19;
	_ =	sdelay $0x3  }
0x36e: {  	[tilespmem:v20+s15+$0x0] =	vst.idx.msk $0xffff, v18  }
0x36f: {  	v20 =	vor.u32 s24, v31;
	v18 =	vld.idx.msk [tilespmem:v54+s21+$0x0], $0xffff  }
0x370: {  	v55 =	vor.u32 v40, v19;
	_ =	sdelay $0x3  }
0x371: {  	[tilespmem:v20+s15+$0x0] =	vst.idx.msk $0xffff, v18  }
0x372: {  	v20 =	vor.u32 s24, v0;
	v18 =	vld.idx.msk [tilespmem:v55+s21+$0x0], $0xffff  }
0x373: {  	v56 =	vor.u32 v41, v19;
	_ =	sdelay $0x3  }
0x374: {  	[tilespmem:v20+s15+$0x0] =	vst.idx.msk $0xffff, v18  }
0x375: {  	v20 =	vor.u32 s24, v4;
	v18 =	vld.idx.msk [tilespmem:v56+s21+$0x0], $0xffff  }
0x376: {  	v14 =	vor.u32 v14, v19;
	_ =	sdelay $0x3  }
0x377: {  	[tilespmem:v20+s15+$0x0] =	vst.idx.msk $0xffff, v18  }
0x378: {  	v57 =	vor.u32 s24, v5;
	v14 =	vld.idx.msk [tilespmem:v14+s21+$0x0], $0xffff  }
0x379: {  	v15 =	vor.u32 v15, v19;
	_ =	sdelay $0x3  }
0x37a: {  	[tilespmem:v57+s15+$0x0] =	vst.idx.msk $0xffff, v14  }
0x37b: {  	v14 =	vld.idx.msk [tilespmem:v15+s21+$0x0], $0xffff;
	v15 =	vor.u32 s24, v6  }
0x37c: {  	v58 =	vor.u32 v42, v19;
	_ =	sdelay $0x3  }
0x37d: {  	[tilespmem:v15+s15+$0x0] =	vst.idx.msk $0xffff, v14  }
0x37e: {  	v15 =	vor.u32 s24, v7;
	v14 =	vld.idx.msk [tilespmem:v58+s21+$0x0], $0xffff  }
0x37f: {  	v16 =	vor.u32 v16, v19;
	_ =	sdelay $0x3  }
0x380: {  	[tilespmem:v15+s15+$0x0] =	vst.idx.msk $0xffff, v14  }
0x381: {  	v15 =	vor.u32 s24, v8;
	v14 =	vld.idx.msk [tilespmem:v16+s21+$0x0], $0xffff  }
0x382: {  	v59 =	vor.u32 v17, v19;
	_ =	sdelay $0x3  }
0x383: {  	[tilespmem:v15+s15+$0x0] =	vst.idx.msk $0xffff, v14  }
0x384: {  	v15 =	vor.u32 s24, v9;
	v14 =	vld.idx.msk [tilespmem:v59+s21+$0x0], $0xffff  }
0x385: {  	v60 =	vor.u32 v43, v19;
	_ =	sdelay $0x3  }
0x386: {  	[tilespmem:v15+s15+$0x0] =	vst.idx.msk $0xffff, v14  }
0x387: {  	v15 =	vor.u32 s24, v10;
	v14 =	vld.idx.msk [tilespmem:v60+s21+$0x0], $0xffff  }
0x388: {  	v61 =	vor.u32 v44, v19;
	_ =	sdelay $0x3  }
0x389: {  	[tilespmem:v15+s15+$0x0] =	vst.idx.msk $0xffff, v14  }
0x38a: {  	v15 =	vor.u32 s24, v11;
	v14 =	vld.idx.msk [tilespmem:v61+s21+$0x0], $0xffff  }
0x38b: {  	v62 =	vor.u32 v45, v19;
	_ =	sdelay $0x3  }
0x38c: {  	[tilespmem:v15+s15+$0x0] =	vst.idx.msk $0xffff, v14  }
0x38d: {  	v15 =	vor.u32 s24, v12;
	v14 =	vld.idx.msk [tilespmem:v62+s21+$0x0], $0xffff  }
0x38e: {  	v63 =	vor.u32 v46, v19;
	_ =	sdelay $0x3  }
0x38f: {  	[tilespmem:v15+s15+$0x0] =	vst.idx.msk $0xffff, v14  }
0x390: {  	v15 =	vor.u32 s24, v13;
	v14 =	vld.idx.msk [tilespmem:v63+s21+$0x0], $0xffff  }
.Ltmp20:
0x391: {  	_ = 	snop;
	(pc) =	sbr.rel @p5 .LBB2_27-.Ltmp20, $2  }
0x392: {  	_ =	sdelay $0x2  }
0x393: {  	p6 =	por $0x0, $0x0;
	s24 =	simm.s32 $0x1;
	[tilespmem:v15+s15+$0x0] =	vst.idx.msk $0xffff, v14  }
.Ltmp21:
0x394: {  	(pc) =	sbr.rel .LBB2_31-.Ltmp21, $2  }
0x395: {  	_ =	sdelay $0x2  }
0x396: {  	s23 =	smov.u32 s9  }
.LBB2_33:
0x397: {  	_ =	sfence.sel $0x180000  }
0x398: {  	[bflag:$0x0] =	sbarrier.arrive $0xFFFF  }
0x399: {  	p0 =	sne.s32 s3, $0x0;
	_ =	strace $0x90000047  }
0x39a: {  	s0 =	sadd.s32 @!p0 $0x100000, s2;
	[bflag:$0x2] =	sbarrier.arrive $0xFFFF  }
0x39b: {  	[sflag:s0] =	ssyncadd.tile.s32 @!p0 $0x1;
	_ =	shalt  }
.Lfunc_end2:
_tile_overlayer_lowered:
.L_overlay_start_2:
0x39c: {  	(tag) =	ssettag $0x2  }
0x39d: {  	s0 =	rddreg [dreg:$0x0];
	s2 =	stileid.u32  }
0x39e: {  	s1 =	rddreg [dreg:$0x1];
	p0 =	sne.s32 s2, $0x0  }
0x39f: {  	s3 =	rddreg [dreg:$0x2];
	[bflag:$0x3] =	sbarrier.arrive $0xFFFF;
	s2 =	simm.s32 @!p0 $0x1C03  }
0x3a0: {  	[timem:s3], [sflag:s2] =	dma.local @!p0 [hbm:s0], s1  }
0x3a1: {  	s0 =	simm.s32 @!p0 $0x3  }
0x3a2: {  	_ =	swait.ge @!p0 [sflag:s0], s1  }
0x3a3: {  	s1 =	ssub.s32 @!p0 $0x0, s1;
	[sflag:s0] =	ssyncset.done @!p0 $0x0  }
0x3a4: {  	[sflag:s0] =	ssyncadd.s32 @!p0 s1  }
0x3a5: {  	[bflag:$0x3] =	sbarrier.arrive $0xFFFF  }
0x3a6: {  	_ =	shalt  }

// kernel: kernel.7.cloned.1.call-start
scs
__scs_entry_jumppad:
0x0: {  	(pc) =	sbr.rel $0x88, $3  }
0x1: {  	(tag) =	ssettag $0x0;
	lr =	simm.s32 $0x1  }
0x2: {  	[smem:$0x3F9E] =	sst lr;
	_ =	strace $0xD0000000  }
0x3: {  	_ = 	snop  }
0x4: {  	_ = 	snop  }
0x5: {  	_ = 	snop  }
0x6: {  	_ = 	snop  }
0x7: {  	_ = 	snop  }
__scs_overlays_trampoline_lowered:
0x8: {  	[smem:$0x3FAD] =	sst s0  }
0x9: {  	[smem:$0x3FAE] =	sst s1  }
0xa: {  	[smem:$0x3FAF] =	sst s2  }
0xb: {  	[smem:$0x3FB0] =	sst s3  }
0xc: {  	[smem:$0x3FB1] =	sst s4  }
0xd: {  	[smem:$0x3FB2] =	sst s5  }
0xe: {  	[smem:$0x3FB3] =	sst s6  }
0xf: {  	[smem:$0x3FB4] =	sst s7  }
0x10: {  	[smem:$0x3FB5] =	sst s8  }
0x11: {  	[smem:$0x3FB6] =	sst s9;
	s0 =	simm.s32 @!p0 $0x0  }
0x12: {  	s1 =	sld [smem:$0x3F9C];
	s0 =	simm.s32 @p0 $0x1  }
0x13: {  	[smem:$0x3FB7] =	sst s0;
	s0 =	simm.s32 @!p1 $0x0  }
0x14: {  	s2 =	sld [smem:$0x3F9B];
	s0 =	simm.s32 @p1 $0x1  }
0x15: {  	[smem:$0x3FB8] =	sst s0;
	s0 =	simm.s32 @!p2 $0x0  }
0x16: {  	s3 =	sld [smem:$0x3FDB];
	s0 =	simm.s32 @p2 $0x1  }
0x17: {  	s4 =	simm.s32 $0x1BF5;
	[smem:$0x3FBA] =	sst s0  }
0x18: {  	s0 =	sld [smem:$0x3F9D];
	_ =	swait.ge [sflag:s4], $0x0  }
0x19: {  	s7 =	sld [smem:$0x3F9E]  }
0x1a: {  	s8 =	sadd.s32 $0xFFFFE003, lr  }
0x1b: {  	s9 =	sadd.s32 $0xFFFFFEF7, lr;
	s5 =	simm.s32 $0xFFFFFFFF;
	p2 =	slt.u32 s8, $0xFFFFF086  }
0x1c: {  	p1 =	slt.u32 s9, $0xF7A;
	s5 =	simm.s32 @!p2 $0x0  }
0x1d: {  	s5 =	simm.s32 @p1 $0x1;
	p0 =	seq.s32 s7, s2  }
0x1e: {  	s7 =	smul.u32 @!p0 $0xF7A, s2;
	p2 =	seq.s32 @!p0 s5, $0x0  }
0x1f: {  	s9 =	smul.u32 $0xF7A, s1;
	s8 =	simm.s32 @!p0 $0x1BF5;
	p2 =	por !p2, p0  }
0x20: {  	[sflag:s8] =	ssyncset.s32 @!p0 $0xFFFFF086;
	s6 =	sadd.s32 @!p0 s3, s7;
	s7 =	simm.s32 @!p0 $0x108  }
0x21: {  	s3 =	sadd.s32 s3, s9;
	s6 =	sadd.s32 @!p0 $0x88, s6;
	s7 =	simm.s32 @p2 $0x1082  }
0x22: {  	[simem:s7], [sflag:s8] =	dma.local @!p0 [hbm:s6], $0xF7A  }
0x23: {  	s9 =	sor.u32 $0xD0000000, s2;
	s6 =	simm.s32 $0x108;
	_ =	swait.ge @!p0 [sflag:s8], $0x0  }
0x24: {  	s3 =	sadd.s32 $0x88, s3;
	s6 =	simm.s32 @!p1 $0x1082;
	[sflag:s4] =	ssyncset.s32 $0xFFFFF086  }
0x25: {  	[simem:s6], [sflag:s4] =	dma.local [hbm:s3], $0xF7A  }
0x26: {  	[smem:$0x3F9E] =	sst s1;
	(tag) =	ssettag s2;
	_ =	strace s9  }
0x27: {  	s1 =	sld [smem:$0x3FAE]  }
0x28: {  	s2 =	sld [smem:$0x3FAF]  }
0x29: {  	s4 =	sld [smem:$0x3FB1]  }
0x2a: {  	p0 =	seq.s32 s5, $0x0;
	s5 =	sld [smem:$0x3FB2]  }
0x2b: {  	s6 =	sld [smem:$0x3FB3]  }
0x2c: {  	s7 =	sld [smem:$0x3FB4]  }
0x2d: {  	s3 =	simm.s32 $0x108;
	s8 =	sld [smem:$0x3FB5]  }
0x2e: {  	s3 =	simm.s32 @!p0 $0x1082;
	s9 =	sld [smem:$0x3FB6]  }
0x2f: {  	lr =	sadd.s32 s0, s3;
	s0 =	sld [smem:$0x3FAD]  }
0x30: {  	s3 =	sld [smem:$0x3FB0]  }
0x31: {  	[smem:$0x3FB9] =	sst s10  }
0x32: {  	s10 =	sld [smem:$0x3FB7];
	_ =	sdelay $0x3  }
0x33: {  	p0 =	seq.s32 s10, $0x1;
	s10 =	sld [smem:$0x3FB9];
	_ =	sdelay $0x3  }
0x34: {  	[smem:$0x3FB9] =	sst s10  }
0x35: {  	s10 =	sld [smem:$0x3FB8];
	_ =	sdelay $0x3  }
0x36: {  	p1 =	seq.s32 s10, $0x1;
	s10 =	sld [smem:$0x3FB9];
	_ =	sdelay $0x3  }
0x37: {  	[smem:$0x3FB9] =	sst s10  }
0x38: {  	s10 =	sld [smem:$0x3FBA]  }
0x39: {  	_ = 	snop;
	(pc) =	sbr.ind lr, $3  }
0x3a: {  	_ = 	snop  }
0x3b: {  	_ = 	snop  }
0x3c: {  	p2 =	seq.s32 s10, $0x1;
	s10 =	sld [smem:$0x3FB9]  }
0x3d: {  	_ =	shalt  }
0x3e: {  	_ =	shalt  }
0x3f: {  	_ =	shalt  }
0x40: {  	_ =	shalt  }
0x41: {  	_ =	shalt  }
0x42: {  	_ =	shalt  }
0x43: {  	_ =	shalt  }
0x44: {  	_ =	shalt  }
0x45: {  	_ =	shalt  }
0x46: {  	_ =	shalt  }
0x47: {  	_ =	shalt  }
0x48: {  	_ =	shalt  }
0x49: {  	_ =	shalt  }
0x4a: {  	_ =	shalt  }
0x4b: {  	_ =	shalt  }
0x4c: {  	_ =	shalt  }
0x4d: {  	_ =	shalt  }
0x4e: {  	_ =	shalt  }
0x4f: {  	_ =	shalt  }
0x50: {  	_ =	shalt  }
0x51: {  	_ =	shalt  }
0x52: {  	_ =	shalt  }
0x53: {  	_ =	shalt  }
0x54: {  	_ =	shalt  }
0x55: {  	_ =	shalt  }
0x56: {  	_ =	shalt  }
0x57: {  	_ =	shalt  }
0x58: {  	_ =	shalt  }
0x59: {  	_ =	shalt  }
0x5a: {  	_ =	shalt  }
0x5b: {  	_ =	shalt  }
0x5c: {  	_ =	shalt  }
0x5d: {  	_ =	shalt  }
0x5e: {  	_ =	shalt  }
0x5f: {  	_ =	shalt  }
0x60: {  	_ =	shalt  }
0x61: {  	_ =	shalt  }
0x62: {  	_ =	shalt  }
0x63: {  	_ =	shalt  }
0x64: {  	_ =	shalt  }
0x65: {  	_ =	shalt  }
0x66: {  	_ =	shalt  }
0x67: {  	_ =	shalt  }
0x68: {  	_ =	shalt  }
0x69: {  	_ =	shalt  }
0x6a: {  	_ =	shalt  }
0x6b: {  	_ =	shalt  }
0x6c: {  	_ =	shalt  }
0x6d: {  	_ =	shalt  }
0x6e: {  	_ =	shalt  }
0x6f: {  	_ =	shalt  }
0x70: {  	_ =	shalt  }
0x71: {  	_ =	shalt  }
0x72: {  	_ =	shalt  }
0x73: {  	_ =	shalt  }
0x74: {  	_ =	shalt  }
0x75: {  	_ =	shalt  }
0x76: {  	_ =	shalt  }
0x77: {  	_ =	shalt  }
0x78: {  	_ =	shalt  }
0x79: {  	_ =	shalt  }
0x7a: {  	_ =	shalt  }
0x7b: {  	_ =	shalt  }
0x7c: {  	_ =	shalt  }
0x7d: {  	_ =	shalt  }
0x7e: {  	_ =	shalt  }
0x7f: {  	_ =	shalt  }
0x80: {  	_ =	shalt  }
0x81: {  	_ =	shalt  }
0x82: {  	_ =	shalt  }
0x83: {  	_ =	shalt  }
0x84: {  	_ =	shalt  }
0x85: {  	_ =	shalt  }
0x86: {  	_ =	shalt  }
0x87: {  	_ =	shalt  }
.Lfunc_end0:
.L_simem_size_0:
called_computation.2_lowered:
.L_overlay_start_0:
0x88: {  	s2 =	sld [smem:$0x3FD9]  }
0x89: {  	s3 =	sld [smem:$0x3FFE];
	_ =	sdelay $0x1  }
0x8a: {  	s1 =	srdreg.scid  }
0x8b: {  	s0 =	sand.u32 $0x1, s1  }
0x8c: {  	s17 =	sshll.u32 s0, $0xA;
	s2 =	sadd.s32 s3, s2  }
0x8d: {  	s2 =	sadd.s32 s2, s17  }
0x8e: {  	[smem:$0x3FC5] =	sst s2  }
0x8f: {  	_ = 	snop  }
0x90: {  	s2 =	sld [smem:$0x3FD0];
	(tm) =	ssettm $0x1  }
0x91: {  	s18 =	sld [smem:$0x3FFB];
	_ =	sdelay $0x3  }
0x92: {  	_ =	strace s18  }
0x93: {  	s3 =	sld [smem:$0x3FFC];
	_ =	sdelay $0x3  }
0x94: {  	_ =	strace s3  }
0x95: {  	s3 =	sld [smem:$0x3FFD];
	_ =	sdelay $0x3  }
0x96: {  	_ =	strace s3  }
0x97: {  	_ =	strace $0x8FFFFFFF  }
0x98: {  	s19 =	sld [smem:$0x3FDB];
	_ =	sdelay $0x1  }
0x99: {  	s4 =	simm.s32 $_scs_section_size  }
0x9a: {  	s5 =	simm.s32 $_size__tile_overlayer_lowered;
	s6 =	simm.s32 $_tile_overlayer_lowered  }
0x9b: {  	s22 =	simm.s32 $0x1BFF;
	s21 =	sshll.u32 s6, $0x1;
	s3 =	sadd.s32 s4, s19  }
0x9c: {  	s7 =	simm.s32 $0x0;
	s20 =	sshll.u32 s5, $0x1;
	s5 =	sadd.s32 s21, s3  }
0x9d: {  	[timem:s7], [sflag:s22] =	dma.local [hbm:s5], s20  }
0x9e: {  	_ =	swait.ge [sflag:s22], s20  }
0x9f: {  	s4 =	ssub.s32 $0x0, s20;
	[sflag:s22] =	ssyncset.done $0x0  }
0xa0: {  	[sflag:s22] =	ssyncadd.s32 s4;
	_ =	sdelay $0x1  }
0xa1: {  	s23 =	simm.s32 $0x1B8B  }
0xa2: {  	_ =	swait.ge [sflag:s23], $0x1  }
0xa3: {  	[sflag:s23] =	ssyncset.done $0x0  }
0xa4: {  	s25 =	simm.s32 $0x1B8E;
	s24 =	sld [smem:$0x3FFE];
	[sflag:s23] =	ssyncadd.s32 $0xFFFFFFFF  }
0xa5: {  	s26 =	simm.s32 $execute0_lowered;
	[smem:$0x3FD2] =	sst s25  }
0xa6: {  	s5 =	sshll.u32 s26, $0x1;
	_ =	strace $0x80000049;
	[dreg:$0x1] =	wrdreg $0xFFFFFFFF  }
0xa7: {  	s28 =	simm.s32 $_size_execute0_lowered;
	s3 =	sadd.s32 s3, s5;
	[dreg:$0x0] =	wrdreg $0x0  }
0xa8: {  	s5 =	sshll.u32 s28, $0x1;
	[dreg:$0x2] =	wrdreg s3  }
0xa9: {  	[dreg:$0x3] =	wrdreg s5  }
0xaa: {  	[dreg:$0x4] =	wrdreg $0xC0  }
0xab: {  	_ =	task [dreg:s7], $0x5FFFF  }
0xac: {  	[dreg:$0x1] =	wrdreg $0xFFFFFFFF  }
0xad: {  	[dreg:$0x0] =	wrdreg $0x60  }
0xae: {  	[dreg:$0x2] =	wrdreg s24  }
0xaf: {  	[dreg:$0x3] =	wrdreg s2  }
0xb0: {  	[dreg:$0x4] =	wrdreg $0x9  }
0xb1: {  	_ =	task.clear_ibuf [dreg:s7], $0x5FFFF;
	_ =	strace $0x90000049  }
0xb2: {  	s29 =	simm.s32 $0x9;
	_ =	strace $0x8000004B  }
0xb3: {  	_ =	swait.ge [sflag:s29], $0x1  }
0xb4: {  	[sflag:s29] =	ssyncadd.s32 $0xFFFFFFFF  }
0xb5: {  	_ =	strace $0x9000004B  }
0xb6: {  	_ =	sfence  }
0xb7: {  	s30 =	sld [smem:$0x0];
	_ =	sdelay $0x2  }
0xb8: {  	s31 =	sshll.u32 s1, $0xD;
	s1 =	sshrl.u32 s1, $0x2  }
0xb9: {  	s3 =	sand.u32 $0x4000, s31;
	s1 =	sadd.s32 s1, s30  }
0xba: {  	s0 =	sor.u32 s3, s0;
	s1 =	sshll.u32 s1, $0x11  }
0xbb: {  	s0 =	sor.u32 s1, s0  }
0xbc: {  	s0 =	sadd.s32 $0x8F2B, s0  }
0xbd: {  	[sflag:s0] =	ssyncadd.remote.s32 $0x1  }
0xbe: {  	_ =	sfence.sel $0xFFFF  }
0xbf: {  	[dreg:$0x0] =	wrdreg $0xFFFFFFFF;
	(pc) =	sbr.abs _section_cstart, $3  }
0xc0: {  	[dreg:$0x1] =	wrdreg $0xFFFFFFFF  }
0xc1: {  	_ =	task.clear_ibuf [dreg:s7], $0x2FFFF;
	_ =	strace $0x9FFFFFFF  }
0xc2: {  	(tm) =	ssettm $0x7FFFFFFF  }
0xc3: {  	_ =	shalt  }
tec
execute0_lowered:
.L_overlay_start_1:
0x0: {  	(tag) =	ssettag $0x1  }
0x1: {  	s4 =	rddreg [dreg:$0x0]  }
0x2: {  	s5 =	rddreg [dreg:$0x1]  }
0x3: {  	s0 =	rddreg [dreg:$0x2];
	s3 =	srdreg.scid  }
0x4: {  	s1 =	stileid.u32;
	s2 =	simm.s32 $0x0;
	s11 =	simm.s32 $0x80  }
0x5: {  	s12 =	simm.s32 $0x3;
	s13 =	simm.s32 $0xC780;
	s14 =	simm.s32 $0xE800  }
0x6: {  	s15 =	simm.s32 $0x0;
	s6 =	sand.u32 $0x1, s3;
	s30 =	sshll.u32 s1, $0x1  }
0x7: {  	[smem:$0x7FF] =	sst s2;
	s10 =	smul.u32 $0xC800, s1;
	s3 =	sor.u32 s6, s30  }
0x8: {  	_ =	strace $0x8000004A;
	s7 =	ssub.s32 $0x2, s6;
	s31 =	smul.u32 $0x6400, s6  }
0x9: {  	s8 =	smul.u32 $0x6400, s3;
	s3 =	sadd.s32 $0xE00, s4;
	s9 =	sshrl.u32 s7, $0x1  }
0xa: {  	s4 =	sadd.s32 $0x7A2000, s4;
	s7 =	ssub.s32 s7, s9;
	s9 =	simm.s32 $0xC800  }
0xb: {  	v0 =	vlaneseq.u32;
	s8 =	sshrl.u32 s8, $0x3;
	s6 =	smax.u32 s7, $0x1;
	s7 =	sadd.s32 s31, s10  }
0xc: {  	v0 =	vmul.u32 $0x2, v0;
	s10 =	simm.s32 $0x2;
	s5 =	sadd.s32 s5, s8;
	s8 =	simm.s32 $0x1  }
.LBB2_1:
0xd: {  	[tilespmem:s2], [sflag:$0x1] =	stream.linear.gather [hbm4b:s5+s2], $0x6400, $0x38;
	[tilespmem:$0x10800] =	vst v63  }
0xe: {  	v1 =	vmov s7;
	_ =	swait.ge [sflag:s8], $0x6400  }
0xf: {  	s16 =	simm.s32 $0x40;
	v1 =	vshll.u32 v1, $0x1;
	[sflag:s8] =	ssyncset.done $0x0  }
0x10: {  	s18 =	simm.s32 $0x0;
	s17 =	smov.u32 s7;
	v1 =	vor.u32 v0, v1;
	[sflag:s8] =	ssyncadd.s32 $0xFFFF9C00  }
.LBB2_2:
0x11: {  	p0 =	sne.s32 s16, $0x18FC0  }
0x12: {  	[tilespmem:s18+$0x6400] =	vst v1;
	s17 =	sadd.s32 $0x10, s17;
	s18 =	smov.u32 s16;
	s16 =	sadd.s32 $0x40, s16  }
.Ltmp0:
0x13: {  	(pc) =	sbr.rel @p0 .LBB2_2-.Ltmp0, $4  }
0x14: {  	_ = 	snop  }
0x15: {  	v1 =	vmov s17  }
0x16: {  	v1 =	vshll.u32 v1, $0x1  }
0x17: {  	s18 =	sshra.s32 s18, $0x2;
	v1 =	vor.u32 v0, v1  }
0x18: {  	[tilespmem:s18+$0x6400] =	vst v1;
	s16 =	simm.s32 $0x80;
	s17 =	simm.s32 $0x0  }
0x19: {  	[tilespmem:s9], [sflag:$0x2] =	stream.indirect.gather [hbm4b:s3+s16], $0x40, s17, s16, $0xb8;
	[tilespmem:$0x10800] =	vst v63  }
0x1a: {  	s18 =	simm.s32 $0x2000;
	_ =	swait.ge [sflag:s10], $0x2000  }
0x1b: {  	s19 =	sand.u32 $0x2000, s18;
	[sflag:s10] =	ssyncset.done $0x0  }
0x1c: {  	s17 =	sand.u32 $0x2000, s17;
	s19 =	sor.u32 $0xC800, s19;
	[sflag:s10] =	ssyncadd.s32 $0xFFFFE000  }
0x1d: {  	[tilespmem:s19], [sflag:$0x2] =	stream.indirect.gather [hbm4b:s3+s11], $0x40, s16, s11, $0xb8;
	[tilespmem:$0x10800] =	vst v63  }
0x1e: {  	s17 =	sor.u32 $0xC800, s17;
	s16 =	simm.s32 $0x6400  }
0x1f: {  	[hbm4b:s4+s11] =	stream.indirect.scatter [tilespmem:s17], [sflag:$0x3], $0x40, s16, s11, $0xb8;
	[tilespmem:$0x10800] =	vst v63  }
0x20: {  	_ =	swait.ge [sflag:s12], $0x2000  }
0x21: {  	s17 =	simm.s32 $0x100;
	[sflag:s12] =	ssyncset.done $0x0  }
.LBB2_4:
0x22: {  	[sflag:s12] =	ssyncadd.s32 $0xFFFFE000  }
0x23: {  	s16 =	sadd.s32 $0x80, s16;
	s19 =	smov.u32 s18;
	s20 =	sadd.s32 $0x2000, s18  }
0x24: {  	p0 =	sne.s32 s18, $0x18C000;
	s21 =	sand.u32 $0x2000, s20  }
0x25: {  	_ =	swait.ge [sflag:s10], $0x2000  }
0x26: {  	[sflag:s10] =	ssyncset.done $0x0  }
0x27: {  	s19 =	sand.u32 $0x2000, s19;
	s18 =	sor.u32 $0xC800, s21;
	[sflag:s10] =	ssyncadd.s32 $0xFFFFE000  }
0x28: {  	[tilespmem:s18], [sflag:$0x2] =	stream.indirect.gather [hbm4b:s3+s11], $0x40, s17, s11, $0xb8;
	[tilespmem:$0x10800] =	vst v63  }
.Ltmp1:
0x29: {  	_ = 	snop;
	(pc) =	sbr.rel @p0 .LBB2_4-.Ltmp1, $4  }
0x2a: {  	s18 =	sor.u32 $0xC800, s19  }
0x2b: {  	[hbm4b:s4+s11] =	stream.indirect.scatter [tilespmem:s18], [sflag:$0x3], $0x40, s16, s11, $0xb8;
	[tilespmem:$0x10800] =	vst v63  }
0x2c: {  	_ =	swait.ge [sflag:s12], $0x2000  }
0x2d: {  	s17 =	sadd.s32 $0x80, s17;
	s18 =	smov.u32 s20;
	[sflag:s12] =	ssyncset.done $0x0  }
0x2e: {  	[sflag:s12] =	ssyncadd.s32 $0xFFFFE000  }
0x2f: {  	s15 =	sadd.s32 $0x1, s15;
	_ =	swait.ge [sflag:s10], $0x2000  }
0x30: {  	p0 =	sne.s32 s15, s6;
	[sflag:s10] =	ssyncset.done $0x0  }
.Ltmp2:
0x31: {  	[sflag:s10] =	ssyncadd.s32 $0xFFFFE000;
	(pc) =	sbr.rel @p0 .LBB2_1-.Ltmp2, $4  }
0x32: {  	[hbm4b:s4+s11] =	stream.indirect.scatter [tilespmem:s14], [sflag:$0x3], $0x40, s13, s11, $0xb8;
	[tilespmem:$0x10800] =	vst v63  }
0x33: {  	_ =	swait.ge [sflag:s12], $0x2000  }
0x34: {  	[sflag:s12] =	ssyncset.done $0x0  }
0x35: {  	[sflag:s12] =	ssyncadd.s32 $0xFFFFE000  }
0x36: {  	_ =	sfence.sel $0x180000  }
0x37: {  	[bflag:$0x0] =	sbarrier.arrive $0xFFFF  }
0x38: {  	p0 =	sne.s32 s1, $0x0;
	_ =	strace $0x9000004A  }
0x39: {  	s0 =	sadd.s32 @!p0 $0x100000, s0;
	[bflag:$0x2] =	sbarrier.arrive $0xFFFF  }
0x3a: {  	[sflag:s0] =	ssyncadd.tile.s32 @!p0 $0x1;
	_ =	shalt  }
.Lfunc_end2:
_tile_overlayer_lowered:
.L_overlay_start_2:
0x3b: {  	(tag) =	ssettag $0x2  }
0x3c: {  	s0 =	rddreg [dreg:$0x0];
	s2 =	stileid.u32  }
0x3d: {  	s1 =	rddreg [dreg:$0x1];
	p0 =	sne.s32 s2, $0x0  }
0x3e: {  	s3 =	rddreg [dreg:$0x2];
	[bflag:$0x3] =	sbarrier.arrive $0xFFFF;
	s2 =	simm.s32 @!p0 $0x1C04  }
0x3f: {  	[timem:s3], [sflag:s2] =	dma.local @!p0 [hbm:s0], s1  }
0x40: {  	s0 =	simm.s32 @!p0 $0x4  }
0x41: {  	_ =	swait.ge @!p0 [sflag:s0], s1  }
0x42: {  	s1 =	ssub.s32 @!p0 $0x0, s1;
	[sflag:s0] =	ssyncset.done @!p0 $0x0  }
0x43: {  	[sflag:s0] =	ssyncadd.s32 @!p0 s1  }
0x44: {  	[bflag:$0x3] =	sbarrier.arrive $0xFFFF  }
0x45: {  	_ =	shalt  }

// kernel: sparse-core-data-format-call.cloned.1.call-start
scs
called_computation_lowered:
.L_overlay_start_0:
0x0: {  	s2 =	sld [smem:$0x3FD9]  }
0x1: {  	s3 =	sld [smem:$0x3FFE];
	_ =	sdelay $0x1  }
0x2: {  	s1 =	srdreg.scid  }
0x3: {  	s0 =	sand.u32 $0x1, s1  }
0x4: {  	s18 =	sshll.u32 s0, $0xA;
	s2 =	sadd.s32 s3, s2  }
0x5: {  	s2 =	sadd.s32 s2, s18  }
0x6: {  	[smem:$0x3FC5] =	sst s2  }
0x7: {  	_ = 	snop  }
0x8: {  	s2 =	sld [smem:$0x3FD0];
	(tm) =	ssettm $0x1  }
0x9: {  	s19 =	sld [smem:$0x3FFB];
	_ =	sdelay $0x3  }
0xa: {  	_ =	strace s19  }
0xb: {  	s3 =	sld [smem:$0x3FFC];
	_ =	sdelay $0x3  }
0xc: {  	_ =	strace s3  }
0xd: {  	s3 =	sld [smem:$0x3FFD];
	_ =	sdelay $0x3  }
0xe: {  	_ =	strace s3  }
0xf: {  	_ =	strace $0x8FFFFFFF  }
0x10: {  	s20 =	sld [smem:$0x3FDB];
	_ =	sdelay $0x1  }
0x11: {  	s4 =	simm.s32 $_scs_section_size  }
0x12: {  	s5 =	simm.s32 $_size__tile_overlayer_lowered;
	s6 =	simm.s32 $_tile_overlayer_lowered  }
0x13: {  	s23 =	simm.s32 $0x1BFF;
	s22 =	sshll.u32 s6, $0x1;
	s3 =	sadd.s32 s4, s20  }
0x14: {  	s7 =	simm.s32 $0x0;
	s21 =	sshll.u32 s5, $0x1;
	s5 =	sadd.s32 s22, s3  }
0x15: {  	[timem:s7], [sflag:s23] =	dma.local [hbm:s5], s21  }
0x16: {  	_ =	swait.ge [sflag:s23], s21  }
0x17: {  	s4 =	ssub.s32 $0x0, s21;
	[sflag:s23] =	ssyncset.done $0x0  }
0x18: {  	[sflag:s23] =	ssyncadd.s32 s4;
	_ =	sdelay $0x1  }
0x19: {  	s24 =	simm.s32 $0x1B8B  }
0x1a: {  	_ =	swait.ge [sflag:s24], $0x1  }
0x1b: {  	[sflag:s24] =	ssyncset.done $0x0  }
0x1c: {  	s26 =	simm.s32 $0x1B8E;
	s25 =	sld [smem:$0x3FFE];
	[sflag:s24] =	ssyncadd.s32 $0xFFFFFFFF  }
0x1d: {  	s27 =	simm.s32 $execute0_lowered;
	[smem:$0x3FD2] =	sst s26  }
0x1e: {  	s5 =	sshll.u32 s27, $0x1;
	_ =	strace $0x8000004C;
	[dreg:$0x1] =	wrdreg $0xFFFFFFFF  }
0x1f: {  	s28 =	simm.s32 $_size_execute0_lowered;
	s3 =	sadd.s32 s3, s5;
	[dreg:$0x0] =	wrdreg $0x0  }
0x20: {  	s5 =	sshll.u32 s28, $0x1;
	[dreg:$0x2] =	wrdreg s3  }
0x21: {  	[dreg:$0x3] =	wrdreg s5  }
0x22: {  	[dreg:$0x4] =	wrdreg $0xC0  }
0x23: {  	_ =	task [dreg:s7], $0x5FFFF  }
0x24: {  	[dreg:$0x1] =	wrdreg $0xFFFFFFFF  }
0x25: {  	[dreg:$0x0] =	wrdreg $0x60  }
0x26: {  	[dreg:$0x2] =	wrdreg s25  }
0x27: {  	[dreg:$0x3] =	wrdreg s2  }
0x28: {  	[dreg:$0x4] =	wrdreg $0x9  }
0x29: {  	_ =	task.clear_ibuf [dreg:s7], $0x5FFFF;
	_ =	strace $0x9000004C  }
0x2a: {  	s29 =	simm.s32 $0x9;
	_ =	strace $0x8000004E  }
0x2b: {  	_ =	swait.ge [sflag:s29], $0x1  }
0x2c: {  	[sflag:s29] =	ssyncadd.s32 $0xFFFFFFFF  }
0x2d: {  	_ =	strace $0x9000004E  }
0x2e: {  	_ =	sfence  }
0x2f: {  	s30 =	sld [smem:$0x0];
	_ =	sdelay $0x2  }
0x30: {  	s31 =	sshll.u32 s1, $0xD;
	s1 =	sshrl.u32 s1, $0x2  }
0x31: {  	s3 =	sand.u32 $0x4000, s31;
	s1 =	sadd.s32 s1, s30  }
0x32: {  	s0 =	sor.u32 s3, s0;
	s1 =	sshll.u32 s1, $0x11  }
0x33: {  	s0 =	sor.u32 s1, s0  }
0x34: {  	s0 =	sadd.s32 $0x8F2B, s0  }
0x35: {  	[sflag:s0] =	ssyncadd.remote.s32 $0x1  }
0x36: {  	_ =	sfence.sel $0xFFFF  }
0x37: {  	[dreg:$0x0] =	wrdreg $0xFFFFFFFF;
	(pc) =	sbr.abs _section_cstart, $3  }
0x38: {  	[dreg:$0x1] =	wrdreg $0xFFFFFFFF  }
0x39: {  	_ =	task.clear_ibuf [dreg:s7], $0x2FFFF;
	_ =	strace $0x9FFFFFFF  }
0x3a: {  	(tm) =	ssettm $0x7FFFFFFF  }
0x3b: {  	_ =	shalt  }
tec
execute0_lowered:
.L_overlay_start_1:
0x0: {  	(tag) =	ssettag $0x1  }
0x1: {  	s0 =	srdreg.scid  }
0x2: {  	s1 =	sshll.u32 s0, $0x4  }
0x3: {  	s0 =	stileid.u32;
	s1 =	sand.u32 $0x10, s1  }
0x4: {  	s1 =	sor.u32 s0, s1  }
0x5: {  	s6 =	rddreg [dreg:$0x0];
	s4 =	simm.s32 $0x1;
	s2 =	sshll.u32 s1, $0x7  }
0x6: {  	s7 =	simm.s32 $0x2;
	s12 =	simm.s32 $0x0;
	s1 =	ssub.s32 $0x1000, s2  }
0x7: {  	s8 =	simm.s32 $0x8000;
	s13 =	simm.s32 $0x0;
	s3 =	sand.u32 $0xF80, s1  }
0x8: {  	s9 =	simm.s32 $0x0;
	s5 =	sshrl.u32 s1, $0xC;
	p0 =	sne.s32 s3, $0x0  }
.Ltmp0:
0x9: {  	s1 =	rddreg [dreg:$0x2];
	s4 =	simm.s32 @!p0 $0x0;
	(pc) =	sbr.rel .LBB1_1-.Ltmp0, $4  }
0xa: {  	s11 =	simm.s32 $0x0;
	s3 =	rddreg [dreg:$0x1];
	s5 =	sadd.s32 s4, s5  }
0xb: {  	_ =	strace $0x8000004D;
	s4 =	simm.s32 $0x1;
	s5 =	smul.u32 $0xC8, s5  }
0xc: {  	s6 =	sadd.s32 $0x7A2000, s6;
	s10 =	smov.u32 s2;
	[sflag:s4] =	ssyncpa.u1 $0x0  }
0xd: {  	p0 =	por $0x0, $0x0;
	[sflag:s7] =	ssyncpa.u1 $0x0;
	s7 =	sor.u32 $0x1, s5  }
.LBB1_4:
0xe: {  	s16 =	sshll.u32 s13, $0x3;
	s17 =	sand.u32 $0x78, s13  }
0xf: {  	s30 =	sand.u32 $0x7E00, s13;
	s12 =	sshll.u32 s12, $0xF;
	s16 =	sand.u32 $0xC00, s16  }
0x10: {  	[tilespmem:s15+$0x810 ss:$0x81] =	vst.msk $0xffff, v2;
	s31 =	sand.u32 $0x7, s13;
	s16 =	sor.u32 s17, s16;
	s17 =	sadd.s32 s3, s30  }
0x11: {  	[tilespmem:s15+$0x1020 ss:$0x81] =	vst.msk $0xffff, v0;
	s13 =	sshll.u32 s31, $0x12;
	s12 =	sadd.s32 s12, s17;
	s16 =	sshrl.u32 s16, $0x3  }
0x12: {  	[tilespmem:s15+$0x0 ss:$0x81] =	vst.msk $0xffff, v1;
	s13 =	sor.u32 $0x400, s13;
	s12 =	sadd.s32 s16, s12  }
0x13: {  	[hbm4b:s12+s13] =	stream.strided.scatter [tilespmem:s14], [sflag:$0x2], $0x2000, s8, s13, $0x20;
	[tilespmem:$0x8080] =	vst v63  }
.LBB1_5:
0x14: {  	s14 =	sadd.s32 $0x1, s9  }
0x15: {  	s12 =	sadd.s32 $0x1000, s10;
	s16 =	smov.u32 s10;
	p2 =	sgt.s32 s14, $0xC7  }
0x16: {  	s16 =	smov.u32 @p2 s12  }
0x17: {  	s14 =	simm.s32 @p2 $0x0;
	p2 =	sgt.s32 s16, $0xFFF  }
0x18: {  	s16 =	smov.u32 @p2 s2;
	p2 =	sne.s32 s11, s7  }
.Ltmp1:
0x19: {  	p1 =	slt.u32 s11, $0x2;
	(pc) =	sbr.rel @!p2 .LBB1_6-.Ltmp1, $4  }
0x1a: {  	s15 =	simm.s32 @!p1 $0x2  }
0x1b: {  	s13 =	smov.u32 s10;
	p0 =	por !p0, !p0;
	_ =	swait.ge @!p1 [sflag:s15], $0x2000  }
0x1c: {  	s12 =	smov.u32 s9;
	[sflag:s15] =	ssyncset.done @!p1 $0x0;
	s9 =	smov.u32 s14  }
0x1d: {  	s11 =	sadd.s32 $0x1, s11;
	[sflag:s15] =	ssyncadd.s32 @!p1 $0xFFFFE000;
	s10 =	smov.u32 s16  }
.LBB1_1:
0x1e: {  	p1 =	sge.u32 s11, s5  }
0x1f: {  	s14 =	sand.u32 @!p1 $0x1FFFFFF, s9  }
0x20: {  	s15 =	smulhi.u32 @!p1 $0x147AE15, s14;
	_ =	sdelay $0x1  }
0x21: {  	s15 =	smul.u32 @!p1 $0xC8, s15  }
0x22: {  	s16 =	sxor.u32 @!p1 $0xFFFFFFFF, s11;
	s17 =	smul.u32 @!p1 $0xC80, s10  }
0x23: {  	s31 =	sadd.s32 $0xFFFFFFFF, s11;
	s16 =	sshll.u32 @!p1 s16, $0xD;
	s14 =	ssub.s32 @!p1 s14, s15  }
0x24: {  	s15 =	sand.u32 @!p1 $0x2000, s16;
	s16 =	sadd.s32 @!p1 s6, s17;
	s14 =	sshll.u32 @!p1 s14, $0x4  }
0x25: {  	s17 =	simm.s32 @!p1 $0x6400;
	s14 =	sadd.s32 @!p1 s14, s16;
	s16 =	simm.s32 @!p1 $0x40  }
0x26: {  	[tilespmem:s15], [sflag:$0x1] =	stream.strided.gather @!p1 [hbm4b:s14+s16], $0x2000, s17, s16, $0x38;
	[tilespmem:$0x8080] =	vst v63  }
0x27: {  	p1 =	sge.u32 s31, s5  }
.Ltmp2:
0x28: {  	_ = 	snop;
	(pc) =	sbr.rel @p1 .LBB1_5-.Ltmp2, $1  }
0x29: {  	_ =	sdelay $0x3  }
0x2a: {  	s14 =	simm.s32 $0x1  }
0x2b: {  	_ =	swait.ge [sflag:s4], $0x2000;
	s14 =	simm.s32 @!p0 $0x0  }
0x2c: {  	[sflag:s4] =	ssyncset.done $0x0;
	s15 =	sshll.u32 s14, $0xD  }
0x2d: {  	[sflag:s4] =	ssyncadd.s32 $0xFFFFE000;
	s18 =	sor.u32 $0x20, s15  }
0x2e: {  	s14 =	smul.u32 $0x8100, s14;
	v3 =	vld [tilespmem:s18+$0x10]  }
0x2f: {  	s30 =	sand.u32 $0x1, s11;
	v2 =	vld [tilespmem:s18+$0xFFFFFFF0]  }
0x30: {  	s15 =	smul.u32 $0x8100, s30;
	s14 =	sshrl.u32 s14, $0x2;
	v0 =	vld [tilespmem:s18+$0x0]  }
0x31: {  	v1 =	vld [tilespmem:s18+$0xFFFFFFE0];
	s16 =	sor.u32 $0x4000, s14  }
0x32: {  	s31 =	sshrl.u32 s15, $0x2;
	s15 =	sadd.s32 $0x0, s16  }
0x33: {  	s17 =	simm.s32 $0x4;
	s18 =	sadd.s32 $0x40, s18;
	s14 =	sor.u32 $0x4000, s31;
	[tilespmem:s15+$0x1830 ss:$0x81] =	vst.msk $0xffff, v3  }
.LBB1_3:
0x34: {  	v3 =	vld [tilespmem:s18+$0x10];
	p1 =	sne.s32 s17, $0x1FC;
	[tilespmem:s15+$0x810 ss:$0x81] =	vst.msk $0xffff, v2;
	s19 =	smov.u32 s17;
	s17 =	sadd.s32 $0x4, s17  }
.Ltmp3:
0x35: {  	v2 =	vld [tilespmem:s18+$0xFFFFFFF0];
	[tilespmem:s15+$0x1020 ss:$0x81] =	vst.msk $0xffff, v0;
	(pc) =	sbr.rel @p1 .LBB1_3-.Ltmp3, $4  }
0x36: {  	v0 =	vld [tilespmem:s18+$0x0];
	[tilespmem:s15+$0x0 ss:$0x81] =	vst.msk $0xffff, v1  }
0x37: {  	s15 =	sshra.s32 s19, $0x2;
	v1 =	vld [tilespmem:s18+$0xFFFFFFE0]  }
0x38: {  	s15 =	sadd.s32 s15, s16  }
0x39: {  	s18 =	sadd.s32 $0x40, s18;
	[tilespmem:s15+$0x1830 ss:$0x81] =	vst.msk $0xffff, v3  }
.Ltmp4:
0x3a: {  	_ = 	snop;
	(pc) =	sbr.rel .LBB1_4-.Ltmp4, $1  }
0x3b: {  	_ =	sdelay $0x3  }
.LBB1_6:
0x3c: {  	_ =	sfence.sel $0x180000  }
0x3d: {  	s2 =	simm.s32 $0x1;
	[bflag:$0x0] =	sbarrier.arrive $0xFFFF  }
0x3e: {  	s31 =	simm.s32 $0x2;
	[sflag:s2] =	ssyncpa.u1 $0x1  }
0x3f: {  	[sflag:s31] =	ssyncpa.u1 $0x1  }
0x40: {  	p0 =	sne.s32 s0, $0x0;
	_ =	strace $0x9000004D  }
0x41: {  	s0 =	sadd.s32 @!p0 $0x100000, s1;
	[bflag:$0x2] =	sbarrier.arrive $0xFFFF  }
0x42: {  	[sflag:s0] =	ssyncadd.tile.s32 @!p0 $0x1;
	_ =	shalt  }
.Lfunc_end1:
_tile_overlayer_lowered:
.L_overlay_start_2:
0x43: {  	(tag) =	ssettag $0x2  }
0x44: {  	s0 =	rddreg [dreg:$0x0];
	s2 =	stileid.u32  }
0x45: {  	s1 =	rddreg [dreg:$0x1];
	p0 =	sne.s32 s2, $0x0  }
0x46: {  	s3 =	rddreg [dreg:$0x2];
	[bflag:$0x3] =	sbarrier.arrive $0xFFFF;
	s2 =	simm.s32 @!p0 $0x1C01  }
0x47: {  	[timem:s3], [sflag:s2] =	dma.local @!p0 [hbm:s0], s1  }
0x48: {  	s0 =	simm.s32 @!p0 $0x1  }
0x49: {  	_ =	swait.ge @!p0 [sflag:s0], s1  }
0x4a: {  	s1 =	ssub.s32 @!p0 $0x0, s1;
	[sflag:s0] =	ssyncset.done @!p0 $0x0  }
0x4b: {  	[sflag:s0] =	ssyncadd.s32 @!p0 s1  }
0x4c: {  	[bflag:$0x3] =	sbarrier.arrive $0xFFFF  }
0x4d: {  	_ =	shalt  }

</sc_bundles>
